<compile_context>
chip_gen: v7x
topology: tpu7x:2x2x1
jax: 0.10.2.dev20260603
libtpu: 0.0.44.dev20260713+nightly
codegen_flags: <defaults>
</compile_context>

<pallas_src>
import jax
import jax.numpy as jnp
from jax import lax
from jax.experimental import pallas as pl
from jax.experimental.pallas import tpu as pltpu
from jax.experimental.pallas import tpu_sc as plsc

N = 10000
E = 160000
NPAD = 10240
NC, NS = 2, 16
NW = NC * NS
K = 128
CHUNKS = (E + NW * K - 1) // (NW * K)
EPW = K * CHUNKS
EPAD = NW * EPW
RPT = NPAD // NS

_MESH = plsc.VectorSubcoreMesh(core_axis_name="c", subcore_axis_name="s")


G = 10
GROUPS = CHUNKS // G


def _deg_body(dst_hbm, zeros_hbm, ones_hbm, out_hbm, didx_all, ones_v, sem, accum):
    c = lax.axis_index("c")
    s = lax.axis_index("s")
    wid = c * NS + s
    pltpu.sync_copy(zeros_hbm.at[pl.ds(s * RPT, RPT)], accum.at[pl.ds(s * RPT, RPT)])
    pltpu.sync_copy(ones_hbm, ones_v)
    pltpu.sync_copy(dst_hbm.at[wid, pl.ds(0, CHUNKS)], didx_all)
    plsc.subcore_barrier()

    def step(i, carry):
        g0 = i * G
        descs = [
            pltpu.async_copy(ones_v, accum.at[didx_all.at[g0 + j]], sem, add=True)
            for j in range(G)
        ]
        for dsc in descs:
            dsc.wait()
        return carry

    lax.fori_loop(0, GROUPS, step, 0)
    plsc.subcore_barrier()
    pltpu.sync_copy(accum.at[pl.ds(s * RPT, RPT)], out_hbm.at[c, pl.ds(s * RPT, RPT)])


_deg_kernel = pl.kernel(
    _deg_body,
    out_type=jax.ShapeDtypeStruct((NC, NPAD), jnp.float32),
    mesh=_MESH,
    compiler_params=pltpu.CompilerParams(use_tc_tiling_on_sc=False),
    scratch_types=[
        pltpu.VMEM((CHUNKS, K), jnp.int32),
        pltpu.VMEM((K,), jnp.float32),
        pltpu.SemaphoreType.DMA,
        pltpu.VMEM_SHARED((NPAD,), jnp.float32),
    ],
)


RPS = N // NS


PADG = 10


def _make_aggr(d, grp):
    assert CHUNKS % (2 * grp) == 0 and grp <= PADG
    pairs = CHUNKS // (2 * grp)
    cha = CHUNKS + grp

    def body(xs_hbm, src_hbm, dst_hbm, zeros_hbm, out_hbm,
             sidx_all, didx_all, rows_a, rows_b,
             gsem_a, gsem_b, ssem_a, ssem_b, accum, table):
        c = lax.axis_index("c")
        s = lax.axis_index("s")
        wid = c * NS + s
        pltpu.sync_copy(zeros_hbm.at[pl.ds(s * RPT, RPT)], accum.at[pl.ds(s * RPT, RPT)])
        pltpu.sync_copy(xs_hbm.at[pl.ds(s * RPS, RPS)], table.at[pl.ds(s * RPS, RPS)])
        pltpu.sync_copy(src_hbm.at[wid, pl.ds(0, cha)], sidx_all)
        pltpu.sync_copy(dst_hbm.at[wid, pl.ds(0, cha)], didx_all)
        plsc.subcore_barrier()

        def fire_g(g0, bufs, sem):
            for j in range(grp):
                pltpu.async_copy(table.at[sidx_all.at[g0 + j]], bufs.at[j], sem)

        def drain_g(bufs, sem):
            for j in range(grp):
                pltpu.make_async_copy(table.at[sidx_all.at[j]], bufs.at[j], sem).wait()

        def fire_s(g0, bufs, sem):
            for j in range(grp):
                pltpu.async_copy(bufs.at[j], accum.at[didx_all.at[g0 + j]], sem, add=True)

        def drain_s(bufs, sem):
            for j in range(grp):
                pltpu.make_async_copy(bufs.at[j], accum.at[didx_all.at[j]], sem).wait()

        fire_g(0, rows_a, gsem_a)

        def step(i, carry):
            g = 2 * grp * i
            drain_g(rows_a, gsem_a)
            fire_g(g + grp, rows_b, gsem_b)
            fire_s(g, rows_a, ssem_a)
            drain_g(rows_b, gsem_b)
            fire_s(g + grp, rows_b, ssem_b)
            drain_s(rows_a, ssem_a)
            fire_g(g + 2 * grp, rows_a, gsem_a)
            drain_s(rows_b, ssem_b)
            return carry

        lax.fori_loop(0, pairs, step, 0)
        drain_g(rows_a, gsem_a)
        plsc.subcore_barrier()
        pltpu.sync_copy(accum.at[pl.ds(s * RPT, RPT)], out_hbm.at[c, pl.ds(s * RPT, RPT)])

    return pl.kernel(
        body,
        out_type=jax.ShapeDtypeStruct((NC, NPAD, d), jnp.float32),
        mesh=_MESH,
        compiler_params=pltpu.CompilerParams(use_tc_tiling_on_sc=False),
        scratch_types=[
            pltpu.VMEM((cha, K), jnp.int32),
            pltpu.VMEM((cha, K), jnp.int32),
            pltpu.VMEM((grp, K, d), jnp.float32),
            pltpu.VMEM((grp, K, d), jnp.float32),
            pltpu.SemaphoreType.DMA,
            pltpu.SemaphoreType.DMA,
            pltpu.SemaphoreType.DMA,
            pltpu.SemaphoreType.DMA,
            pltpu.VMEM_SHARED((NPAD, d), jnp.float32),
            pltpu.VMEM_SHARED((N, d), jnp.float32),
        ],
    )


_aggr64 = _make_aggr(64, 2)
_aggr16 = _make_aggr(16, 4)

BM = 2000


def _dinv(dp_ref):
    deg = dp_ref[0] + dp_ref[1] + 1.0
    return lax.rsqrt(deg)


def _mm1_body(x_ref, w_ref, dp_ref, o_ref):
    y = jnp.dot(x_ref[...], w_ref[...], preferred_element_type=jnp.float32)
    o_ref[...] = y * _dinv(dp_ref)


def _mid_body(p_ref, xs_ref, dp_ref, b1_ref, w2_ref, o_ref):
    dinv = _dinv(dp_ref)
    aggr = p_ref[0] + p_ref[1] + xs_ref[...]
    h = jnp.maximum(aggr * dinv + b1_ref[...], 0.0)
    o_ref[...] = jnp.dot(h, w2_ref[...], preferred_element_type=jnp.float32) * dinv


def _fin_body(q_ref, xs2_ref, dp_ref, b2_ref, o_ref):
    dinv = _dinv(dp_ref)
    o_ref[...] = (q_ref[0] + q_ref[1] + xs2_ref[...]) * dinv + b2_ref[...]


def kernel(embeds, edge_index, W1, b1, W2, b2):
    ei = edge_index.astype(jnp.int32)
    pad = EPAD - E
    src = jnp.concatenate([ei[0], jnp.zeros((pad,), jnp.int32)]).reshape(NW, CHUNKS, K)
    dst = jnp.concatenate([ei[1], jnp.full((pad,), N, jnp.int32)]).reshape(NW, CHUNKS, K)
    src = jnp.concatenate([src, jnp.zeros((NW, PADG, K), jnp.int32)], axis=1)
    dst = jnp.concatenate([dst, jnp.full((NW, PADG, K), N, jnp.int32)], axis=1)

    W1p = jnp.pad(W1, ((0, 0), (0, 64 - W1.shape[1])))
    b1p = jnp.pad(b1, (0, 64 - b1.shape[0])).reshape(1, 64)
    W2p = jnp.pad(W2, ((0, 64 - W2.shape[0]), (0, 16 - W2.shape[1])))
    b2p = jnp.pad(b2, (0, 16 - b2.shape[0])).reshape(1, 16)

    zeros64 = jnp.zeros((NPAD, 64), jnp.float32)
    zeros16 = jnp.zeros((NPAD, 16), jnp.float32)
    zeros1 = jnp.zeros((NPAD,), jnp.float32)
    ones_k = jnp.ones((K,), jnp.float32)

    degp = _deg_kernel(dst, zeros1, ones_k)
    degp3 = degp.reshape(2, NPAD, 1)

    xs1 = pl.pallas_call(
        _mm1_body,
        grid=(N // BM,),
        in_specs=[
            pl.BlockSpec((BM, 256), lambda i: (i, 0)),
            pl.BlockSpec((256, 64), lambda i: (0, 0)),
            pl.BlockSpec((2, BM, 1), lambda i: (0, i, 0)),
        ],
        out_specs=pl.BlockSpec((BM, 64), lambda i: (i, 0)),
        out_shape=jax.ShapeDtypeStruct((N, 64), jnp.float32),
    )(embeds, W1p, degp3)

    p1 = _aggr64(xs1, src, dst, zeros64)

    xs2 = pl.pallas_call(
        _mid_body,
        grid=(N // BM,),
        in_specs=[
            pl.BlockSpec((2, BM, 64), lambda i: (0, i, 0)),
            pl.BlockSpec((BM, 64), lambda i: (i, 0)),
            pl.BlockSpec((2, BM, 1), lambda i: (0, i, 0)),
            pl.BlockSpec((1, 64), lambda i: (0, 0)),
            pl.BlockSpec((64, 16), lambda i: (0, 0)),
        ],
        out_specs=pl.BlockSpec((BM, 16), lambda i: (i, 0)),
        out_shape=jax.ShapeDtypeStruct((N, 16), jnp.float32),
    )(p1, xs1, degp3, b1p, W2p)

    q1 = _aggr16(xs2, src, dst, zeros16)

    out = pl.pallas_call(
        _fin_body,
        grid=(N // BM,),
        in_specs=[
            pl.BlockSpec((2, BM, 16), lambda i: (0, i, 0)),
            pl.BlockSpec((BM, 16), lambda i: (i, 0)),
            pl.BlockSpec((2, BM, 1), lambda i: (0, i, 0)),
            pl.BlockSpec((1, 16), lambda i: (0, 0)),
        ],
        out_specs=pl.BlockSpec((BM, 16), lambda i: (i, 0)),
        out_shape=jax.ShapeDtypeStruct((N, 16), jnp.float32),
    )(q1, xs2, degp3, b2p)

    return out[:, :15]

# --- scband reference (transcript-rebuilt; emitter-appended) ---
"""Pipeline reference for scband-gcn-26809185861689 (READ-ONLY COPY).

The authoritative reference and input builder live on the scoring server;
editing this copy changes nothing except your own understanding.
"""

import jax, jax.numpy as jnp
import numpy as np

N_NODES = 10000
IN_FEATS = 256
HIDDEN = 60
N_CLASSES = 15


def setup_inputs(seed: int = 0) -> dict:
    key = jax.random.key(seed)
    k1, k2, k3, k4, k5, k6 = jax.random.split(key, 6)
    embeds = jax.random.normal(k1, (N_NODES, IN_FEATS), dtype=jnp.float32)
    edge_index = jax.random.randint(k2, (2, 160000), 0, N_NODES, dtype=jnp.int64)
    # GCNConv weights (glorot) and biases (zeros), matching PyG defaults
    s1 = jnp.sqrt(6.0 / (IN_FEATS + HIDDEN))
    W1 = jax.random.uniform(k3, (IN_FEATS, HIDDEN), dtype=jnp.float32, minval=-s1, maxval=s1)
    b1 = jnp.zeros((HIDDEN,), dtype=jnp.float32)
    s2 = jnp.sqrt(6.0 / (HIDDEN + N_CLASSES))
    W2 = jax.random.uniform(k4, (HIDDEN, N_CLASSES), dtype=jnp.float32, minval=-s2, maxval=s2)
    b2 = jnp.zeros((N_CLASSES,), dtype=jnp.float32)
    return {"embeds": embeds, "edge_index": edge_index, "W1": W1, "b1": b1, "W2": W2, "b2": b2}


def _gcn_conv(x, src, dst, W, b, num_nodes):
    # x' = D^{-1/2} (A + I) D^{-1/2} (x W) + b  (PyG GCNConv with self-loops)
    x = x @ W
    deg = jnp.zeros((num_nodes,), dtype=x.dtype).at[dst].add(1.0)
    deg_inv_sqrt = jnp.where(deg > 0, deg ** -0.5, 0.0)
    norm = deg_inv_sqrt[src] * deg_inv_sqrt[dst]
    msg = x[src] * norm[:, None]
    out = jnp.zeros((num_nodes, x.shape[1]), dtype=x.dtype).at[dst].add(msg)
    return out + b


def reference(embeds, edge_index, W1, b1, W2, b2):
    num_nodes = embeds.shape[0]
    loop = jnp.arange(num_nodes, dtype=edge_index.dtype)
    src = jnp.concatenate([edge_index[0], loop])
    dst = jnp.concatenate([edge_index[1], loop])
    x = _gcn_conv(embeds, src, dst, W1, b1, num_nodes)
    x = jax.nn.relu(x)
    # dropout p=0.5 is identity in eval mode (training=False)
    x = _gcn_conv(x, src, dst, W2, b2, num_nodes)
    return x

if __name__ == "__main__":
    import jax
    _d = setup_inputs()
    print(jax.jit(kernel)(*tuple(_d.values())))

</pallas_src>

<mosaic_0001>
#map = affine_map<(d0, d1) -> (0, 0, 0)>
#map1 = affine_map<(d0, d1) -> (0)>
#map2 = affine_map<(d0, d1) -> (0, 0)>
module attributes {stable_mosaic.version = 14 : i64} {
  func.func @_deg_body(%arg0: i32, %arg1: i32, %arg2: memref<32x50x128xi32, #tpu.memory_space<hbm>>, %arg3: memref<10240xf32, #tpu.memory_space<hbm>>, %arg4: memref<128xf32, #tpu.memory_space<hbm>>, %arg5: memref<2x10240xf32, #tpu.memory_space<hbm>>, %arg6: memref<40x128xi32, #tpu.memory_space<vmem>>, %arg7: memref<128xf32, #tpu.memory_space<vmem>>, %arg8: memref<!tpu.dma_semaphore, #tpu.memory_space<semaphore_mem>>, %arg9: memref<10240xf32, #tpu.memory_space<vmem_shared>>) attributes {dimension_semantics = [#tpu.dimension_semantics<core_parallel>, #tpu.dimension_semantics<subcore_parallel>], iteration_bounds = array<i64: 2, 16>, scalar_prefetch = 0 : i64, scratch_operands = 4 : i64, tpu.core_type = #tpu.core_type<sc_vector_subcore>, window_params = [{transform_indices = #map}, {transform_indices = #map1}, {transform_indices = #map1}, {transform_indices = #map2}]} {
    %mul3A = arith.constant 16 : i32
    %mul3A_0 = arith.muli %arg0, %mul3A : i32
    %add3A = arith.addi %mul3A_0, %arg1 : i32
    %mul3A_1 = arith.constant 640 : i32
    %mul3A_2 = arith.muli %arg1, %mul3A_1 : i32
    %mul3A_3 = arith.constant 640 : i32
    %mul3A_4 = arith.muli %arg1, %mul3A_3 : i32
    "tpu.region"() ({
      %run_scoped3A = tpu.sem_alloc : memref<!tpu.dma_semaphore, #tpu.memory_space<semaphore_mem>>
      %dma_start3A = tpu.memref_slice %arg9[%mul3A_4] : memref<10240xf32, #tpu.memory_space<vmem_shared>> -> memref<640xf32, #tpu.memory_space<vmem_shared>>
      %dma_start3A_15 = tpu.memref_slice %arg3[%mul3A_2] : memref<10240xf32, #tpu.memory_space<hbm>> -> memref<640xf32, #tpu.memory_space<hbm>>
      tpu.enqueue_dma source(%dma_start3A_15 : memref<640xf32, #tpu.memory_space<hbm>>) target(%dma_start3A : memref<640xf32, #tpu.memory_space<vmem_shared>>) target_semaphore(%run_scoped3A : memref<!tpu.dma_semaphore, #tpu.memory_space<semaphore_mem>>)
      %dma_wait3A = tpu.memref_slice %arg9[%mul3A_4] : memref<10240xf32, #tpu.memory_space<vmem_shared>> -> memref<640xf32, #tpu.memory_space<vmem_shared>>
      %dma_wait3A_16 = tpu.memref_slice %arg3[%mul3A_2] : memref<10240xf32, #tpu.memory_space<hbm>> -> memref<640xf32, #tpu.memory_space<hbm>>
      tpu.wait_dma2 semaphore(%run_scoped3A : memref<!tpu.dma_semaphore, #tpu.memory_space<semaphore_mem>>) src(%dma_wait3A_16 : memref<640xf32, #tpu.memory_space<hbm>>) dst(%dma_wait3A : memref<640xf32, #tpu.memory_space<vmem_shared>>)
      tpu.yield
    }) : () -> ()
    "tpu.region"() ({
      %run_scoped3A = tpu.sem_alloc : memref<!tpu.dma_semaphore, #tpu.memory_space<semaphore_mem>>
      tpu.enqueue_dma source(%arg4 : memref<128xf32, #tpu.memory_space<hbm>>) target(%arg7 : memref<128xf32, #tpu.memory_space<vmem>>) target_semaphore(%run_scoped3A : memref<!tpu.dma_semaphore, #tpu.memory_space<semaphore_mem>>)
      tpu.wait_dma2 semaphore(%run_scoped3A : memref<!tpu.dma_semaphore, #tpu.memory_space<semaphore_mem>>) src(%arg4 : memref<128xf32, #tpu.memory_space<hbm>>) dst(%arg7 : memref<128xf32, #tpu.memory_space<vmem>>)
      tpu.yield
    }) : () -> ()
    "tpu.region"() ({
      %run_scoped3A = tpu.sem_alloc : memref<!tpu.dma_semaphore, #tpu.memory_space<semaphore_mem>>
      %dma_start3A = arith.constant 0 : i32
      %dma_start3A_15 = arith.constant 0 : i32
      %dma_start3A_16 = tpu.memref_slice %arg2[%add3A, %dma_start3A, %dma_start3A_15] : memref<32x50x128xi32, #tpu.memory_space<hbm>> -> memref<1x40x128xi32, #tpu.memory_space<hbm>>
      %dma_start3A_17 = tpu.memref_squeeze %dma_start3A_16 : memref<1x40x128xi32, #tpu.memory_space<hbm>> -> memref<40x128xi32, #tpu.memory_space<hbm>>
      %dma_start3A_18 = arith.constant 0 : i32
      %dma_start3A_19 = arith.constant 0 : i32
      %dma_start3A_20 = tpu.memref_slice %arg2[%add3A, %dma_start3A_18, %dma_start3A_19] : memref<32x50x128xi32, #tpu.memory_space<hbm>> -> memref<1x40x128xi32, #tpu.memory_space<hbm>>
      %dma_start3A_21 = tpu.memref_squeeze %dma_start3A_20 : memref<1x40x128xi32, #tpu.memory_space<hbm>> -> memref<40x128xi32, #tpu.memory_space<hbm>>
      tpu.enqueue_dma source(%dma_start3A_21 : memref<40x128xi32, #tpu.memory_space<hbm>>) target(%arg6 : memref<40x128xi32, #tpu.memory_space<vmem>>) target_semaphore(%run_scoped3A : memref<!tpu.dma_semaphore, #tpu.memory_space<semaphore_mem>>)
      %dma_wait3A = arith.constant 0 : i32
      %dma_wait3A_22 = arith.constant 0 : i32
      %dma_wait3A_23 = tpu.memref_slice %arg2[%add3A, %dma_wait3A, %dma_wait3A_22] : memref<32x50x128xi32, #tpu.memory_space<hbm>> -> memref<1x40x128xi32, #tpu.memory_space<hbm>>
      %dma_wait3A_24 = tpu.memref_squeeze %dma_wait3A_23 : memref<1x40x128xi32, #tpu.memory_space<hbm>> -> memref<40x128xi32, #tpu.memory_space<hbm>>
      %dma_wait3A_25 = arith.constant 0 : i32
      %dma_wait3A_26 = arith.constant 0 : i32
      %dma_wait3A_27 = tpu.memref_slice %arg2[%add3A, %dma_wait3A_25, %dma_wait3A_26] : memref<32x50x128xi32, #tpu.memory_space<hbm>> -> memref<1x40x128xi32, #tpu.memory_space<hbm>>
      %dma_wait3A_28 = tpu.memref_squeeze %dma_wait3A_27 : memref<1x40x128xi32, #tpu.memory_space<hbm>> -> memref<40x128xi32, #tpu.memory_space<hbm>>
      tpu.wait_dma2 semaphore(%run_scoped3A : memref<!tpu.dma_semaphore, #tpu.memory_space<semaphore_mem>>) src(%dma_wait3A_28 : memref<40x128xi32, #tpu.memory_space<hbm>>) dst(%arg6 : memref<40x128xi32, #tpu.memory_space<vmem>>)
      tpu.yield
    }) : () -> ()
    %barrier3A = arith.constant 0 : index
    tpu.barrier barrier_id(%barrier3A)
    %scan3A = arith.constant 0 : i32
    %scan3A_5 = arith.constant 0 : i32
    %scan3A_6 = arith.constant 4 : i32
    %scan3A_7 = arith.addi %scan3A_5, %scan3A_6 : i32
    %scan3A_8 = arith.constant 1 : i32
    scf.for %scan3A_15 = %scan3A_5 to %scan3A_7 step %scan3A_8  : i32 {
      %mul3A_16 = arith.constant 10 : i32
      %mul3A_17 = arith.muli %scan3A_15, %mul3A_16 : i32
      %add3A_18 = arith.constant 0 : i32
      %add3A_19 = arith.addi %mul3A_17, %add3A_18 : i32
      %dma_start3A = arith.constant 0 : i32
      %dma_start3A_20 = tpu.memref_slice %arg6[%add3A_19, %dma_start3A] : memref<40x128xi32, #tpu.memory_space<vmem>> -> memref<1x128xi32, #tpu.memory_space<vmem>>
      %dma_start3A_21 = tpu.memref_squeeze %dma_start3A_20 : memref<1x128xi32, #tpu.memory_space<vmem>> -> memref<128xi32, #tpu.memory_space<vmem>>
      %dma_start3A_22 = arith.constant 0 : i32
      %dma_start3A_23 = tpu.memref_slice %arg9[%dma_start3A_22] : memref<10240xf32, #tpu.memory_space<vmem_shared>> -> memref<10240xf32, #tpu.memory_space<vmem_shared>>
      tpu.enqueue_indirect_dma source(%arg7 : memref<128xf32, #tpu.memory_space<vmem>>) target(%dma_start3A_23 : memref<10240xf32, #tpu.memory_space<vmem_shared>>) offsets(%dma_start3A_21 : memref<128xi32, #tpu.memory_space<vmem>>) semaphore(%arg8 : memref<!tpu.dma_semaphore, #tpu.memory_space<semaphore_mem>>) {add = true}
      %add3A_24 = arith.constant 1 : i32
      %add3A_25 = arith.addi %mul3A_17, %add3A_24 : i32
      %dma_start3A_26 = arith.constant 0 : i32
      %dma_start3A_27 = tpu.memref_slice %arg6[%add3A_25, %dma_start3A_26] : memref<40x128xi32, #tpu.memory_space<vmem>> -> memref<1x128xi32, #tpu.memory_space<vmem>>
      %dma_start3A_28 = tpu.memref_squeeze %dma_start3A_27 : memref<1x128xi32, #tpu.memory_space<vmem>> -> memref<128xi32, #tpu.memory_space<vmem>>
      %dma_start3A_29 = arith.constant 0 : i32
      %dma_start3A_30 = tpu.memref_slice %arg9[%dma_start3A_29] : memref<10240xf32, #tpu.memory_space<vmem_shared>> -> memref<10240xf32, #tpu.memory_space<vmem_shared>>
      tpu.enqueue_indirect_dma source(%arg7 : memref<128xf32, #tpu.memory_space<vmem>>) target(%dma_start3A_30 : memref<10240xf32, #tpu.memory_space<vmem_shared>>) offsets(%dma_start3A_28 : memref<128xi32, #tpu.memory_space<vmem>>) semaphore(%arg8 : memref<!tpu.dma_semaphore, #tpu.memory_space<semaphore_mem>>) {add = true}
      %add3A_31 = arith.constant 2 : i32
      %add3A_32 = arith.addi %mul3A_17, %add3A_31 : i32
      %dma_start3A_33 = arith.constant 0 : i32
      %dma_start3A_34 = tpu.memref_slice %arg6[%add3A_32, %dma_start3A_33] : memref<40x128xi32, #tpu.memory_space<vmem>> -> memref<1x128xi32, #tpu.memory_space<vmem>>
      %dma_start3A_35 = tpu.memref_squeeze %dma_start3A_34 : memref<1x128xi32, #tpu.memory_space<vmem>> -> memref<128xi32, #tpu.memory_space<vmem>>
      %dma_start3A_36 = arith.constant 0 : i32
      %dma_start3A_37 = tpu.memref_slice %arg9[%dma_start3A_36] : memref<10240xf32, #tpu.memory_space<vmem_shared>> -> memref<10240xf32, #tpu.memory_space<vmem_shared>>
      tpu.enqueue_indirect_dma source(%arg7 : memref<128xf32, #tpu.memory_space<vmem>>) target(%dma_start3A_37 : memref<10240xf32, #tpu.memory_space<vmem_shared>>) offsets(%dma_start3A_35 : memref<128xi32, #tpu.memory_space<vmem>>) semaphore(%arg8 : memref<!tpu.dma_semaphore, #tpu.memory_space<semaphore_mem>>) {add = true}
      %add3A_38 = arith.constant 3 : i32
      %add3A_39 = arith.addi %mul3A_17, %add3A_38 : i32
      %dma_start3A_40 = arith.constant 0 : i32
      %dma_start3A_41 = tpu.memref_slice %arg6[%add3A_39, %dma_start3A_40] : memref<40x128xi32, #tpu.memory_space<vmem>> -> memref<1x128xi32, #tpu.memory_space<vmem>>
      %dma_start3A_42 = tpu.memref_squeeze %dma_start3A_41 : memref<1x128xi32, #tpu.memory_space<vmem>> -> memref<128xi32, #tpu.memory_space<vmem>>
      %dma_start3A_43 = arith.constant 0 : i32
      %dma_start3A_44 = tpu.memref_slice %arg9[%dma_start3A_43] : memref<10240xf32, #tpu.memory_space<vmem_shared>> -> memref<10240xf32, #tpu.memory_space<vmem_shared>>
      tpu.enqueue_indirect_dma source(%arg7 : memref<128xf32, #tpu.memory_space<vmem>>) target(%dma_start3A_44 : memref<10240xf32, #tpu.memory_space<vmem_shared>>) offsets(%dma_start3A_42 : memref<128xi32, #tpu.memory_space<vmem>>) semaphore(%arg8 : memref<!tpu.dma_semaphore, #tpu.memory_space<semaphore_mem>>) {add = true}
      %add3A_45 = arith.constant 4 : i32
      %add3A_46 = arith.addi %mul3A_17, %add3A_45 : i32
      %dma_start3A_47 = arith.constant 0 : i32
      %dma_start3A_48 = tpu.memref_slice %arg6[%add3A_46, %dma_start3A_47] : memref<40x128xi32, #tpu.memory_space<vmem>> -> memref<1x128xi32, #tpu.memory_space<vmem>>
      %dma_start3A_49 = tpu.memref_squeeze %dma_start3A_48 : memref<1x128xi32, #tpu.memory_space<vmem>> -> memref<128xi32, #tpu.memory_space<vmem>>
      %dma_start3A_50 = arith.constant 0 : i32
      %dma_start3A_51 = tpu.memref_slice %arg9[%dma_start3A_50] : memref<10240xf32, #tpu.memory_space<vmem_shared>> -> memref<10240xf32, #tpu.memory_space<vmem_shared>>
      tpu.enqueue_indirect_dma source(%arg7 : memref<128xf32, #tpu.memory_space<vmem>>) target(%dma_start3A_51 : memref<10240xf32, #tpu.memory_space<vmem_shared>>) offsets(%dma_start3A_49 : memref<128xi32, #tpu.memory_space<vmem>>) semaphore(%arg8 : memref<!tpu.dma_semaphore, #tpu.memory_space<semaphore_mem>>) {add = true}
      %add3A_52 = arith.constant 5 : i32
      %add3A_53 = arith.addi %mul3A_17, %add3A_52 : i32
      %dma_start3A_54 = arith.constant 0 : i32
      %dma_start3A_55 = tpu.memref_slice %arg6[%add3A_53, %dma_start3A_54] : memref<40x128xi32, #tpu.memory_space<vmem>> -> memref<1x128xi32, #tpu.memory_space<vmem>>
      %dma_start3A_56 = tpu.memref_squeeze %dma_start3A_55 : memref<1x128xi32, #tpu.memory_space<vmem>> -> memref<128xi32, #tpu.memory_space<vmem>>
      %dma_start3A_57 = arith.constant 0 : i32
      %dma_start3A_58 = tpu.memref_slice %arg9[%dma_start3A_57] : memref<10240xf32, #tpu.memory_space<vmem_shared>> -> memref<10240xf32, #tpu.memory_space<vmem_shared>>
      tpu.enqueue_indirect_dma source(%arg7 : memref<128xf32, #tpu.memory_space<vmem>>) target(%dma_start3A_58 : memref<10240xf32, #tpu.memory_space<vmem_shared>>) offsets(%dma_start3A_56 : memref<128xi32, #tpu.memory_space<vmem>>) semaphore(%arg8 : memref<!tpu.dma_semaphore, #tpu.memory_space<semaphore_mem>>) {add = true}
      %add3A_59 = arith.constant 6 : i32
      %add3A_60 = arith.addi %mul3A_17, %add3A_59 : i32
      %dma_start3A_61 = arith.constant 0 : i32
      %dma_start3A_62 = tpu.memref_slice %arg6[%add3A_60, %dma_start3A_61] : memref<40x128xi32, #tpu.memory_space<vmem>> -> memref<1x128xi32, #tpu.memory_space<vmem>>
      %dma_start3A_63 = tpu.memref_squeeze %dma_start3A_62 : memref<1x128xi32, #tpu.memory_space<vmem>> -> memref<128xi32, #tpu.memory_space<vmem>>
      %dma_start3A_64 = arith.constant 0 : i32
      %dma_start3A_65 = tpu.memref_slice %arg9[%dma_start3A_64] : memref<10240xf32, #tpu.memory_space<vmem_shared>> -> memref<10240xf32, #tpu.memory_space<vmem_shared>>
      tpu.enqueue_indirect_dma source(%arg7 : memref<128xf32, #tpu.memory_space<vmem>>) target(%dma_start3A_65 : memref<10240xf32, #tpu.memory_space<vmem_shared>>) offsets(%dma_start3A_63 : memref<128xi32, #tpu.memory_space<vmem>>) semaphore(%arg8 : memref<!tpu.dma_semaphore, #tpu.memory_space<semaphore_mem>>) {add = true}
      %add3A_66 = arith.constant 7 : i32
      %add3A_67 = arith.addi %mul3A_17, %add3A_66 : i32
      %dma_start3A_68 = arith.constant 0 : i32
      %dma_start3A_69 = tpu.memref_slice %arg6[%add3A_67, %dma_start3A_68] : memref<40x128xi32, #tpu.memory_space<vmem>> -> memref<1x128xi32, #tpu.memory_space<vmem>>
      %dma_start3A_70 = tpu.memref_squeeze %dma_start3A_69 : memref<1x128xi32, #tpu.memory_space<vmem>> -> memref<128xi32, #tpu.memory_space<vmem>>
      %dma_start3A_71 = arith.constant 0 : i32
      %dma_start3A_72 = tpu.memref_slice %arg9[%dma_start3A_71] : memref<10240xf32, #tpu.memory_space<vmem_shared>> -> memref<10240xf32, #tpu.memory_space<vmem_shared>>
      tpu.enqueue_indirect_dma source(%arg7 : memref<128xf32, #tpu.memory_space<vmem>>) target(%dma_start3A_72 : memref<10240xf32, #tpu.memory_space<vmem_shared>>) offsets(%dma_start3A_70 : memref<128xi32, #tpu.memory_space<vmem>>) semaphore(%arg8 : memref<!tpu.dma_semaphore, #tpu.memory_space<semaphore_mem>>) {add = true}
      %add3A_73 = arith.constant 8 : i32
      %add3A_74 = arith.addi %mul3A_17, %add3A_73 : i32
      %dma_start3A_75 = arith.constant 0 : i32
      %dma_start3A_76 = tpu.memref_slice %arg6[%add3A_74, %dma_start3A_75] : memref<40x128xi32, #tpu.memory_space<vmem>> -> memref<1x128xi32, #tpu.memory_space<vmem>>
      %dma_start3A_77 = tpu.memref_squeeze %dma_start3A_76 : memref<1x128xi32, #tpu.memory_space<vmem>> -> memref<128xi32, #tpu.memory_space<vmem>>
      %dma_start3A_78 = arith.constant 0 : i32
      %dma_start3A_79 = tpu.memref_slice %arg9[%dma_start3A_78] : memref<10240xf32, #tpu.memory_space<vmem_shared>> -> memref<10240xf32, #tpu.memory_space<vmem_shared>>
      tpu.enqueue_indirect_dma source(%arg7 : memref<128xf32, #tpu.memory_space<vmem>>) target(%dma_start3A_79 : memref<10240xf32, #tpu.memory_space<vmem_shared>>) offsets(%dma_start3A_77 : memref<128xi32, #tpu.memory_space<vmem>>) semaphore(%arg8 : memref<!tpu.dma_semaphore, #tpu.memory_space<semaphore_mem>>) {add = true}
      %add3A_80 = arith.constant 9 : i32
      %add3A_81 = arith.addi %mul3A_17, %add3A_80 : i32
      %dma_start3A_82 = arith.constant 0 : i32
      %dma_start3A_83 = tpu.memref_slice %arg6[%add3A_81, %dma_start3A_82] : memref<40x128xi32, #tpu.memory_space<vmem>> -> memref<1x128xi32, #tpu.memory_space<vmem>>
      %dma_start3A_84 = tpu.memref_squeeze %dma_start3A_83 : memref<1x128xi32, #tpu.memory_space<vmem>> -> memref<128xi32, #tpu.memory_space<vmem>>
      %dma_start3A_85 = arith.constant 0 : i32
      %dma_start3A_86 = tpu.memref_slice %arg9[%dma_start3A_85] : memref<10240xf32, #tpu.memory_space<vmem_shared>> -> memref<10240xf32, #tpu.memory_space<vmem_shared>>
      tpu.enqueue_indirect_dma source(%arg7 : memref<128xf32, #tpu.memory_space<vmem>>) target(%dma_start3A_86 : memref<10240xf32, #tpu.memory_space<vmem_shared>>) offsets(%dma_start3A_84 : memref<128xi32, #tpu.memory_space<vmem>>) semaphore(%arg8 : memref<!tpu.dma_semaphore, #tpu.memory_space<semaphore_mem>>) {add = true}
      %dma_wait3A = arith.constant 0 : i32
      %dma_wait3A_87 = tpu.memref_slice %arg6[%add3A_19, %dma_wait3A] : memref<40x128xi32, #tpu.memory_space<vmem>> -> memref<1x128xi32, #tpu.memory_space<vmem>>
      %dma_wait3A_88 = tpu.memref_squeeze %dma_wait3A_87 : memref<1x128xi32, #tpu.memory_space<vmem>> -> memref<128xi32, #tpu.memory_space<vmem>>
      %dma_wait3A_89 = arith.constant 0 : i32
      %dma_wait3A_90 = tpu.memref_slice %arg9[%dma_wait3A_89] : memref<10240xf32, #tpu.memory_space<vmem_shared>> -> memref<10240xf32, #tpu.memory_space<vmem_shared>>
      tpu.wait_indirect_dma semaphore(%arg8 : memref<!tpu.dma_semaphore, #tpu.memory_space<semaphore_mem>>) src(%arg7 : memref<128xf32, #tpu.memory_space<vmem>>) dst(%dma_wait3A_90 : memref<10240xf32, #tpu.memory_space<vmem_shared>>)
      %dma_wait3A_91 = arith.constant 0 : i32
      %dma_wait3A_92 = tpu.memref_slice %arg6[%add3A_25, %dma_wait3A_91] : memref<40x128xi32, #tpu.memory_space<vmem>> -> memref<1x128xi32, #tpu.memory_space<vmem>>
      %dma_wait3A_93 = tpu.memref_squeeze %dma_wait3A_92 : memref<1x128xi32, #tpu.memory_space<vmem>> -> memref<128xi32, #tpu.memory_space<vmem>>
      %dma_wait3A_94 = arith.constant 0 : i32
      %dma_wait3A_95 = tpu.memref_slice %arg9[%dma_wait3A_94] : memref<10240xf32, #tpu.memory_space<vmem_shared>> -> memref<10240xf32, #tpu.memory_space<vmem_shared>>
      tpu.wait_indirect_dma semaphore(%arg8 : memref<!tpu.dma_semaphore, #tpu.memory_space<semaphore_mem>>) src(%arg7 : memref<128xf32, #tpu.memory_space<vmem>>) dst(%dma_wait3A_95 : memref<10240xf32, #tpu.memory_space<vmem_shared>>)
      %dma_wait3A_96 = arith.constant 0 : i32
      %dma_wait3A_97 = tpu.memref_slice %arg6[%add3A_32, %dma_wait3A_96] : memref<40x128xi32, #tpu.memory_space<vmem>> -> memref<1x128xi32, #tpu.memory_space<vmem>>
      %dma_wait3A_98 = tpu.memref_squeeze %dma_wait3A_97 : memref<1x128xi32, #tpu.memory_space<vmem>> -> memref<128xi32, #tpu.memory_space<vmem>>
      %dma_wait3A_99 = arith.constant 0 : i32
      %dma_wait3A_100 = tpu.memref_slice %arg9[%dma_wait3A_99] : memref<10240xf32, #tpu.memory_space<vmem_shared>> -> memref<10240xf32, #tpu.memory_space<vmem_shared>>
      tpu.wait_indirect_dma semaphore(%arg8 : memref<!tpu.dma_semaphore, #tpu.memory_space<semaphore_mem>>) src(%arg7 : memref<128xf32, #tpu.memory_space<vmem>>) dst(%dma_wait3A_100 : memref<10240xf32, #tpu.memory_space<vmem_shared>>)
      %dma_wait3A_101 = arith.constant 0 : i32
      %dma_wait3A_102 = tpu.memref_slice %arg6[%add3A_39, %dma_wait3A_101] : memref<40x128xi32, #tpu.memory_space<vmem>> -> memref<1x128xi32, #tpu.memory_space<vmem>>
      %dma_wait3A_103 = tpu.memref_squeeze %dma_wait3A_102 : memref<1x128xi32, #tpu.memory_space<vmem>> -> memref<128xi32, #tpu.memory_space<vmem>>
      %dma_wait3A_104 = arith.constant 0 : i32
      %dma_wait3A_105 = tpu.memref_slice %arg9[%dma_wait3A_104] : memref<10240xf32, #tpu.memory_space<vmem_shared>> -> memref<10240xf32, #tpu.memory_space<vmem_shared>>
      tpu.wait_indirect_dma semaphore(%arg8 : memref<!tpu.dma_semaphore, #tpu.memory_space<semaphore_mem>>) src(%arg7 : memref<128xf32, #tpu.memory_space<vmem>>) dst(%dma_wait3A_105 : memref<10240xf32, #tpu.memory_space<vmem_shared>>)
      %dma_wait3A_106 = arith.constant 0 : i32
      %dma_wait3A_107 = tpu.memref_slice %arg6[%add3A_46, %dma_wait3A_106] : memref<40x128xi32, #tpu.memory_space<vmem>> -> memref<1x128xi32, #tpu.memory_space<vmem>>
      %dma_wait3A_108 = tpu.memref_squeeze %dma_wait3A_107 : memref<1x128xi32, #tpu.memory_space<vmem>> -> memref<128xi32, #tpu.memory_space<vmem>>
      %dma_wait3A_109 = arith.constant 0 : i32
      %dma_wait3A_110 = tpu.memref_slice %arg9[%dma_wait3A_109] : memref<10240xf32, #tpu.memory_space<vmem_shared>> -> memref<10240xf32, #tpu.memory_space<vmem_shared>>
      tpu.wait_indirect_dma semaphore(%arg8 : memref<!tpu.dma_semaphore, #tpu.memory_space<semaphore_mem>>) src(%arg7 : memref<128xf32, #tpu.memory_space<vmem>>) dst(%dma_wait3A_110 : memref<10240xf32, #tpu.memory_space<vmem_shared>>)
      %dma_wait3A_111 = arith.constant 0 : i32
      %dma_wait3A_112 = tpu.memref_slice %arg6[%add3A_53, %dma_wait3A_111] : memref<40x128xi32, #tpu.memory_space<vmem>> -> memref<1x128xi32, #tpu.memory_space<vmem>>
      %dma_wait3A_113 = tpu.memref_squeeze %dma_wait3A_112 : memref<1x128xi32, #tpu.memory_space<vmem>> -> memref<128xi32, #tpu.memory_space<vmem>>
      %dma_wait3A_114 = arith.constant 0 : i32
      %dma_wait3A_115 = tpu.memref_slice %arg9[%dma_wait3A_114] : memref<10240xf32, #tpu.memory_space<vmem_shared>> -> memref<10240xf32, #tpu.memory_space<vmem_shared>>
      tpu.wait_indirect_dma semaphore(%arg8 : memref<!tpu.dma_semaphore, #tpu.memory_space<semaphore_mem>>) src(%arg7 : memref<128xf32, #tpu.memory_space<vmem>>) dst(%dma_wait3A_115 : memref<10240xf32, #tpu.memory_space<vmem_shared>>)
      %dma_wait3A_116 = arith.constant 0 : i32
      %dma_wait3A_117 = tpu.memref_slice %arg6[%add3A_60, %dma_wait3A_116] : memref<40x128xi32, #tpu.memory_space<vmem>> -> memref<1x128xi32, #tpu.memory_space<vmem>>
      %dma_wait3A_118 = tpu.memref_squeeze %dma_wait3A_117 : memref<1x128xi32, #tpu.memory_space<vmem>> -> memref<128xi32, #tpu.memory_space<vmem>>
      %dma_wait3A_119 = arith.constant 0 : i32
      %dma_wait3A_120 = tpu.memref_slice %arg9[%dma_wait3A_119] : memref<10240xf32, #tpu.memory_space<vmem_shared>> -> memref<10240xf32, #tpu.memory_space<vmem_shared>>
      tpu.wait_indirect_dma semaphore(%arg8 : memref<!tpu.dma_semaphore, #tpu.memory_space<semaphore_mem>>) src(%arg7 : memref<128xf32, #tpu.memory_space<vmem>>) dst(%dma_wait3A_120 : memref<10240xf32, #tpu.memory_space<vmem_shared>>)
      %dma_wait3A_121 = arith.constant 0 : i32
      %dma_wait3A_122 = tpu.memref_slice %arg6[%add3A_67, %dma_wait3A_121] : memref<40x128xi32, #tpu.memory_space<vmem>> -> memref<1x128xi32, #tpu.memory_space<vmem>>
      %dma_wait3A_123 = tpu.memref_squeeze %dma_wait3A_122 : memref<1x128xi32, #tpu.memory_space<vmem>> -> memref<128xi32, #tpu.memory_space<vmem>>
      %dma_wait3A_124 = arith.constant 0 : i32
      %dma_wait3A_125 = tpu.memref_slice %arg9[%dma_wait3A_124] : memref<10240xf32, #tpu.memory_space<vmem_shared>> -> memref<10240xf32, #tpu.memory_space<vmem_shared>>
      tpu.wait_indirect_dma semaphore(%arg8 : memref<!tpu.dma_semaphore, #tpu.memory_space<semaphore_mem>>) src(%arg7 : memref<128xf32, #tpu.memory_space<vmem>>) dst(%dma_wait3A_125 : memref<10240xf32, #tpu.memory_space<vmem_shared>>)
      %dma_wait3A_126 = arith.constant 0 : i32
      %dma_wait3A_127 = tpu.memref_slice %arg6[%add3A_74, %dma_wait3A_126] : memref<40x128xi32, #tpu.memory_space<vmem>> -> memref<1x128xi32, #tpu.memory_space<vmem>>
      %dma_wait3A_128 = tpu.memref_squeeze %dma_wait3A_127 : memref<1x128xi32, #tpu.memory_space<vmem>> -> memref<128xi32, #tpu.memory_space<vmem>>
      %dma_wait3A_129 = arith.constant 0 : i32
      %dma_wait3A_130 = tpu.memref_slice %arg9[%dma_wait3A_129] : memref<10240xf32, #tpu.memory_space<vmem_shared>> -> memref<10240xf32, #tpu.memory_space<vmem_shared>>
      tpu.wait_indirect_dma semaphore(%arg8 : memref<!tpu.dma_semaphore, #tpu.memory_space<semaphore_mem>>) src(%arg7 : memref<128xf32, #tpu.memory_space<vmem>>) dst(%dma_wait3A_130 : memref<10240xf32, #tpu.memory_space<vmem_shared>>)
      %dma_wait3A_131 = arith.constant 0 : i32
      %dma_wait3A_132 = tpu.memref_slice %arg6[%add3A_81, %dma_wait3A_131] : memref<40x128xi32, #tpu.memory_space<vmem>> -> memref<1x128xi32, #tpu.memory_space<vmem>>
      %dma_wait3A_133 = tpu.memref_squeeze %dma_wait3A_132 : memref<1x128xi32, #tpu.memory_space<vmem>> -> memref<128xi32, #tpu.memory_space<vmem>>
      %dma_wait3A_134 = arith.constant 0 : i32
      %dma_wait3A_135 = tpu.memref_slice %arg9[%dma_wait3A_134] : memref<10240xf32, #tpu.memory_space<vmem_shared>> -> memref<10240xf32, #tpu.memory_space<vmem_shared>>
      tpu.wait_indirect_dma semaphore(%arg8 : memref<!tpu.dma_semaphore, #tpu.memory_space<semaphore_mem>>) src(%arg7 : memref<128xf32, #tpu.memory_space<vmem>>) dst(%dma_wait3A_135 : memref<10240xf32, #tpu.memory_space<vmem_shared>>)
    }
    %scan3A_9 = arith.constant 4 : i32
    %barrier3A_10 = arith.constant 0 : index
    tpu.barrier barrier_id(%barrier3A_10)
    %mul3A_11 = arith.constant 640 : i32
    %mul3A_12 = arith.muli %arg1, %mul3A_11 : i32
    %mul3A_13 = arith.constant 640 : i32
    %mul3A_14 = arith.muli %arg1, %mul3A_13 : i32
    "tpu.region"() ({
      %run_scoped3A = tpu.sem_alloc : memref<!tpu.dma_semaphore, #tpu.memory_space<semaphore_mem>>
      %dma_start3A = tpu.memref_slice %arg5[%arg0, %mul3A_14] : memref<2x10240xf32, #tpu.memory_space<hbm>> -> memref<1x640xf32, #tpu.memory_space<hbm>>
      %dma_start3A_15 = tpu.memref_squeeze %dma_start3A : memref<1x640xf32, #tpu.memory_space<hbm>> -> memref<640xf32, #tpu.memory_space<hbm>>
      %dma_start3A_16 = tpu.memref_slice %arg9[%mul3A_12] : memref<10240xf32, #tpu.memory_space<vmem_shared>> -> memref<640xf32, #tpu.memory_space<vmem_shared>>
      tpu.enqueue_dma source(%dma_start3A_16 : memref<640xf32, #tpu.memory_space<vmem_shared>>) target(%dma_start3A_15 : memref<640xf32, #tpu.memory_space<hbm>>) target_semaphore(%run_scoped3A : memref<!tpu.dma_semaphore, #tpu.memory_space<semaphore_mem>>)
      %dma_wait3A = tpu.memref_slice %arg5[%arg0, %mul3A_14] : memref<2x10240xf32, #tpu.memory_space<hbm>> -> memref<1x640xf32, #tpu.memory_space<hbm>>
      %dma_wait3A_17 = tpu.memref_squeeze %dma_wait3A : memref<1x640xf32, #tpu.memory_space<hbm>> -> memref<640xf32, #tpu.memory_space<hbm>>
      %dma_wait3A_18 = tpu.memref_slice %arg9[%mul3A_12] : memref<10240xf32, #tpu.memory_space<vmem_shared>> -> memref<640xf32, #tpu.memory_space<vmem_shared>>
      tpu.wait_dma2 semaphore(%run_scoped3A : memref<!tpu.dma_semaphore, #tpu.memory_space<semaphore_mem>>) src(%dma_wait3A_18 : memref<640xf32, #tpu.memory_space<vmem_shared>>) dst(%dma_wait3A_17 : memref<640xf32, #tpu.memory_space<hbm>>)
      tpu.yield
    }) : () -> ()
    return
  }
}

#map = affine_map<(d0, d1) -> (0, 0)>
#map1 = affine_map<(d0, d1) -> (0, 0, 0)>
module attributes {stable_mosaic.version = 14 : i64} {
  func.func @body(%arg0: i32, %arg1: i32, %arg2: memref<10000x64xf32, #tpu.memory_space<hbm>>, %arg3: memref<32x50x128xi32, #tpu.memory_space<hbm>>, %arg4: memref<32x50x128xi32, #tpu.memory_space<hbm>>, %arg5: memref<10240x64xf32, #tpu.memory_space<hbm>>, %arg6: memref<2x10240x64xf32, #tpu.memory_space<hbm>>, %arg7: memref<42x128xi32, #tpu.memory_space<vmem>>, %arg8: memref<42x128xi32, #tpu.memory_space<vmem>>, %arg9: memref<2x128x64xf32, #tpu.memory_space<vmem>>, %arg10: memref<2x128x64xf32, #tpu.memory_space<vmem>>, %arg11: memref<!tpu.dma_semaphore, #tpu.memory_space<semaphore_mem>>, %arg12: memref<!tpu.dma_semaphore, #tpu.memory_space<semaphore_mem>>, %arg13: memref<!tpu.dma_semaphore, #tpu.memory_space<semaphore_mem>>, %arg14: memref<!tpu.dma_semaphore, #tpu.memory_space<semaphore_mem>>, %arg15: memref<10240x64xf32, #tpu.memory_space<vmem_shared>>, %arg16: memref<10000x64xf32, #tpu.memory_space<vmem_shared>>) attributes {dimension_semantics = [#tpu.dimension_semantics<core_parallel>, #tpu.dimension_semantics<subcore_parallel>], iteration_bounds = array<i64: 2, 16>, scalar_prefetch = 0 : i64, scratch_operands = 10 : i64, tpu.core_type = #tpu.core_type<sc_vector_subcore>, window_params = [{transform_indices = #map}, {transform_indices = #map1}, {transform_indices = #map1}, {transform_indices = #map}, {transform_indices = #map1}]} {
    %mul3A = arith.constant 16 : i32
    %mul3A_0 = arith.muli %arg0, %mul3A : i32
    %add3A = arith.addi %mul3A_0, %arg1 : i32
    %mul3A_1 = arith.constant 640 : i32
    %mul3A_2 = arith.muli %arg1, %mul3A_1 : i32
    %mul3A_3 = arith.constant 640 : i32
    %mul3A_4 = arith.muli %arg1, %mul3A_3 : i32
    "tpu.region"() ({
      %run_scoped3A = tpu.sem_alloc : memref<!tpu.dma_semaphore, #tpu.memory_space<semaphore_mem>>
      %dma_start3A_65 = arith.constant 0 : i32
      %dma_start3A_66 = tpu.memref_slice %arg15[%mul3A_4, %dma_start3A_65] : memref<10240x64xf32, #tpu.memory_space<vmem_shared>> -> memref<640x64xf32, #tpu.memory_space<vmem_shared>>
      %dma_start3A_67 = arith.constant 0 : i32
      %dma_start3A_68 = tpu.memref_slice %arg5[%mul3A_2, %dma_start3A_67] : memref<10240x64xf32, #tpu.memory_space<hbm>> -> memref<640x64xf32, #tpu.memory_space<hbm>>
      tpu.enqueue_dma source(%dma_start3A_68 : memref<640x64xf32, #tpu.memory_space<hbm>>) target(%dma_start3A_66 : memref<640x64xf32, #tpu.memory_space<vmem_shared>>) target_semaphore(%run_scoped3A : memref<!tpu.dma_semaphore, #tpu.memory_space<semaphore_mem>>)
      %dma_wait3A_69 = arith.constant 0 : i32
      %dma_wait3A_70 = tpu.memref_slice %arg15[%mul3A_4, %dma_wait3A_69] : memref<10240x64xf32, #tpu.memory_space<vmem_shared>> -> memref<640x64xf32, #tpu.memory_space<vmem_shared>>
      %dma_wait3A_71 = arith.constant 0 : i32
      %dma_wait3A_72 = tpu.memref_slice %arg5[%mul3A_2, %dma_wait3A_71] : memref<10240x64xf32, #tpu.memory_space<hbm>> -> memref<640x64xf32, #tpu.memory_space<hbm>>
      tpu.wait_dma2 semaphore(%run_scoped3A : memref<!tpu.dma_semaphore, #tpu.memory_space<semaphore_mem>>) src(%dma_wait3A_72 : memref<640x64xf32, #tpu.memory_space<hbm>>) dst(%dma_wait3A_70 : memref<640x64xf32, #tpu.memory_space<vmem_shared>>)
      tpu.yield
    }) : () -> ()
    %mul3A_5 = arith.constant 625 : i32
    %mul3A_6 = arith.muli %arg1, %mul3A_5 : i32
    %mul3A_7 = arith.constant 625 : i32
    %mul3A_8 = arith.muli %arg1, %mul3A_7 : i32
    "tpu.region"() ({
      %run_scoped3A = tpu.sem_alloc : memref<!tpu.dma_semaphore, #tpu.memory_space<semaphore_mem>>
      %dma_start3A_65 = arith.constant 0 : i32
      %dma_start3A_66 = tpu.memref_slice %arg16[%mul3A_8, %dma_start3A_65] : memref<10000x64xf32, #tpu.memory_space<vmem_shared>> -> memref<625x64xf32, #tpu.memory_space<vmem_shared>>
      %dma_start3A_67 = arith.constant 0 : i32
      %dma_start3A_68 = tpu.memref_slice %arg2[%mul3A_6, %dma_start3A_67] : memref<10000x64xf32, #tpu.memory_space<hbm>> -> memref<625x64xf32, #tpu.memory_space<hbm>>
      tpu.enqueue_dma source(%dma_start3A_68 : memref<625x64xf32, #tpu.memory_space<hbm>>) target(%dma_start3A_66 : memref<625x64xf32, #tpu.memory_space<vmem_shared>>) target_semaphore(%run_scoped3A : memref<!tpu.dma_semaphore, #tpu.memory_space<semaphore_mem>>)
      %dma_wait3A_69 = arith.constant 0 : i32
      %dma_wait3A_70 = tpu.memref_slice %arg16[%mul3A_8, %dma_wait3A_69] : memref<10000x64xf32, #tpu.memory_space<vmem_shared>> -> memref<625x64xf32, #tpu.memory_space<vmem_shared>>
      %dma_wait3A_71 = arith.constant 0 : i32
      %dma_wait3A_72 = tpu.memref_slice %arg2[%mul3A_6, %dma_wait3A_71] : memref<10000x64xf32, #tpu.memory_space<hbm>> -> memref<625x64xf32, #tpu.memory_space<hbm>>
      tpu.wait_dma2 semaphore(%run_scoped3A : memref<!tpu.dma_semaphore, #tpu.memory_space<semaphore_mem>>) src(%dma_wait3A_72 : memref<625x64xf32, #tpu.memory_space<hbm>>) dst(%dma_wait3A_70 : memref<625x64xf32, #tpu.memory_space<vmem_shared>>)
      tpu.yield
    }) : () -> ()
    "tpu.region"() ({
      %run_scoped3A = tpu.sem_alloc : memref<!tpu.dma_semaphore, #tpu.memory_space<semaphore_mem>>
      %dma_start3A_65 = arith.constant 0 : i32
      %dma_start3A_66 = arith.constant 0 : i32
      %dma_start3A_67 = tpu.memref_slice %arg3[%add3A, %dma_start3A_65, %dma_start3A_66] : memref<32x50x128xi32, #tpu.memory_space<hbm>> -> memref<1x42x128xi32, #tpu.memory_space<hbm>>
      %dma_start3A_68 = tpu.memref_squeeze %dma_start3A_67 : memref<1x42x128xi32, #tpu.memory_space<hbm>> -> memref<42x128xi32, #tpu.memory_space<hbm>>
      %dma_start3A_69 = arith.constant 0 : i32
      %dma_start3A_70 = arith.constant 0 : i32
      %dma_start3A_71 = tpu.memref_slice %arg3[%add3A, %dma_start3A_69, %dma_start3A_70] : memref<32x50x128xi32, #tpu.memory_space<hbm>> -> memref<1x42x128xi32, #tpu.memory_space<hbm>>
      %dma_start3A_72 = tpu.memref_squeeze %dma_start3A_71 : memref<1x42x128xi32, #tpu.memory_space<hbm>> -> memref<42x128xi32, #tpu.memory_space<hbm>>
      tpu.enqueue_dma source(%dma_start3A_72 : memref<42x128xi32, #tpu.memory_space<hbm>>) target(%arg7 : memref<42x128xi32, #tpu.memory_space<vmem>>) target_semaphore(%run_scoped3A : memref<!tpu.dma_semaphore, #tpu.memory_space<semaphore_mem>>)
      %dma_wait3A_73 = arith.constant 0 : i32
      %dma_wait3A_74 = arith.constant 0 : i32
      %dma_wait3A_75 = tpu.memref_slice %arg3[%add3A, %dma_wait3A_73, %dma_wait3A_74] : memref<32x50x128xi32, #tpu.memory_space<hbm>> -> memref<1x42x128xi32, #tpu.memory_space<hbm>>
      %dma_wait3A_76 = tpu.memref_squeeze %dma_wait3A_75 : memref<1x42x128xi32, #tpu.memory_space<hbm>> -> memref<42x128xi32, #tpu.memory_space<hbm>>
      %dma_wait3A_77 = arith.constant 0 : i32
      %dma_wait3A_78 = arith.constant 0 : i32
      %dma_wait3A_79 = tpu.memref_slice %arg3[%add3A, %dma_wait3A_77, %dma_wait3A_78] : memref<32x50x128xi32, #tpu.memory_space<hbm>> -> memref<1x42x128xi32, #tpu.memory_space<hbm>>
      %dma_wait3A_80 = tpu.memref_squeeze %dma_wait3A_79 : memref<1x42x128xi32, #tpu.memory_space<hbm>> -> memref<42x128xi32, #tpu.memory_space<hbm>>
      tpu.wait_dma2 semaphore(%run_scoped3A : memref<!tpu.dma_semaphore, #tpu.memory_space<semaphore_mem>>) src(%dma_wait3A_80 : memref<42x128xi32, #tpu.memory_space<hbm>>) dst(%arg7 : memref<42x128xi32, #tpu.memory_space<vmem>>)
      tpu.yield
    }) : () -> ()
    "tpu.region"() ({
      %run_scoped3A = tpu.sem_alloc : memref<!tpu.dma_semaphore, #tpu.memory_space<semaphore_mem>>
      %dma_start3A_65 = arith.constant 0 : i32
      %dma_start3A_66 = arith.constant 0 : i32
      %dma_start3A_67 = tpu.memref_slice %arg4[%add3A, %dma_start3A_65, %dma_start3A_66] : memref<32x50x128xi32, #tpu.memory_space<hbm>> -> memref<1x42x128xi32, #tpu.memory_space<hbm>>
      %dma_start3A_68 = tpu.memref_squeeze %dma_start3A_67 : memref<1x42x128xi32, #tpu.memory_space<hbm>> -> memref<42x128xi32, #tpu.memory_space<hbm>>
      %dma_start3A_69 = arith.constant 0 : i32
      %dma_start3A_70 = arith.constant 0 : i32
      %dma_start3A_71 = tpu.memref_slice %arg4[%add3A, %dma_start3A_69, %dma_start3A_70] : memref<32x50x128xi32, #tpu.memory_space<hbm>> -> memref<1x42x128xi32, #tpu.memory_space<hbm>>
      %dma_start3A_72 = tpu.memref_squeeze %dma_start3A_71 : memref<1x42x128xi32, #tpu.memory_space<hbm>> -> memref<42x128xi32, #tpu.memory_space<hbm>>
      tpu.enqueue_dma source(%dma_start3A_72 : memref<42x128xi32, #tpu.memory_space<hbm>>) target(%arg8 : memref<42x128xi32, #tpu.memory_space<vmem>>) target_semaphore(%run_scoped3A : memref<!tpu.dma_semaphore, #tpu.memory_space<semaphore_mem>>)
      %dma_wait3A_73 = arith.constant 0 : i32
      %dma_wait3A_74 = arith.constant 0 : i32
      %dma_wait3A_75 = tpu.memref_slice %arg4[%add3A, %dma_wait3A_73, %dma_wait3A_74] : memref<32x50x128xi32, #tpu.memory_space<hbm>> -> memref<1x42x128xi32, #tpu.memory_space<hbm>>
      %dma_wait3A_76 = tpu.memref_squeeze %dma_wait3A_75 : memref<1x42x128xi32, #tpu.memory_space<hbm>> -> memref<42x128xi32, #tpu.memory_space<hbm>>
      %dma_wait3A_77 = arith.constant 0 : i32
      %dma_wait3A_78 = arith.constant 0 : i32
      %dma_wait3A_79 = tpu.memref_slice %arg4[%add3A, %dma_wait3A_77, %dma_wait3A_78] : memref<32x50x128xi32, #tpu.memory_space<hbm>> -> memref<1x42x128xi32, #tpu.memory_space<hbm>>
      %dma_wait3A_80 = tpu.memref_squeeze %dma_wait3A_79 : memref<1x42x128xi32, #tpu.memory_space<hbm>> -> memref<42x128xi32, #tpu.memory_space<hbm>>
      tpu.wait_dma2 semaphore(%run_scoped3A : memref<!tpu.dma_semaphore, #tpu.memory_space<semaphore_mem>>) src(%dma_wait3A_80 : memref<42x128xi32, #tpu.memory_space<hbm>>) dst(%arg8 : memref<42x128xi32, #tpu.memory_space<vmem>>)
      tpu.yield
    }) : () -> ()
    %barrier3A = arith.constant 0 : index
    tpu.barrier barrier_id(%barrier3A)
    %dma_start3A = arith.constant 0 : i32
    %dma_start3A_9 = arith.constant 0 : i32
    %dma_start3A_10 = arith.constant 0 : i32
    %dma_start3A_11 = arith.constant 0 : i32
    %dma_start3A_12 = tpu.memref_slice %arg9[%dma_start3A_9, %dma_start3A_10, %dma_start3A_11] : memref<2x128x64xf32, #tpu.memory_space<vmem>> -> memref<1x128x64xf32, #tpu.memory_space<vmem>>
    %dma_start3A_13 = tpu.memref_squeeze %dma_start3A_12 : memref<1x128x64xf32, #tpu.memory_space<vmem>> -> memref<128x64xf32, #tpu.memory_space<vmem>>
    %dma_start3A_14 = arith.constant 0 : i32
    %dma_start3A_15 = tpu.memref_slice %arg7[%dma_start3A, %dma_start3A_14] : memref<42x128xi32, #tpu.memory_space<vmem>> -> memref<1x128xi32, #tpu.memory_space<vmem>>
    %dma_start3A_16 = tpu.memref_squeeze %dma_start3A_15 : memref<1x128xi32, #tpu.memory_space<vmem>> -> memref<128xi32, #tpu.memory_space<vmem>>
    %dma_start3A_17 = arith.constant 0 : i32
    %dma_start3A_18 = arith.constant 0 : i32
    %dma_start3A_19 = tpu.memref_slice %arg16[%dma_start3A_17, %dma_start3A_18] : memref<10000x64xf32, #tpu.memory_space<vmem_shared>> -> memref<10000x64xf32, #tpu.memory_space<vmem_shared>>
    tpu.enqueue_indirect_dma source(%dma_start3A_19 : memref<10000x64xf32, #tpu.memory_space<vmem_shared>>) target(%dma_start3A_13 : memref<128x64xf32, #tpu.memory_space<vmem>>) offsets(%dma_start3A_16 : memref<128xi32, #tpu.memory_space<vmem>>) semaphore(%arg11 : memref<!tpu.dma_semaphore, #tpu.memory_space<semaphore_mem>>)
    %dma_start3A_20 = arith.constant 1 : i32
    %dma_start3A_21 = arith.constant 1 : i32
    %dma_start3A_22 = arith.constant 0 : i32
    %dma_start3A_23 = arith.constant 0 : i32
    %dma_start3A_24 = tpu.memref_slice %arg9[%dma_start3A_21, %dma_start3A_22, %dma_start3A_23] : memref<2x128x64xf32, #tpu.memory_space<vmem>> -> memref<1x128x64xf32, #tpu.memory_space<vmem>>
    %dma_start3A_25 = tpu.memref_squeeze %dma_start3A_24 : memref<1x128x64xf32, #tpu.memory_space<vmem>> -> memref<128x64xf32, #tpu.memory_space<vmem>>
    %dma_start3A_26 = arith.constant 0 : i32
    %dma_start3A_27 = tpu.memref_slice %arg7[%dma_start3A_20, %dma_start3A_26] : memref<42x128xi32, #tpu.memory_space<vmem>> -> memref<1x128xi32, #tpu.memory_space<vmem>>
    %dma_start3A_28 = tpu.memref_squeeze %dma_start3A_27 : memref<1x128xi32, #tpu.memory_space<vmem>> -> memref<128xi32, #tpu.memory_space<vmem>>
    %dma_start3A_29 = arith.constant 0 : i32
    %dma_start3A_30 = arith.constant 0 : i32
    %dma_start3A_31 = tpu.memref_slice %arg16[%dma_start3A_29, %dma_start3A_30] : memref<10000x64xf32, #tpu.memory_space<vmem_shared>> -> memref<10000x64xf32, #tpu.memory_space<vmem_shared>>
    tpu.enqueue_indirect_dma source(%dma_start3A_31 : memref<10000x64xf32, #tpu.memory_space<vmem_shared>>) target(%dma_start3A_25 : memref<128x64xf32, #tpu.memory_space<vmem>>) offsets(%dma_start3A_28 : memref<128xi32, #tpu.memory_space<vmem>>) semaphore(%arg11 : memref<!tpu.dma_semaphore, #tpu.memory_space<semaphore_mem>>)
    %scan3A = arith.constant 0 : i32
    %scan3A_32 = arith.constant 0 : i32
    %scan3A_33 = arith.constant 10 : i32
    %scan3A_34 = arith.addi %scan3A_32, %scan3A_33 : i32
    %scan3A_35 = arith.constant 1 : i32
    scf.for %scan3A_65 = %scan3A_32 to %scan3A_34 step %scan3A_35  : i32 {
      %mul3A_66 = arith.constant 4 : i32
      %mul3A_67 = arith.muli %mul3A_66, %scan3A_65 : i32
      %dma_wait3A_68 = arith.constant 0 : i32
      %dma_wait3A_69 = arith.constant 0 : i32
      %dma_wait3A_70 = arith.constant 0 : i32
      %dma_wait3A_71 = arith.constant 0 : i32
      %dma_wait3A_72 = tpu.memref_slice %arg9[%dma_wait3A_69, %dma_wait3A_70, %dma_wait3A_71] : memref<2x128x64xf32, #tpu.memory_space<vmem>> -> memref<1x128x64xf32, #tpu.memory_space<vmem>>
      %dma_wait3A_73 = tpu.memref_squeeze %dma_wait3A_72 : memref<1x128x64xf32, #tpu.memory_space<vmem>> -> memref<128x64xf32, #tpu.memory_space<vmem>>
      %dma_wait3A_74 = arith.constant 0 : i32
      %dma_wait3A_75 = tpu.memref_slice %arg7[%dma_wait3A_68, %dma_wait3A_74] : memref<42x128xi32, #tpu.memory_space<vmem>> -> memref<1x128xi32, #tpu.memory_space<vmem>>
      %dma_wait3A_76 = tpu.memref_squeeze %dma_wait3A_75 : memref<1x128xi32, #tpu.memory_space<vmem>> -> memref<128xi32, #tpu.memory_space<vmem>>
      %dma_wait3A_77 = arith.constant 0 : i32
      %dma_wait3A_78 = arith.constant 0 : i32
      %dma_wait3A_79 = tpu.memref_slice %arg16[%dma_wait3A_77, %dma_wait3A_78] : memref<10000x64xf32, #tpu.memory_space<vmem_shared>> -> memref<10000x64xf32, #tpu.memory_space<vmem_shared>>
      tpu.wait_indirect_dma semaphore(%arg11 : memref<!tpu.dma_semaphore, #tpu.memory_space<semaphore_mem>>) src(%dma_wait3A_79 : memref<10000x64xf32, #tpu.memory_space<vmem_shared>>) dst(%dma_wait3A_73 : memref<128x64xf32, #tpu.memory_space<vmem>>)
      %dma_wait3A_80 = arith.constant 1 : i32
      %dma_wait3A_81 = arith.constant 1 : i32
      %dma_wait3A_82 = arith.constant 0 : i32
      %dma_wait3A_83 = arith.constant 0 : i32
      %dma_wait3A_84 = tpu.memref_slice %arg9[%dma_wait3A_81, %dma_wait3A_82, %dma_wait3A_83] : memref<2x128x64xf32, #tpu.memory_space<vmem>> -> memref<1x128x64xf32, #tpu.memory_space<vmem>>
      %dma_wait3A_85 = tpu.memref_squeeze %dma_wait3A_84 : memref<1x128x64xf32, #tpu.memory_space<vmem>> -> memref<128x64xf32, #tpu.memory_space<vmem>>
      %dma_wait3A_86 = arith.constant 0 : i32
      %dma_wait3A_87 = tpu.memref_slice %arg7[%dma_wait3A_80, %dma_wait3A_86] : memref<42x128xi32, #tpu.memory_space<vmem>> -> memref<1x128xi32, #tpu.memory_space<vmem>>
      %dma_wait3A_88 = tpu.memref_squeeze %dma_wait3A_87 : memref<1x128xi32, #tpu.memory_space<vmem>> -> memref<128xi32, #tpu.memory_space<vmem>>
      %dma_wait3A_89 = arith.constant 0 : i32
      %dma_wait3A_90 = arith.constant 0 : i32
      %dma_wait3A_91 = tpu.memref_slice %arg16[%dma_wait3A_89, %dma_wait3A_90] : memref<10000x64xf32, #tpu.memory_space<vmem_shared>> -> memref<10000x64xf32, #tpu.memory_space<vmem_shared>>
      tpu.wait_indirect_dma semaphore(%arg11 : memref<!tpu.dma_semaphore, #tpu.memory_space<semaphore_mem>>) src(%dma_wait3A_91 : memref<10000x64xf32, #tpu.memory_space<vmem_shared>>) dst(%dma_wait3A_85 : memref<128x64xf32, #tpu.memory_space<vmem>>)
      %add3A_92 = arith.constant 2 : i32
      %add3A_93 = arith.addi %mul3A_67, %add3A_92 : i32
      %add3A_94 = arith.constant 0 : i32
      %add3A_95 = arith.addi %add3A_93, %add3A_94 : i32
      %dma_start3A_96 = arith.constant 0 : i32
      %dma_start3A_97 = arith.constant 0 : i32
      %dma_start3A_98 = arith.constant 0 : i32
      %dma_start3A_99 = tpu.memref_slice %arg10[%dma_start3A_96, %dma_start3A_97, %dma_start3A_98] : memref<2x128x64xf32, #tpu.memory_space<vmem>> -> memref<1x128x64xf32, #tpu.memory_space<vmem>>
      %dma_start3A_100 = tpu.memref_squeeze %dma_start3A_99 : memref<1x128x64xf32, #tpu.memory_space<vmem>> -> memref<128x64xf32, #tpu.memory_space<vmem>>
      %dma_start3A_101 = arith.constant 0 : i32
      %dma_start3A_102 = tpu.memref_slice %arg7[%add3A_95, %dma_start3A_101] : memref<42x128xi32, #tpu.memory_space<vmem>> -> memref<1x128xi32, #tpu.memory_space<vmem>>
      %dma_start3A_103 = tpu.memref_squeeze %dma_start3A_102 : memref<1x128xi32, #tpu.memory_space<vmem>> -> memref<128xi32, #tpu.memory_space<vmem>>
      %dma_start3A_104 = arith.constant 0 : i32
      %dma_start3A_105 = arith.constant 0 : i32
      %dma_start3A_106 = tpu.memref_slice %arg16[%dma_start3A_104, %dma_start3A_105] : memref<10000x64xf32, #tpu.memory_space<vmem_shared>> -> memref<10000x64xf32, #tpu.memory_space<vmem_shared>>
      tpu.enqueue_indirect_dma source(%dma_start3A_106 : memref<10000x64xf32, #tpu.memory_space<vmem_shared>>) target(%dma_start3A_100 : memref<128x64xf32, #tpu.memory_space<vmem>>) offsets(%dma_start3A_103 : memref<128xi32, #tpu.memory_space<vmem>>) semaphore(%arg12 : memref<!tpu.dma_semaphore, #tpu.memory_space<semaphore_mem>>)
      %add3A_107 = arith.constant 1 : i32
      %add3A_108 = arith.addi %add3A_93, %add3A_107 : i32
      %dma_start3A_109 = arith.constant 1 : i32
      %dma_start3A_110 = arith.constant 0 : i32
      %dma_start3A_111 = arith.constant 0 : i32
      %dma_start3A_112 = tpu.memref_slice %arg10[%dma_start3A_109, %dma_start3A_110, %dma_start3A_111] : memref<2x128x64xf32, #tpu.memory_space<vmem>> -> memref<1x128x64xf32, #tpu.memory_space<vmem>>
      %dma_start3A_113 = tpu.memref_squeeze %dma_start3A_112 : memref<1x128x64xf32, #tpu.memory_space<vmem>> -> memref<128x64xf32, #tpu.memory_space<vmem>>
      %dma_start3A_114 = arith.constant 0 : i32
      %dma_start3A_115 = tpu.memref_slice %arg7[%add3A_108, %dma_start3A_114] : memref<42x128xi32, #tpu.memory_space<vmem>> -> memref<1x128xi32, #tpu.memory_space<vmem>>
      %dma_start3A_116 = tpu.memref_squeeze %dma_start3A_115 : memref<1x128xi32, #tpu.memory_space<vmem>> -> memref<128xi32, #tpu.memory_space<vmem>>
      %dma_start3A_117 = arith.constant 0 : i32
      %dma_start3A_118 = arith.constant 0 : i32
      %dma_start3A_119 = tpu.memref_slice %arg16[%dma_start3A_117, %dma_start3A_118] : memref<10000x64xf32, #tpu.memory_space<vmem_shared>> -> memref<10000x64xf32, #tpu.memory_space<vmem_shared>>
      tpu.enqueue_indirect_dma source(%dma_start3A_119 : memref<10000x64xf32, #tpu.memory_space<vmem_shared>>) target(%dma_start3A_113 : memref<128x64xf32, #tpu.memory_space<vmem>>) offsets(%dma_start3A_116 : memref<128xi32, #tpu.memory_space<vmem>>) semaphore(%arg12 : memref<!tpu.dma_semaphore, #tpu.memory_space<semaphore_mem>>)
      %add3A_120 = arith.constant 0 : i32
      %add3A_121 = arith.addi %mul3A_67, %add3A_120 : i32
      %dma_start3A_122 = arith.constant 0 : i32
      %dma_start3A_123 = arith.constant 0 : i32
      %dma_start3A_124 = arith.constant 0 : i32
      %dma_start3A_125 = tpu.memref_slice %arg9[%dma_start3A_122, %dma_start3A_123, %dma_start3A_124] : memref<2x128x64xf32, #tpu.memory_space<vmem>> -> memref<1x128x64xf32, #tpu.memory_space<vmem>>
      %dma_start3A_126 = tpu.memref_squeeze %dma_start3A_125 : memref<1x128x64xf32, #tpu.memory_space<vmem>> -> memref<128x64xf32, #tpu.memory_space<vmem>>
      %dma_start3A_127 = arith.constant 0 : i32
      %dma_start3A_128 = tpu.memref_slice %arg8[%add3A_121, %dma_start3A_127] : memref<42x128xi32, #tpu.memory_space<vmem>> -> memref<1x128xi32, #tpu.memory_space<vmem>>
      %dma_start3A_129 = tpu.memref_squeeze %dma_start3A_128 : memref<1x128xi32, #tpu.memory_space<vmem>> -> memref<128xi32, #tpu.memory_space<vmem>>
      %dma_start3A_130 = arith.constant 0 : i32
      %dma_start3A_131 = arith.constant 0 : i32
      %dma_start3A_132 = tpu.memref_slice %arg15[%dma_start3A_130, %dma_start3A_131] : memref<10240x64xf32, #tpu.memory_space<vmem_shared>> -> memref<10240x64xf32, #tpu.memory_space<vmem_shared>>
      tpu.enqueue_indirect_dma source(%dma_start3A_126 : memref<128x64xf32, #tpu.memory_space<vmem>>) target(%dma_start3A_132 : memref<10240x64xf32, #tpu.memory_space<vmem_shared>>) offsets(%dma_start3A_129 : memref<128xi32, #tpu.memory_space<vmem>>) semaphore(%arg13 : memref<!tpu.dma_semaphore, #tpu.memory_space<semaphore_mem>>) {add = true}
      %add3A_133 = arith.constant 1 : i32
      %add3A_134 = arith.addi %mul3A_67, %add3A_133 : i32
      %dma_start3A_135 = arith.constant 1 : i32
      %dma_start3A_136 = arith.constant 0 : i32
      %dma_start3A_137 = arith.constant 0 : i32
      %dma_start3A_138 = tpu.memref_slice %arg9[%dma_start3A_135, %dma_start3A_136, %dma_start3A_137] : memref<2x128x64xf32, #tpu.memory_space<vmem>> -> memref<1x128x64xf32, #tpu.memory_space<vmem>>
      %dma_start3A_139 = tpu.memref_squeeze %dma_start3A_138 : memref<1x128x64xf32, #tpu.memory_space<vmem>> -> memref<128x64xf32, #tpu.memory_space<vmem>>
      %dma_start3A_140 = arith.constant 0 : i32
      %dma_start3A_141 = tpu.memref_slice %arg8[%add3A_134, %dma_start3A_140] : memref<42x128xi32, #tpu.memory_space<vmem>> -> memref<1x128xi32, #tpu.memory_space<vmem>>
      %dma_start3A_142 = tpu.memref_squeeze %dma_start3A_141 : memref<1x128xi32, #tpu.memory_space<vmem>> -> memref<128xi32, #tpu.memory_space<vmem>>
      %dma_start3A_143 = arith.constant 0 : i32
      %dma_start3A_144 = arith.constant 0 : i32
      %dma_start3A_145 = tpu.memref_slice %arg15[%dma_start3A_143, %dma_start3A_144] : memref<10240x64xf32, #tpu.memory_space<vmem_shared>> -> memref<10240x64xf32, #tpu.memory_space<vmem_shared>>
      tpu.enqueue_indirect_dma source(%dma_start3A_139 : memref<128x64xf32, #tpu.memory_space<vmem>>) target(%dma_start3A_145 : memref<10240x64xf32, #tpu.memory_space<vmem_shared>>) offsets(%dma_start3A_142 : memref<128xi32, #tpu.memory_space<vmem>>) semaphore(%arg13 : memref<!tpu.dma_semaphore, #tpu.memory_space<semaphore_mem>>) {add = true}
      %dma_wait3A_146 = arith.constant 0 : i32
      %dma_wait3A_147 = arith.constant 0 : i32
      %dma_wait3A_148 = arith.constant 0 : i32
      %dma_wait3A_149 = arith.constant 0 : i32
      %dma_wait3A_150 = tpu.memref_slice %arg10[%dma_wait3A_147, %dma_wait3A_148, %dma_wait3A_149] : memref<2x128x64xf32, #tpu.memory_space<vmem>> -> memref<1x128x64xf32, #tpu.memory_space<vmem>>
      %dma_wait3A_151 = tpu.memref_squeeze %dma_wait3A_150 : memref<1x128x64xf32, #tpu.memory_space<vmem>> -> memref<128x64xf32, #tpu.memory_space<vmem>>
      %dma_wait3A_152 = arith.constant 0 : i32
      %dma_wait3A_153 = tpu.memref_slice %arg7[%dma_wait3A_146, %dma_wait3A_152] : memref<42x128xi32, #tpu.memory_space<vmem>> -> memref<1x128xi32, #tpu.memory_space<vmem>>
      %dma_wait3A_154 = tpu.memref_squeeze %dma_wait3A_153 : memref<1x128xi32, #tpu.memory_space<vmem>> -> memref<128xi32, #tpu.memory_space<vmem>>
      %dma_wait3A_155 = arith.constant 0 : i32
      %dma_wait3A_156 = arith.constant 0 : i32
      %dma_wait3A_157 = tpu.memref_slice %arg16[%dma_wait3A_155, %dma_wait3A_156] : memref<10000x64xf32, #tpu.memory_space<vmem_shared>> -> memref<10000x64xf32, #tpu.memory_space<vmem_shared>>
      tpu.wait_indirect_dma semaphore(%arg12 : memref<!tpu.dma_semaphore, #tpu.memory_space<semaphore_mem>>) src(%dma_wait3A_157 : memref<10000x64xf32, #tpu.memory_space<vmem_shared>>) dst(%dma_wait3A_151 : memref<128x64xf32, #tpu.memory_space<vmem>>)
      %dma_wait3A_158 = arith.constant 1 : i32
      %dma_wait3A_159 = arith.constant 1 : i32
      %dma_wait3A_160 = arith.constant 0 : i32
      %dma_wait3A_161 = arith.constant 0 : i32
      %dma_wait3A_162 = tpu.memref_slice %arg10[%dma_wait3A_159, %dma_wait3A_160, %dma_wait3A_161] : memref<2x128x64xf32, #tpu.memory_space<vmem>> -> memref<1x128x64xf32, #tpu.memory_space<vmem>>
      %dma_wait3A_163 = tpu.memref_squeeze %dma_wait3A_162 : memref<1x128x64xf32, #tpu.memory_space<vmem>> -> memref<128x64xf32, #tpu.memory_space<vmem>>
      %dma_wait3A_164 = arith.constant 0 : i32
      %dma_wait3A_165 = tpu.memref_slice %arg7[%dma_wait3A_158, %dma_wait3A_164] : memref<42x128xi32, #tpu.memory_space<vmem>> -> memref<1x128xi32, #tpu.memory_space<vmem>>
      %dma_wait3A_166 = tpu.memref_squeeze %dma_wait3A_165 : memref<1x128xi32, #tpu.memory_space<vmem>> -> memref<128xi32, #tpu.memory_space<vmem>>
      %dma_wait3A_167 = arith.constant 0 : i32
      %dma_wait3A_168 = arith.constant 0 : i32
      %dma_wait3A_169 = tpu.memref_slice %arg16[%dma_wait3A_167, %dma_wait3A_168] : memref<10000x64xf32, #tpu.memory_space<vmem_shared>> -> memref<10000x64xf32, #tpu.memory_space<vmem_shared>>
      tpu.wait_indirect_dma semaphore(%arg12 : memref<!tpu.dma_semaphore, #tpu.memory_space<semaphore_mem>>) src(%dma_wait3A_169 : memref<10000x64xf32, #tpu.memory_space<vmem_shared>>) dst(%dma_wait3A_163 : memref<128x64xf32, #tpu.memory_space<vmem>>)
      %add3A_170 = arith.constant 2 : i32
      %add3A_171 = arith.addi %mul3A_67, %add3A_170 : i32
      %add3A_172 = arith.constant 0 : i32
      %add3A_173 = arith.addi %add3A_171, %add3A_172 : i32
      %dma_start3A_174 = arith.constant 0 : i32
      %dma_start3A_175 = arith.constant 0 : i32
      %dma_start3A_176 = arith.constant 0 : i32
      %dma_start3A_177 = tpu.memref_slice %arg10[%dma_start3A_174, %dma_start3A_175, %dma_start3A_176] : memref<2x128x64xf32, #tpu.memory_space<vmem>> -> memref<1x128x64xf32, #tpu.memory_space<vmem>>
      %dma_start3A_178 = tpu.memref_squeeze %dma_start3A_177 : memref<1x128x64xf32, #tpu.memory_space<vmem>> -> memref<128x64xf32, #tpu.memory_space<vmem>>
      %dma_start3A_179 = arith.constant 0 : i32
      %dma_start3A_180 = tpu.memref_slice %arg8[%add3A_173, %dma_start3A_179] : memref<42x128xi32, #tpu.memory_space<vmem>> -> memref<1x128xi32, #tpu.memory_space<vmem>>
      %dma_start3A_181 = tpu.memref_squeeze %dma_start3A_180 : memref<1x128xi32, #tpu.memory_space<vmem>> -> memref<128xi32, #tpu.memory_space<vmem>>
      %dma_start3A_182 = arith.constant 0 : i32
      %dma_start3A_183 = arith.constant 0 : i32
      %dma_start3A_184 = tpu.memref_slice %arg15[%dma_start3A_182, %dma_start3A_183] : memref<10240x64xf32, #tpu.memory_space<vmem_shared>> -> memref<10240x64xf32, #tpu.memory_space<vmem_shared>>
      tpu.enqueue_indirect_dma source(%dma_start3A_178 : memref<128x64xf32, #tpu.memory_space<vmem>>) target(%dma_start3A_184 : memref<10240x64xf32, #tpu.memory_space<vmem_shared>>) offsets(%dma_start3A_181 : memref<128xi32, #tpu.memory_space<vmem>>) semaphore(%arg14 : memref<!tpu.dma_semaphore, #tpu.memory_space<semaphore_mem>>) {add = true}
      %add3A_185 = arith.constant 1 : i32
      %add3A_186 = arith.addi %add3A_171, %add3A_185 : i32
      %dma_start3A_187 = arith.constant 1 : i32
      %dma_start3A_188 = arith.constant 0 : i32
      %dma_start3A_189 = arith.constant 0 : i32
      %dma_start3A_190 = tpu.memref_slice %arg10[%dma_start3A_187, %dma_start3A_188, %dma_start3A_189] : memref<2x128x64xf32, #tpu.memory_space<vmem>> -> memref<1x128x64xf32, #tpu.memory_space<vmem>>
      %dma_start3A_191 = tpu.memref_squeeze %dma_start3A_190 : memref<1x128x64xf32, #tpu.memory_space<vmem>> -> memref<128x64xf32, #tpu.memory_space<vmem>>
      %dma_start3A_192 = arith.constant 0 : i32
      %dma_start3A_193 = tpu.memref_slice %arg8[%add3A_186, %dma_start3A_192] : memref<42x128xi32, #tpu.memory_space<vmem>> -> memref<1x128xi32, #tpu.memory_space<vmem>>
      %dma_start3A_194 = tpu.memref_squeeze %dma_start3A_193 : memref<1x128xi32, #tpu.memory_space<vmem>> -> memref<128xi32, #tpu.memory_space<vmem>>
      %dma_start3A_195 = arith.constant 0 : i32
      %dma_start3A_196 = arith.constant 0 : i32
      %dma_start3A_197 = tpu.memref_slice %arg15[%dma_start3A_195, %dma_start3A_196] : memref<10240x64xf32, #tpu.memory_space<vmem_shared>> -> memref<10240x64xf32, #tpu.memory_space<vmem_shared>>
      tpu.enqueue_indirect_dma source(%dma_start3A_191 : memref<128x64xf32, #tpu.memory_space<vmem>>) target(%dma_start3A_197 : memref<10240x64xf32, #tpu.memory_space<vmem_shared>>) offsets(%dma_start3A_194 : memref<128xi32, #tpu.memory_space<vmem>>) semaphore(%arg14 : memref<!tpu.dma_semaphore, #tpu.memory_space<semaphore_mem>>) {add = true}
      %dma_wait3A_198 = arith.constant 0 : i32
      %dma_wait3A_199 = arith.constant 0 : i32
      %dma_wait3A_200 = arith.constant 0 : i32
      %dma_wait3A_201 = arith.constant 0 : i32
      %dma_wait3A_202 = tpu.memref_slice %arg9[%dma_wait3A_198, %dma_wait3A_200, %dma_wait3A_201] : memref<2x128x64xf32, #tpu.memory_space<vmem>> -> memref<1x128x64xf32, #tpu.memory_space<vmem>>
      %dma_wait3A_203 = tpu.memref_squeeze %dma_wait3A_202 : memref<1x128x64xf32, #tpu.memory_space<vmem>> -> memref<128x64xf32, #tpu.memory_space<vmem>>
      %dma_wait3A_204 = arith.constant 0 : i32
      %dma_wait3A_205 = tpu.memref_slice %arg8[%dma_wait3A_199, %dma_wait3A_204] : memref<42x128xi32, #tpu.memory_space<vmem>> -> memref<1x128xi32, #tpu.memory_space<vmem>>
      %dma_wait3A_206 = tpu.memref_squeeze %dma_wait3A_205 : memref<1x128xi32, #tpu.memory_space<vmem>> -> memref<128xi32, #tpu.memory_space<vmem>>
      %dma_wait3A_207 = arith.constant 0 : i32
      %dma_wait3A_208 = arith.constant 0 : i32
      %dma_wait3A_209 = tpu.memref_slice %arg15[%dma_wait3A_207, %dma_wait3A_208] : memref<10240x64xf32, #tpu.memory_space<vmem_shared>> -> memref<10240x64xf32, #tpu.memory_space<vmem_shared>>
      tpu.wait_indirect_dma semaphore(%arg13 : memref<!tpu.dma_semaphore, #tpu.memory_space<semaphore_mem>>) src(%dma_wait3A_203 : memref<128x64xf32, #tpu.memory_space<vmem>>) dst(%dma_wait3A_209 : memref<10240x64xf32, #tpu.memory_space<vmem_shared>>)
      %dma_wait3A_210 = arith.constant 1 : i32
      %dma_wait3A_211 = arith.constant 1 : i32
      %dma_wait3A_212 = arith.constant 0 : i32
      %dma_wait3A_213 = arith.constant 0 : i32
      %dma_wait3A_214 = tpu.memref_slice %arg9[%dma_wait3A_210, %dma_wait3A_212, %dma_wait3A_213] : memref<2x128x64xf32, #tpu.memory_space<vmem>> -> memref<1x128x64xf32, #tpu.memory_space<vmem>>
      %dma_wait3A_215 = tpu.memref_squeeze %dma_wait3A_214 : memref<1x128x64xf32, #tpu.memory_space<vmem>> -> memref<128x64xf32, #tpu.memory_space<vmem>>
      %dma_wait3A_216 = arith.constant 0 : i32
      %dma_wait3A_217 = tpu.memref_slice %arg8[%dma_wait3A_211, %dma_wait3A_216] : memref<42x128xi32, #tpu.memory_space<vmem>> -> memref<1x128xi32, #tpu.memory_space<vmem>>
      %dma_wait3A_218 = tpu.memref_squeeze %dma_wait3A_217 : memref<1x128xi32, #tpu.memory_space<vmem>> -> memref<128xi32, #tpu.memory_space<vmem>>
      %dma_wait3A_219 = arith.constant 0 : i32
      %dma_wait3A_220 = arith.constant 0 : i32
      %dma_wait3A_221 = tpu.memref_slice %arg15[%dma_wait3A_219, %dma_wait3A_220] : memref<10240x64xf32, #tpu.memory_space<vmem_shared>> -> memref<10240x64xf32, #tpu.memory_space<vmem_shared>>
      tpu.wait_indirect_dma semaphore(%arg13 : memref<!tpu.dma_semaphore, #tpu.memory_space<semaphore_mem>>) src(%dma_wait3A_215 : memref<128x64xf32, #tpu.memory_space<vmem>>) dst(%dma_wait3A_221 : memref<10240x64xf32, #tpu.memory_space<vmem_shared>>)
      %add3A_222 = arith.constant 4 : i32
      %add3A_223 = arith.addi %mul3A_67, %add3A_222 : i32
      %add3A_224 = arith.constant 0 : i32
      %add3A_225 = arith.addi %add3A_223, %add3A_224 : i32
      %dma_start3A_226 = arith.constant 0 : i32
      %dma_start3A_227 = arith.constant 0 : i32
      %dma_start3A_228 = arith.constant 0 : i32
      %dma_start3A_229 = tpu.memref_slice %arg9[%dma_start3A_226, %dma_start3A_227, %dma_start3A_228] : memref<2x128x64xf32, #tpu.memory_space<vmem>> -> memref<1x128x64xf32, #tpu.memory_space<vmem>>
      %dma_start3A_230 = tpu.memref_squeeze %dma_start3A_229 : memref<1x128x64xf32, #tpu.memory_space<vmem>> -> memref<128x64xf32, #tpu.memory_space<vmem>>
      %dma_start3A_231 = arith.constant 0 : i32
      %dma_start3A_232 = tpu.memref_slice %arg7[%add3A_225, %dma_start3A_231] : memref<42x128xi32, #tpu.memory_space<vmem>> -> memref<1x128xi32, #tpu.memory_space<vmem>>
      %dma_start3A_233 = tpu.memref_squeeze %dma_start3A_232 : memref<1x128xi32, #tpu.memory_space<vmem>> -> memref<128xi32, #tpu.memory_space<vmem>>
      %dma_start3A_234 = arith.constant 0 : i32
      %dma_start3A_235 = arith.constant 0 : i32
      %dma_start3A_236 = tpu.memref_slice %arg16[%dma_start3A_234, %dma_start3A_235] : memref<10000x64xf32, #tpu.memory_space<vmem_shared>> -> memref<10000x64xf32, #tpu.memory_space<vmem_shared>>
      tpu.enqueue_indirect_dma source(%dma_start3A_236 : memref<10000x64xf32, #tpu.memory_space<vmem_shared>>) target(%dma_start3A_230 : memref<128x64xf32, #tpu.memory_space<vmem>>) offsets(%dma_start3A_233 : memref<128xi32, #tpu.memory_space<vmem>>) semaphore(%arg11 : memref<!tpu.dma_semaphore, #tpu.memory_space<semaphore_mem>>)
      %add3A_237 = arith.constant 1 : i32
      %add3A_238 = arith.addi %add3A_223, %add3A_237 : i32
      %dma_start3A_239 = arith.constant 1 : i32
      %dma_start3A_240 = arith.constant 0 : i32
      %dma_start3A_241 = arith.constant 0 : i32
      %dma_start3A_242 = tpu.memref_slice %arg9[%dma_start3A_239, %dma_start3A_240, %dma_start3A_241] : memref<2x128x64xf32, #tpu.memory_space<vmem>> -> memref<1x128x64xf32, #tpu.memory_space<vmem>>
      %dma_start3A_243 = tpu.memref_squeeze %dma_start3A_242 : memref<1x128x64xf32, #tpu.memory_space<vmem>> -> memref<128x64xf32, #tpu.memory_space<vmem>>
      %dma_start3A_244 = arith.constant 0 : i32
      %dma_start3A_245 = tpu.memref_slice %arg7[%add3A_238, %dma_start3A_244] : memref<42x128xi32, #tpu.memory_space<vmem>> -> memref<1x128xi32, #tpu.memory_space<vmem>>
      %dma_start3A_246 = tpu.memref_squeeze %dma_start3A_245 : memref<1x128xi32, #tpu.memory_space<vmem>> -> memref<128xi32, #tpu.memory_space<vmem>>
      %dma_start3A_247 = arith.constant 0 : i32
      %dma_start3A_248 = arith.constant 0 : i32
      %dma_start3A_249 = tpu.memref_slice %arg16[%dma_start3A_247, %dma_start3A_248] : memref<10000x64xf32, #tpu.memory_space<vmem_shared>> -> memref<10000x64xf32, #tpu.memory_space<vmem_shared>>
      tpu.enqueue_indirect_dma source(%dma_start3A_249 : memref<10000x64xf32, #tpu.memory_space<vmem_shared>>) target(%dma_start3A_243 : memref<128x64xf32, #tpu.memory_space<vmem>>) offsets(%dma_start3A_246 : memref<128xi32, #tpu.memory_space<vmem>>) semaphore(%arg11 : memref<!tpu.dma_semaphore, #tpu.memory_space<semaphore_mem>>)
      %dma_wait3A_250 = arith.constant 0 : i32
      %dma_wait3A_251 = arith.constant 0 : i32
      %dma_wait3A_252 = arith.constant 0 : i32
      %dma_wait3A_253 = arith.constant 0 : i32
      %dma_wait3A_254 = tpu.memref_slice %arg10[%dma_wait3A_250, %dma_wait3A_252, %dma_wait3A_253] : memref<2x128x64xf32, #tpu.memory_space<vmem>> -> memref<1x128x64xf32, #tpu.memory_space<vmem>>
      %dma_wait3A_255 = tpu.memref_squeeze %dma_wait3A_254 : memref<1x128x64xf32, #tpu.memory_space<vmem>> -> memref<128x64xf32, #tpu.memory_space<vmem>>
      %dma_wait3A_256 = arith.constant 0 : i32
      %dma_wait3A_257 = tpu.memref_slice %arg8[%dma_wait3A_251, %dma_wait3A_256] : memref<42x128xi32, #tpu.memory_space<vmem>> -> memref<1x128xi32, #tpu.memory_space<vmem>>
      %dma_wait3A_258 = tpu.memref_squeeze %dma_wait3A_257 : memref<1x128xi32, #tpu.memory_space<vmem>> -> memref<128xi32, #tpu.memory_space<vmem>>
      %dma_wait3A_259 = arith.constant 0 : i32
      %dma_wait3A_260 = arith.constant 0 : i32
      %dma_wait3A_261 = tpu.memref_slice %arg15[%dma_wait3A_259, %dma_wait3A_260] : memref<10240x64xf32, #tpu.memory_space<vmem_shared>> -> memref<10240x64xf32, #tpu.memory_space<vmem_shared>>
      tpu.wait_indirect_dma semaphore(%arg14 : memref<!tpu.dma_semaphore, #tpu.memory_space<semaphore_mem>>) src(%dma_wait3A_255 : memref<128x64xf32, #tpu.memory_space<vmem>>) dst(%dma_wait3A_261 : memref<10240x64xf32, #tpu.memory_space<vmem_shared>>)
      %dma_wait3A_262 = arith.constant 1 : i32
      %dma_wait3A_263 = arith.constant 1 : i32
      %dma_wait3A_264 = arith.constant 0 : i32
      %dma_wait3A_265 = arith.constant 0 : i32
      %dma_wait3A_266 = tpu.memref_slice %arg10[%dma_wait3A_262, %dma_wait3A_264, %dma_wait3A_265] : memref<2x128x64xf32, #tpu.memory_space<vmem>> -> memref<1x128x64xf32, #tpu.memory_space<vmem>>
      %dma_wait3A_267 = tpu.memref_squeeze %dma_wait3A_266 : memref<1x128x64xf32, #tpu.memory_space<vmem>> -> memref<128x64xf32, #tpu.memory_space<vmem>>
      %dma_wait3A_268 = arith.constant 0 : i32
      %dma_wait3A_269 = tpu.memref_slice %arg8[%dma_wait3A_263, %dma_wait3A_268] : memref<42x128xi32, #tpu.memory_space<vmem>> -> memref<1x128xi32, #tpu.memory_space<vmem>>
      %dma_wait3A_270 = tpu.memref_squeeze %dma_wait3A_269 : memref<1x128xi32, #tpu.memory_space<vmem>> -> memref<128xi32, #tpu.memory_space<vmem>>
      %dma_wait3A_271 = arith.constant 0 : i32
      %dma_wait3A_272 = arith.constant 0 : i32
      %dma_wait3A_273 = tpu.memref_slice %arg15[%dma_wait3A_271, %dma_wait3A_272] : memref<10240x64xf32, #tpu.memory_space<vmem_shared>> -> memref<10240x64xf32, #tpu.memory_space<vmem_shared>>
      tpu.wait_indirect_dma semaphore(%arg14 : memref<!tpu.dma_semaphore, #tpu.memory_space<semaphore_mem>>) src(%dma_wait3A_267 : memref<128x64xf32, #tpu.memory_space<vmem>>) dst(%dma_wait3A_273 : memref<10240x64xf32, #tpu.memory_space<vmem_shared>>)
    }
    %scan3A_36 = arith.constant 10 : i32
    %dma_wait3A = arith.constant 0 : i32
    %dma_wait3A_37 = arith.constant 0 : i32
    %dma_wait3A_38 = arith.constant 0 : i32
    %dma_wait3A_39 = arith.constant 0 : i32
    %dma_wait3A_40 = tpu.memref_slice %arg9[%dma_wait3A_37, %dma_wait3A_38, %dma_wait3A_39] : memref<2x128x64xf32, #tpu.memory_space<vmem>> -> memref<1x128x64xf32, #tpu.memory_space<vmem>>
    %dma_wait3A_41 = tpu.memref_squeeze %dma_wait3A_40 : memref<1x128x64xf32, #tpu.memory_space<vmem>> -> memref<128x64xf32, #tpu.memory_space<vmem>>
    %dma_wait3A_42 = arith.constant 0 : i32
    %dma_wait3A_43 = tpu.memref_slice %arg7[%dma_wait3A, %dma_wait3A_42] : memref<42x128xi32, #tpu.memory_space<vmem>> -> memref<1x128xi32, #tpu.memory_space<vmem>>
    %dma_wait3A_44 = tpu.memref_squeeze %dma_wait3A_43 : memref<1x128xi32, #tpu.memory_space<vmem>> -> memref<128xi32, #tpu.memory_space<vmem>>
    %dma_wait3A_45 = arith.constant 0 : i32
    %dma_wait3A_46 = arith.constant 0 : i32
    %dma_wait3A_47 = tpu.memref_slice %arg16[%dma_wait3A_45, %dma_wait3A_46] : memref<10000x64xf32, #tpu.memory_space<vmem_shared>> -> memref<10000x64xf32, #tpu.memory_space<vmem_shared>>
    tpu.wait_indirect_dma semaphore(%arg11 : memref<!tpu.dma_semaphore, #tpu.memory_space<semaphore_mem>>) src(%dma_wait3A_47 : memref<10000x64xf32, #tpu.memory_space<vmem_shared>>) dst(%dma_wait3A_41 : memref<128x64xf32, #tpu.memory_space<vmem>>)
    %dma_wait3A_48 = arith.constant 1 : i32
    %dma_wait3A_49 = arith.constant 1 : i32
    %dma_wait3A_50 = arith.constant 0 : i32
    %dma_wait3A_51 = arith.constant 0 : i32
    %dma_wait3A_52 = tpu.memref_slice %arg9[%dma_wait3A_49, %dma_wait3A_50, %dma_wait3A_51] : memref<2x128x64xf32, #tpu.memory_space<vmem>> -> memref<1x128x64xf32, #tpu.memory_space<vmem>>
    %dma_wait3A_53 = tpu.memref_squeeze %dma_wait3A_52 : memref<1x128x64xf32, #tpu.memory_space<vmem>> -> memref<128x64xf32, #tpu.memory_space<vmem>>
    %dma_wait3A_54 = arith.constant 0 : i32
    %dma_wait3A_55 = tpu.memref_slice %arg7[%dma_wait3A_48, %dma_wait3A_54] : memref<42x128xi32, #tpu.memory_space<vmem>> -> memref<1x128xi32, #tpu.memory_space<vmem>>
    %dma_wait3A_56 = tpu.memref_squeeze %dma_wait3A_55 : memref<1x128xi32, #tpu.memory_space<vmem>> -> memref<128xi32, #tpu.memory_space<vmem>>
    %dma_wait3A_57 = arith.constant 0 : i32
    %dma_wait3A_58 = arith.constant 0 : i32
    %dma_wait3A_59 = tpu.memref_slice %arg16[%dma_wait3A_57, %dma_wait3A_58] : memref<10000x64xf32, #tpu.memory_space<vmem_shared>> -> memref<10000x64xf32, #tpu.memory_space<vmem_shared>>
    tpu.wait_indirect_dma semaphore(%arg11 : memref<!tpu.dma_semaphore, #tpu.memory_space<semaphore_mem>>) src(%dma_wait3A_59 : memref<10000x64xf32, #tpu.memory_space<vmem_shared>>) dst(%dma_wait3A_53 : memref<128x64xf32, #tpu.memory_space<vmem>>)
    %barrier3A_60 = arith.constant 0 : index
    tpu.barrier barrier_id(%barrier3A_60)
    %mul3A_61 = arith.constant 640 : i32
    %mul3A_62 = arith.muli %arg1, %mul3A_61 : i32
    %mul3A_63 = arith.constant 640 : i32
    %mul3A_64 = arith.muli %arg1, %mul3A_63 : i32
    "tpu.region"() ({
      %run_scoped3A = tpu.sem_alloc : memref<!tpu.dma_semaphore, #tpu.memory_space<semaphore_mem>>
      %dma_start3A_65 = arith.constant 0 : i32
      %dma_start3A_66 = tpu.memref_slice %arg6[%arg0, %mul3A_64, %dma_start3A_65] : memref<2x10240x64xf32, #tpu.memory_space<hbm>> -> memref<1x640x64xf32, #tpu.memory_space<hbm>>
      %dma_start3A_67 = tpu.memref_squeeze %dma_start3A_66 : memref<1x640x64xf32, #tpu.memory_space<hbm>> -> memref<640x64xf32, #tpu.memory_space<hbm>>
      %dma_start3A_68 = arith.constant 0 : i32
      %dma_start3A_69 = tpu.memref_slice %arg15[%mul3A_62, %dma_start3A_68] : memref<10240x64xf32, #tpu.memory_space<vmem_shared>> -> memref<640x64xf32, #tpu.memory_space<vmem_shared>>
      tpu.enqueue_dma source(%dma_start3A_69 : memref<640x64xf32, #tpu.memory_space<vmem_shared>>) target(%dma_start3A_67 : memref<640x64xf32, #tpu.memory_space<hbm>>) target_semaphore(%run_scoped3A : memref<!tpu.dma_semaphore, #tpu.memory_space<semaphore_mem>>)
      %dma_wait3A_70 = arith.constant 0 : i32
      %dma_wait3A_71 = tpu.memref_slice %arg6[%arg0, %mul3A_64, %dma_wait3A_70] : memref<2x10240x64xf32, #tpu.memory_space<hbm>> -> memref<1x640x64xf32, #tpu.memory_space<hbm>>
      %dma_wait3A_72 = tpu.memref_squeeze %dma_wait3A_71 : memref<1x640x64xf32, #tpu.memory_space<hbm>> -> memref<640x64xf32, #tpu.memory_space<hbm>>
      %dma_wait3A_73 = arith.constant 0 : i32
      %dma_wait3A_74 = tpu.memref_slice %arg15[%mul3A_62, %dma_wait3A_73] : memref<10240x64xf32, #tpu.memory_space<vmem_shared>> -> memref<640x64xf32, #tpu.memory_space<vmem_shared>>
      tpu.wait_dma2 semaphore(%run_scoped3A : memref<!tpu.dma_semaphore, #tpu.memory_space<semaphore_mem>>) src(%dma_wait3A_74 : memref<640x64xf32, #tpu.memory_space<vmem_shared>>) dst(%dma_wait3A_72 : memref<640x64xf32, #tpu.memory_space<hbm>>)
      tpu.yield
    }) : () -> ()
    return
  }
}

#map = affine_map<(d0, d1) -> (0, 0)>
#map1 = affine_map<(d0, d1) -> (0, 0, 0)>
module attributes {stable_mosaic.version = 14 : i64} {
  func.func @body(%arg0: i32, %arg1: i32, %arg2: memref<10000x16xf32, #tpu.memory_space<hbm>>, %arg3: memref<32x50x128xi32, #tpu.memory_space<hbm>>, %arg4: memref<32x50x128xi32, #tpu.memory_space<hbm>>, %arg5: memref<10240x16xf32, #tpu.memory_space<hbm>>, %arg6: memref<2x10240x16xf32, #tpu.memory_space<hbm>>, %arg7: memref<44x128xi32, #tpu.memory_space<vmem>>, %arg8: memref<44x128xi32, #tpu.memory_space<vmem>>, %arg9: memref<4x128x16xf32, #tpu.memory_space<vmem>>, %arg10: memref<4x128x16xf32, #tpu.memory_space<vmem>>, %arg11: memref<!tpu.dma_semaphore, #tpu.memory_space<semaphore_mem>>, %arg12: memref<!tpu.dma_semaphore, #tpu.memory_space<semaphore_mem>>, %arg13: memref<!tpu.dma_semaphore, #tpu.memory_space<semaphore_mem>>, %arg14: memref<!tpu.dma_semaphore, #tpu.memory_space<semaphore_mem>>, %arg15: memref<10240x16xf32, #tpu.memory_space<vmem_shared>>, %arg16: memref<10000x16xf32, #tpu.memory_space<vmem_shared>>) attributes {dimension_semantics = [#tpu.dimension_semantics<core_parallel>, #tpu.dimension_semantics<subcore_parallel>], iteration_bounds = array<i64: 2, 16>, scalar_prefetch = 0 : i64, scratch_operands = 10 : i64, tpu.core_type = #tpu.core_type<sc_vector_subcore>, window_params = [{transform_indices = #map}, {transform_indices = #map1}, {transform_indices = #map1}, {transform_indices = #map}, {transform_indices = #map1}]} {
    %mul3A = arith.constant 16 : i32
    %mul3A_0 = arith.muli %arg0, %mul3A : i32
    %add3A = arith.addi %mul3A_0, %arg1 : i32
    %mul3A_1 = arith.constant 640 : i32
    %mul3A_2 = arith.muli %arg1, %mul3A_1 : i32
    %mul3A_3 = arith.constant 640 : i32
    %mul3A_4 = arith.muli %arg1, %mul3A_3 : i32
    "tpu.region"() ({
      %run_scoped3A = tpu.sem_alloc : memref<!tpu.dma_semaphore, #tpu.memory_space<semaphore_mem>>
      %dma_start3A_113 = arith.constant 0 : i32
      %dma_start3A_114 = tpu.memref_slice %arg15[%mul3A_4, %dma_start3A_113] : memref<10240x16xf32, #tpu.memory_space<vmem_shared>> -> memref<640x16xf32, #tpu.memory_space<vmem_shared>>
      %dma_start3A_115 = arith.constant 0 : i32
      %dma_start3A_116 = tpu.memref_slice %arg5[%mul3A_2, %dma_start3A_115] : memref<10240x16xf32, #tpu.memory_space<hbm>> -> memref<640x16xf32, #tpu.memory_space<hbm>>
      tpu.enqueue_dma source(%dma_start3A_116 : memref<640x16xf32, #tpu.memory_space<hbm>>) target(%dma_start3A_114 : memref<640x16xf32, #tpu.memory_space<vmem_shared>>) target_semaphore(%run_scoped3A : memref<!tpu.dma_semaphore, #tpu.memory_space<semaphore_mem>>)
      %dma_wait3A_117 = arith.constant 0 : i32
      %dma_wait3A_118 = tpu.memref_slice %arg15[%mul3A_4, %dma_wait3A_117] : memref<10240x16xf32, #tpu.memory_space<vmem_shared>> -> memref<640x16xf32, #tpu.memory_space<vmem_shared>>
      %dma_wait3A_119 = arith.constant 0 : i32
      %dma_wait3A_120 = tpu.memref_slice %arg5[%mul3A_2, %dma_wait3A_119] : memref<10240x16xf32, #tpu.memory_space<hbm>> -> memref<640x16xf32, #tpu.memory_space<hbm>>
      tpu.wait_dma2 semaphore(%run_scoped3A : memref<!tpu.dma_semaphore, #tpu.memory_space<semaphore_mem>>) src(%dma_wait3A_120 : memref<640x16xf32, #tpu.memory_space<hbm>>) dst(%dma_wait3A_118 : memref<640x16xf32, #tpu.memory_space<vmem_shared>>)
      tpu.yield
    }) : () -> ()
    %mul3A_5 = arith.constant 625 : i32
    %mul3A_6 = arith.muli %arg1, %mul3A_5 : i32
    %mul3A_7 = arith.constant 625 : i32
    %mul3A_8 = arith.muli %arg1, %mul3A_7 : i32
    "tpu.region"() ({
      %run_scoped3A = tpu.sem_alloc : memref<!tpu.dma_semaphore, #tpu.memory_space<semaphore_mem>>
      %dma_start3A_113 = arith.constant 0 : i32
      %dma_start3A_114 = tpu.memref_slice %arg16[%mul3A_8, %dma_start3A_113] : memref<10000x16xf32, #tpu.memory_space<vmem_shared>> -> memref<625x16xf32, #tpu.memory_space<vmem_shared>>
      %dma_start3A_115 = arith.constant 0 : i32
      %dma_start3A_116 = tpu.memref_slice %arg2[%mul3A_6, %dma_start3A_115] : memref<10000x16xf32, #tpu.memory_space<hbm>> -> memref<625x16xf32, #tpu.memory_space<hbm>>
      tpu.enqueue_dma source(%dma_start3A_116 : memref<625x16xf32, #tpu.memory_space<hbm>>) target(%dma_start3A_114 : memref<625x16xf32, #tpu.memory_space<vmem_shared>>) target_semaphore(%run_scoped3A : memref<!tpu.dma_semaphore, #tpu.memory_space<semaphore_mem>>)
      %dma_wait3A_117 = arith.constant 0 : i32
      %dma_wait3A_118 = tpu.memref_slice %arg16[%mul3A_8, %dma_wait3A_117] : memref<10000x16xf32, #tpu.memory_space<vmem_shared>> -> memref<625x16xf32, #tpu.memory_space<vmem_shared>>
      %dma_wait3A_119 = arith.constant 0 : i32
      %dma_wait3A_120 = tpu.memref_slice %arg2[%mul3A_6, %dma_wait3A_119] : memref<10000x16xf32, #tpu.memory_space<hbm>> -> memref<625x16xf32, #tpu.memory_space<hbm>>
      tpu.wait_dma2 semaphore(%run_scoped3A : memref<!tpu.dma_semaphore, #tpu.memory_space<semaphore_mem>>) src(%dma_wait3A_120 : memref<625x16xf32, #tpu.memory_space<hbm>>) dst(%dma_wait3A_118 : memref<625x16xf32, #tpu.memory_space<vmem_shared>>)
      tpu.yield
    }) : () -> ()
    "tpu.region"() ({
      %run_scoped3A = tpu.sem_alloc : memref<!tpu.dma_semaphore, #tpu.memory_space<semaphore_mem>>
      %dma_start3A_113 = arith.constant 0 : i32
      %dma_start3A_114 = arith.constant 0 : i32
      %dma_start3A_115 = tpu.memref_slice %arg3[%add3A, %dma_start3A_113, %dma_start3A_114] : memref<32x50x128xi32, #tpu.memory_space<hbm>> -> memref<1x44x128xi32, #tpu.memory_space<hbm>>
      %dma_start3A_116 = tpu.memref_squeeze %dma_start3A_115 : memref<1x44x128xi32, #tpu.memory_space<hbm>> -> memref<44x128xi32, #tpu.memory_space<hbm>>
      %dma_start3A_117 = arith.constant 0 : i32
      %dma_start3A_118 = arith.constant 0 : i32
      %dma_start3A_119 = tpu.memref_slice %arg3[%add3A, %dma_start3A_117, %dma_start3A_118] : memref<32x50x128xi32, #tpu.memory_space<hbm>> -> memref<1x44x128xi32, #tpu.memory_space<hbm>>
      %dma_start3A_120 = tpu.memref_squeeze %dma_start3A_119 : memref<1x44x128xi32, #tpu.memory_space<hbm>> -> memref<44x128xi32, #tpu.memory_space<hbm>>
      tpu.enqueue_dma source(%dma_start3A_120 : memref<44x128xi32, #tpu.memory_space<hbm>>) target(%arg7 : memref<44x128xi32, #tpu.memory_space<vmem>>) target_semaphore(%run_scoped3A : memref<!tpu.dma_semaphore, #tpu.memory_space<semaphore_mem>>)
      %dma_wait3A_121 = arith.constant 0 : i32
      %dma_wait3A_122 = arith.constant 0 : i32
      %dma_wait3A_123 = tpu.memref_slice %arg3[%add3A, %dma_wait3A_121, %dma_wait3A_122] : memref<32x50x128xi32, #tpu.memory_space<hbm>> -> memref<1x44x128xi32, #tpu.memory_space<hbm>>
      %dma_wait3A_124 = tpu.memref_squeeze %dma_wait3A_123 : memref<1x44x128xi32, #tpu.memory_space<hbm>> -> memref<44x128xi32, #tpu.memory_space<hbm>>
      %dma_wait3A_125 = arith.constant 0 : i32
      %dma_wait3A_126 = arith.constant 0 : i32
      %dma_wait3A_127 = tpu.memref_slice %arg3[%add3A, %dma_wait3A_125, %dma_wait3A_126] : memref<32x50x128xi32, #tpu.memory_space<hbm>> -> memref<1x44x128xi32, #tpu.memory_space<hbm>>
      %dma_wait3A_128 = tpu.memref_squeeze %dma_wait3A_127 : memref<1x44x128xi32, #tpu.memory_space<hbm>> -> memref<44x128xi32, #tpu.memory_space<hbm>>
      tpu.wait_dma2 semaphore(%run_scoped3A : memref<!tpu.dma_semaphore, #tpu.memory_space<semaphore_mem>>) src(%dma_wait3A_128 : memref<44x128xi32, #tpu.memory_space<hbm>>) dst(%arg7 : memref<44x128xi32, #tpu.memory_space<vmem>>)
      tpu.yield
    }) : () -> ()
    "tpu.region"() ({
      %run_scoped3A = tpu.sem_alloc : memref<!tpu.dma_semaphore, #tpu.memory_space<semaphore_mem>>
      %dma_start3A_113 = arith.constant 0 : i32
      %dma_start3A_114 = arith.constant 0 : i32
      %dma_start3A_115 = tpu.memref_slice %arg4[%add3A, %dma_start3A_113, %dma_start3A_114] : memref<32x50x128xi32, #tpu.memory_space<hbm>> -> memref<1x44x128xi32, #tpu.memory_space<hbm>>
      %dma_start3A_116 = tpu.memref_squeeze %dma_start3A_115 : memref<1x44x128xi32, #tpu.memory_space<hbm>> -> memref<44x128xi32, #tpu.memory_space<hbm>>
      %dma_start3A_117 = arith.constant 0 : i32
      %dma_start3A_118 = arith.constant 0 : i32
      %dma_start3A_119 = tpu.memref_slice %arg4[%add3A, %dma_start3A_117, %dma_start3A_118] : memref<32x50x128xi32, #tpu.memory_space<hbm>> -> memref<1x44x128xi32, #tpu.memory_space<hbm>>
      %dma_start3A_120 = tpu.memref_squeeze %dma_start3A_119 : memref<1x44x128xi32, #tpu.memory_space<hbm>> -> memref<44x128xi32, #tpu.memory_space<hbm>>
      tpu.enqueue_dma source(%dma_start3A_120 : memref<44x128xi32, #tpu.memory_space<hbm>>) target(%arg8 : memref<44x128xi32, #tpu.memory_space<vmem>>) target_semaphore(%run_scoped3A : memref<!tpu.dma_semaphore, #tpu.memory_space<semaphore_mem>>)
      %dma_wait3A_121 = arith.constant 0 : i32
      %dma_wait3A_122 = arith.constant 0 : i32
      %dma_wait3A_123 = tpu.memref_slice %arg4[%add3A, %dma_wait3A_121, %dma_wait3A_122] : memref<32x50x128xi32, #tpu.memory_space<hbm>> -> memref<1x44x128xi32, #tpu.memory_space<hbm>>
      %dma_wait3A_124 = tpu.memref_squeeze %dma_wait3A_123 : memref<1x44x128xi32, #tpu.memory_space<hbm>> -> memref<44x128xi32, #tpu.memory_space<hbm>>
      %dma_wait3A_125 = arith.constant 0 : i32
      %dma_wait3A_126 = arith.constant 0 : i32
      %dma_wait3A_127 = tpu.memref_slice %arg4[%add3A, %dma_wait3A_125, %dma_wait3A_126] : memref<32x50x128xi32, #tpu.memory_space<hbm>> -> memref<1x44x128xi32, #tpu.memory_space<hbm>>
      %dma_wait3A_128 = tpu.memref_squeeze %dma_wait3A_127 : memref<1x44x128xi32, #tpu.memory_space<hbm>> -> memref<44x128xi32, #tpu.memory_space<hbm>>
      tpu.wait_dma2 semaphore(%run_scoped3A : memref<!tpu.dma_semaphore, #tpu.memory_space<semaphore_mem>>) src(%dma_wait3A_128 : memref<44x128xi32, #tpu.memory_space<hbm>>) dst(%arg8 : memref<44x128xi32, #tpu.memory_space<vmem>>)
      tpu.yield
    }) : () -> ()
    %barrier3A = arith.constant 0 : index
    tpu.barrier barrier_id(%barrier3A)
    %dma_start3A = arith.constant 0 : i32
    %dma_start3A_9 = arith.constant 0 : i32
    %dma_start3A_10 = arith.constant 0 : i32
    %dma_start3A_11 = arith.constant 0 : i32
    %dma_start3A_12 = tpu.memref_slice %arg9[%dma_start3A_9, %dma_start3A_10, %dma_start3A_11] : memref<4x128x16xf32, #tpu.memory_space<vmem>> -> memref<1x128x16xf32, #tpu.memory_space<vmem>>
    %dma_start3A_13 = tpu.memref_squeeze %dma_start3A_12 : memref<1x128x16xf32, #tpu.memory_space<vmem>> -> memref<128x16xf32, #tpu.memory_space<vmem>>
    %dma_start3A_14 = arith.constant 0 : i32
    %dma_start3A_15 = tpu.memref_slice %arg7[%dma_start3A, %dma_start3A_14] : memref<44x128xi32, #tpu.memory_space<vmem>> -> memref<1x128xi32, #tpu.memory_space<vmem>>
    %dma_start3A_16 = tpu.memref_squeeze %dma_start3A_15 : memref<1x128xi32, #tpu.memory_space<vmem>> -> memref<128xi32, #tpu.memory_space<vmem>>
    %dma_start3A_17 = arith.constant 0 : i32
    %dma_start3A_18 = arith.constant 0 : i32
    %dma_start3A_19 = tpu.memref_slice %arg16[%dma_start3A_17, %dma_start3A_18] : memref<10000x16xf32, #tpu.memory_space<vmem_shared>> -> memref<10000x16xf32, #tpu.memory_space<vmem_shared>>
    tpu.enqueue_indirect_dma source(%dma_start3A_19 : memref<10000x16xf32, #tpu.memory_space<vmem_shared>>) target(%dma_start3A_13 : memref<128x16xf32, #tpu.memory_space<vmem>>) offsets(%dma_start3A_16 : memref<128xi32, #tpu.memory_space<vmem>>) semaphore(%arg11 : memref<!tpu.dma_semaphore, #tpu.memory_space<semaphore_mem>>)
    %dma_start3A_20 = arith.constant 1 : i32
    %dma_start3A_21 = arith.constant 1 : i32
    %dma_start3A_22 = arith.constant 0 : i32
    %dma_start3A_23 = arith.constant 0 : i32
    %dma_start3A_24 = tpu.memref_slice %arg9[%dma_start3A_21, %dma_start3A_22, %dma_start3A_23] : memref<4x128x16xf32, #tpu.memory_space<vmem>> -> memref<1x128x16xf32, #tpu.memory_space<vmem>>
    %dma_start3A_25 = tpu.memref_squeeze %dma_start3A_24 : memref<1x128x16xf32, #tpu.memory_space<vmem>> -> memref<128x16xf32, #tpu.memory_space<vmem>>
    %dma_start3A_26 = arith.constant 0 : i32
    %dma_start3A_27 = tpu.memref_slice %arg7[%dma_start3A_20, %dma_start3A_26] : memref<44x128xi32, #tpu.memory_space<vmem>> -> memref<1x128xi32, #tpu.memory_space<vmem>>
    %dma_start3A_28 = tpu.memref_squeeze %dma_start3A_27 : memref<1x128xi32, #tpu.memory_space<vmem>> -> memref<128xi32, #tpu.memory_space<vmem>>
    %dma_start3A_29 = arith.constant 0 : i32
    %dma_start3A_30 = arith.constant 0 : i32
    %dma_start3A_31 = tpu.memref_slice %arg16[%dma_start3A_29, %dma_start3A_30] : memref<10000x16xf32, #tpu.memory_space<vmem_shared>> -> memref<10000x16xf32, #tpu.memory_space<vmem_shared>>
    tpu.enqueue_indirect_dma source(%dma_start3A_31 : memref<10000x16xf32, #tpu.memory_space<vmem_shared>>) target(%dma_start3A_25 : memref<128x16xf32, #tpu.memory_space<vmem>>) offsets(%dma_start3A_28 : memref<128xi32, #tpu.memory_space<vmem>>) semaphore(%arg11 : memref<!tpu.dma_semaphore, #tpu.memory_space<semaphore_mem>>)
    %dma_start3A_32 = arith.constant 2 : i32
    %dma_start3A_33 = arith.constant 2 : i32
    %dma_start3A_34 = arith.constant 0 : i32
    %dma_start3A_35 = arith.constant 0 : i32
    %dma_start3A_36 = tpu.memref_slice %arg9[%dma_start3A_33, %dma_start3A_34, %dma_start3A_35] : memref<4x128x16xf32, #tpu.memory_space<vmem>> -> memref<1x128x16xf32, #tpu.memory_space<vmem>>
    %dma_start3A_37 = tpu.memref_squeeze %dma_start3A_36 : memref<1x128x16xf32, #tpu.memory_space<vmem>> -> memref<128x16xf32, #tpu.memory_space<vmem>>
    %dma_start3A_38 = arith.constant 0 : i32
    %dma_start3A_39 = tpu.memref_slice %arg7[%dma_start3A_32, %dma_start3A_38] : memref<44x128xi32, #tpu.memory_space<vmem>> -> memref<1x128xi32, #tpu.memory_space<vmem>>
    %dma_start3A_40 = tpu.memref_squeeze %dma_start3A_39 : memref<1x128xi32, #tpu.memory_space<vmem>> -> memref<128xi32, #tpu.memory_space<vmem>>
    %dma_start3A_41 = arith.constant 0 : i32
    %dma_start3A_42 = arith.constant 0 : i32
    %dma_start3A_43 = tpu.memref_slice %arg16[%dma_start3A_41, %dma_start3A_42] : memref<10000x16xf32, #tpu.memory_space<vmem_shared>> -> memref<10000x16xf32, #tpu.memory_space<vmem_shared>>
    tpu.enqueue_indirect_dma source(%dma_start3A_43 : memref<10000x16xf32, #tpu.memory_space<vmem_shared>>) target(%dma_start3A_37 : memref<128x16xf32, #tpu.memory_space<vmem>>) offsets(%dma_start3A_40 : memref<128xi32, #tpu.memory_space<vmem>>) semaphore(%arg11 : memref<!tpu.dma_semaphore, #tpu.memory_space<semaphore_mem>>)
    %dma_start3A_44 = arith.constant 3 : i32
    %dma_start3A_45 = arith.constant 3 : i32
    %dma_start3A_46 = arith.constant 0 : i32
    %dma_start3A_47 = arith.constant 0 : i32
    %dma_start3A_48 = tpu.memref_slice %arg9[%dma_start3A_45, %dma_start3A_46, %dma_start3A_47] : memref<4x128x16xf32, #tpu.memory_space<vmem>> -> memref<1x128x16xf32, #tpu.memory_space<vmem>>
    %dma_start3A_49 = tpu.memref_squeeze %dma_start3A_48 : memref<1x128x16xf32, #tpu.memory_space<vmem>> -> memref<128x16xf32, #tpu.memory_space<vmem>>
    %dma_start3A_50 = arith.constant 0 : i32
    %dma_start3A_51 = tpu.memref_slice %arg7[%dma_start3A_44, %dma_start3A_50] : memref<44x128xi32, #tpu.memory_space<vmem>> -> memref<1x128xi32, #tpu.memory_space<vmem>>
    %dma_start3A_52 = tpu.memref_squeeze %dma_start3A_51 : memref<1x128xi32, #tpu.memory_space<vmem>> -> memref<128xi32, #tpu.memory_space<vmem>>
    %dma_start3A_53 = arith.constant 0 : i32
    %dma_start3A_54 = arith.constant 0 : i32
    %dma_start3A_55 = tpu.memref_slice %arg16[%dma_start3A_53, %dma_start3A_54] : memref<10000x16xf32, #tpu.memory_space<vmem_shared>> -> memref<10000x16xf32, #tpu.memory_space<vmem_shared>>
    tpu.enqueue_indirect_dma source(%dma_start3A_55 : memref<10000x16xf32, #tpu.memory_space<vmem_shared>>) target(%dma_start3A_49 : memref<128x16xf32, #tpu.memory_space<vmem>>) offsets(%dma_start3A_52 : memref<128xi32, #tpu.memory_space<vmem>>) semaphore(%arg11 : memref<!tpu.dma_semaphore, #tpu.memory_space<semaphore_mem>>)
    %scan3A = arith.constant 0 : i32
    %scan3A_56 = arith.constant 0 : i32
    %scan3A_57 = arith.constant 5 : i32
    %scan3A_58 = arith.addi %scan3A_56, %scan3A_57 : i32
    %scan3A_59 = arith.constant 1 : i32
    scf.for %scan3A_113 = %scan3A_56 to %scan3A_58 step %scan3A_59  : i32 {
      %mul3A_114 = arith.constant 8 : i32
      %mul3A_115 = arith.muli %mul3A_114, %scan3A_113 : i32
      %dma_wait3A_116 = arith.constant 0 : i32
      %dma_wait3A_117 = arith.constant 0 : i32
      %dma_wait3A_118 = arith.constant 0 : i32
      %dma_wait3A_119 = arith.constant 0 : i32
      %dma_wait3A_120 = tpu.memref_slice %arg9[%dma_wait3A_117, %dma_wait3A_118, %dma_wait3A_119] : memref<4x128x16xf32, #tpu.memory_space<vmem>> -> memref<1x128x16xf32, #tpu.memory_space<vmem>>
      %dma_wait3A_121 = tpu.memref_squeeze %dma_wait3A_120 : memref<1x128x16xf32, #tpu.memory_space<vmem>> -> memref<128x16xf32, #tpu.memory_space<vmem>>
      %dma_wait3A_122 = arith.constant 0 : i32
      %dma_wait3A_123 = tpu.memref_slice %arg7[%dma_wait3A_116, %dma_wait3A_122] : memref<44x128xi32, #tpu.memory_space<vmem>> -> memref<1x128xi32, #tpu.memory_space<vmem>>
      %dma_wait3A_124 = tpu.memref_squeeze %dma_wait3A_123 : memref<1x128xi32, #tpu.memory_space<vmem>> -> memref<128xi32, #tpu.memory_space<vmem>>
      %dma_wait3A_125 = arith.constant 0 : i32
      %dma_wait3A_126 = arith.constant 0 : i32
      %dma_wait3A_127 = tpu.memref_slice %arg16[%dma_wait3A_125, %dma_wait3A_126] : memref<10000x16xf32, #tpu.memory_space<vmem_shared>> -> memref<10000x16xf32, #tpu.memory_space<vmem_shared>>
      tpu.wait_indirect_dma semaphore(%arg11 : memref<!tpu.dma_semaphore, #tpu.memory_space<semaphore_mem>>) src(%dma_wait3A_127 : memref<10000x16xf32, #tpu.memory_space<vmem_shared>>) dst(%dma_wait3A_121 : memref<128x16xf32, #tpu.memory_space<vmem>>)
      %dma_wait3A_128 = arith.constant 1 : i32
      %dma_wait3A_129 = arith.constant 1 : i32
      %dma_wait3A_130 = arith.constant 0 : i32
      %dma_wait3A_131 = arith.constant 0 : i32
      %dma_wait3A_132 = tpu.memref_slice %arg9[%dma_wait3A_129, %dma_wait3A_130, %dma_wait3A_131] : memref<4x128x16xf32, #tpu.memory_space<vmem>> -> memref<1x128x16xf32, #tpu.memory_space<vmem>>
      %dma_wait3A_133 = tpu.memref_squeeze %dma_wait3A_132 : memref<1x128x16xf32, #tpu.memory_space<vmem>> -> memref<128x16xf32, #tpu.memory_space<vmem>>
      %dma_wait3A_134 = arith.constant 0 : i32
      %dma_wait3A_135 = tpu.memref_slice %arg7[%dma_wait3A_128, %dma_wait3A_134] : memref<44x128xi32, #tpu.memory_space<vmem>> -> memref<1x128xi32, #tpu.memory_space<vmem>>
      %dma_wait3A_136 = tpu.memref_squeeze %dma_wait3A_135 : memref<1x128xi32, #tpu.memory_space<vmem>> -> memref<128xi32, #tpu.memory_space<vmem>>
      %dma_wait3A_137 = arith.constant 0 : i32
      %dma_wait3A_138 = arith.constant 0 : i32
      %dma_wait3A_139 = tpu.memref_slice %arg16[%dma_wait3A_137, %dma_wait3A_138] : memref<10000x16xf32, #tpu.memory_space<vmem_shared>> -> memref<10000x16xf32, #tpu.memory_space<vmem_shared>>
      tpu.wait_indirect_dma semaphore(%arg11 : memref<!tpu.dma_semaphore, #tpu.memory_space<semaphore_mem>>) src(%dma_wait3A_139 : memref<10000x16xf32, #tpu.memory_space<vmem_shared>>) dst(%dma_wait3A_133 : memref<128x16xf32, #tpu.memory_space<vmem>>)
      %dma_wait3A_140 = arith.constant 2 : i32
      %dma_wait3A_141 = arith.constant 2 : i32
      %dma_wait3A_142 = arith.constant 0 : i32
      %dma_wait3A_143 = arith.constant 0 : i32
      %dma_wait3A_144 = tpu.memref_slice %arg9[%dma_wait3A_141, %dma_wait3A_142, %dma_wait3A_143] : memref<4x128x16xf32, #tpu.memory_space<vmem>> -> memref<1x128x16xf32, #tpu.memory_space<vmem>>
      %dma_wait3A_145 = tpu.memref_squeeze %dma_wait3A_144 : memref<1x128x16xf32, #tpu.memory_space<vmem>> -> memref<128x16xf32, #tpu.memory_space<vmem>>
      %dma_wait3A_146 = arith.constant 0 : i32
      %dma_wait3A_147 = tpu.memref_slice %arg7[%dma_wait3A_140, %dma_wait3A_146] : memref<44x128xi32, #tpu.memory_space<vmem>> -> memref<1x128xi32, #tpu.memory_space<vmem>>
      %dma_wait3A_148 = tpu.memref_squeeze %dma_wait3A_147 : memref<1x128xi32, #tpu.memory_space<vmem>> -> memref<128xi32, #tpu.memory_space<vmem>>
      %dma_wait3A_149 = arith.constant 0 : i32
      %dma_wait3A_150 = arith.constant 0 : i32
      %dma_wait3A_151 = tpu.memref_slice %arg16[%dma_wait3A_149, %dma_wait3A_150] : memref<10000x16xf32, #tpu.memory_space<vmem_shared>> -> memref<10000x16xf32, #tpu.memory_space<vmem_shared>>
      tpu.wait_indirect_dma semaphore(%arg11 : memref<!tpu.dma_semaphore, #tpu.memory_space<semaphore_mem>>) src(%dma_wait3A_151 : memref<10000x16xf32, #tpu.memory_space<vmem_shared>>) dst(%dma_wait3A_145 : memref<128x16xf32, #tpu.memory_space<vmem>>)
      %dma_wait3A_152 = arith.constant 3 : i32
      %dma_wait3A_153 = arith.constant 3 : i32
      %dma_wait3A_154 = arith.constant 0 : i32
      %dma_wait3A_155 = arith.constant 0 : i32
      %dma_wait3A_156 = tpu.memref_slice %arg9[%dma_wait3A_153, %dma_wait3A_154, %dma_wait3A_155] : memref<4x128x16xf32, #tpu.memory_space<vmem>> -> memref<1x128x16xf32, #tpu.memory_space<vmem>>
      %dma_wait3A_157 = tpu.memref_squeeze %dma_wait3A_156 : memref<1x128x16xf32, #tpu.memory_space<vmem>> -> memref<128x16xf32, #tpu.memory_space<vmem>>
      %dma_wait3A_158 = arith.constant 0 : i32
      %dma_wait3A_159 = tpu.memref_slice %arg7[%dma_wait3A_152, %dma_wait3A_158] : memref<44x128xi32, #tpu.memory_space<vmem>> -> memref<1x128xi32, #tpu.memory_space<vmem>>
      %dma_wait3A_160 = tpu.memref_squeeze %dma_wait3A_159 : memref<1x128xi32, #tpu.memory_space<vmem>> -> memref<128xi32, #tpu.memory_space<vmem>>
      %dma_wait3A_161 = arith.constant 0 : i32
      %dma_wait3A_162 = arith.constant 0 : i32
      %dma_wait3A_163 = tpu.memref_slice %arg16[%dma_wait3A_161, %dma_wait3A_162] : memref<10000x16xf32, #tpu.memory_space<vmem_shared>> -> memref<10000x16xf32, #tpu.memory_space<vmem_shared>>
      tpu.wait_indirect_dma semaphore(%arg11 : memref<!tpu.dma_semaphore, #tpu.memory_space<semaphore_mem>>) src(%dma_wait3A_163 : memref<10000x16xf32, #tpu.memory_space<vmem_shared>>) dst(%dma_wait3A_157 : memref<128x16xf32, #tpu.memory_space<vmem>>)
      %add3A_164 = arith.constant 4 : i32
      %add3A_165 = arith.addi %mul3A_115, %add3A_164 : i32
      %add3A_166 = arith.constant 0 : i32
      %add3A_167 = arith.addi %add3A_165, %add3A_166 : i32
      %dma_start3A_168 = arith.constant 0 : i32
      %dma_start3A_169 = arith.constant 0 : i32
      %dma_start3A_170 = arith.constant 0 : i32
      %dma_start3A_171 = tpu.memref_slice %arg10[%dma_start3A_168, %dma_start3A_169, %dma_start3A_170] : memref<4x128x16xf32, #tpu.memory_space<vmem>> -> memref<1x128x16xf32, #tpu.memory_space<vmem>>
      %dma_start3A_172 = tpu.memref_squeeze %dma_start3A_171 : memref<1x128x16xf32, #tpu.memory_space<vmem>> -> memref<128x16xf32, #tpu.memory_space<vmem>>
      %dma_start3A_173 = arith.constant 0 : i32
      %dma_start3A_174 = tpu.memref_slice %arg7[%add3A_167, %dma_start3A_173] : memref<44x128xi32, #tpu.memory_space<vmem>> -> memref<1x128xi32, #tpu.memory_space<vmem>>
      %dma_start3A_175 = tpu.memref_squeeze %dma_start3A_174 : memref<1x128xi32, #tpu.memory_space<vmem>> -> memref<128xi32, #tpu.memory_space<vmem>>
      %dma_start3A_176 = arith.constant 0 : i32
      %dma_start3A_177 = arith.constant 0 : i32
      %dma_start3A_178 = tpu.memref_slice %arg16[%dma_start3A_176, %dma_start3A_177] : memref<10000x16xf32, #tpu.memory_space<vmem_shared>> -> memref<10000x16xf32, #tpu.memory_space<vmem_shared>>
      tpu.enqueue_indirect_dma source(%dma_start3A_178 : memref<10000x16xf32, #tpu.memory_space<vmem_shared>>) target(%dma_start3A_172 : memref<128x16xf32, #tpu.memory_space<vmem>>) offsets(%dma_start3A_175 : memref<128xi32, #tpu.memory_space<vmem>>) semaphore(%arg12 : memref<!tpu.dma_semaphore, #tpu.memory_space<semaphore_mem>>)
      %add3A_179 = arith.constant 1 : i32
      %add3A_180 = arith.addi %add3A_165, %add3A_179 : i32
      %dma_start3A_181 = arith.constant 1 : i32
      %dma_start3A_182 = arith.constant 0 : i32
      %dma_start3A_183 = arith.constant 0 : i32
      %dma_start3A_184 = tpu.memref_slice %arg10[%dma_start3A_181, %dma_start3A_182, %dma_start3A_183] : memref<4x128x16xf32, #tpu.memory_space<vmem>> -> memref<1x128x16xf32, #tpu.memory_space<vmem>>
      %dma_start3A_185 = tpu.memref_squeeze %dma_start3A_184 : memref<1x128x16xf32, #tpu.memory_space<vmem>> -> memref<128x16xf32, #tpu.memory_space<vmem>>
      %dma_start3A_186 = arith.constant 0 : i32
      %dma_start3A_187 = tpu.memref_slice %arg7[%add3A_180, %dma_start3A_186] : memref<44x128xi32, #tpu.memory_space<vmem>> -> memref<1x128xi32, #tpu.memory_space<vmem>>
      %dma_start3A_188 = tpu.memref_squeeze %dma_start3A_187 : memref<1x128xi32, #tpu.memory_space<vmem>> -> memref<128xi32, #tpu.memory_space<vmem>>
      %dma_start3A_189 = arith.constant 0 : i32
      %dma_start3A_190 = arith.constant 0 : i32
      %dma_start3A_191 = tpu.memref_slice %arg16[%dma_start3A_189, %dma_start3A_190] : memref<10000x16xf32, #tpu.memory_space<vmem_shared>> -> memref<10000x16xf32, #tpu.memory_space<vmem_shared>>
      tpu.enqueue_indirect_dma source(%dma_start3A_191 : memref<10000x16xf32, #tpu.memory_space<vmem_shared>>) target(%dma_start3A_185 : memref<128x16xf32, #tpu.memory_space<vmem>>) offsets(%dma_start3A_188 : memref<128xi32, #tpu.memory_space<vmem>>) semaphore(%arg12 : memref<!tpu.dma_semaphore, #tpu.memory_space<semaphore_mem>>)
      %add3A_192 = arith.constant 2 : i32
      %add3A_193 = arith.addi %add3A_165, %add3A_192 : i32
      %dma_start3A_194 = arith.constant 2 : i32
      %dma_start3A_195 = arith.constant 0 : i32
      %dma_start3A_196 = arith.constant 0 : i32
      %dma_start3A_197 = tpu.memref_slice %arg10[%dma_start3A_194, %dma_start3A_195, %dma_start3A_196] : memref<4x128x16xf32, #tpu.memory_space<vmem>> -> memref<1x128x16xf32, #tpu.memory_space<vmem>>
      %dma_start3A_198 = tpu.memref_squeeze %dma_start3A_197 : memref<1x128x16xf32, #tpu.memory_space<vmem>> -> memref<128x16xf32, #tpu.memory_space<vmem>>
      %dma_start3A_199 = arith.constant 0 : i32
      %dma_start3A_200 = tpu.memref_slice %arg7[%add3A_193, %dma_start3A_199] : memref<44x128xi32, #tpu.memory_space<vmem>> -> memref<1x128xi32, #tpu.memory_space<vmem>>
      %dma_start3A_201 = tpu.memref_squeeze %dma_start3A_200 : memref<1x128xi32, #tpu.memory_space<vmem>> -> memref<128xi32, #tpu.memory_space<vmem>>
      %dma_start3A_202 = arith.constant 0 : i32
      %dma_start3A_203 = arith.constant 0 : i32
      %dma_start3A_204 = tpu.memref_slice %arg16[%dma_start3A_202, %dma_start3A_203] : memref<10000x16xf32, #tpu.memory_space<vmem_shared>> -> memref<10000x16xf32, #tpu.memory_space<vmem_shared>>
      tpu.enqueue_indirect_dma source(%dma_start3A_204 : memref<10000x16xf32, #tpu.memory_space<vmem_shared>>) target(%dma_start3A_198 : memref<128x16xf32, #tpu.memory_space<vmem>>) offsets(%dma_start3A_201 : memref<128xi32, #tpu.memory_space<vmem>>) semaphore(%arg12 : memref<!tpu.dma_semaphore, #tpu.memory_space<semaphore_mem>>)
      %add3A_205 = arith.constant 3 : i32
      %add3A_206 = arith.addi %add3A_165, %add3A_205 : i32
      %dma_start3A_207 = arith.constant 3 : i32
      %dma_start3A_208 = arith.constant 0 : i32
      %dma_start3A_209 = arith.constant 0 : i32
      %dma_start3A_210 = tpu.memref_slice %arg10[%dma_start3A_207, %dma_start3A_208, %dma_start3A_209] : memref<4x128x16xf32, #tpu.memory_space<vmem>> -> memref<1x128x16xf32, #tpu.memory_space<vmem>>
      %dma_start3A_211 = tpu.memref_squeeze %dma_start3A_210 : memref<1x128x16xf32, #tpu.memory_space<vmem>> -> memref<128x16xf32, #tpu.memory_space<vmem>>
      %dma_start3A_212 = arith.constant 0 : i32
      %dma_start3A_213 = tpu.memref_slice %arg7[%add3A_206, %dma_start3A_212] : memref<44x128xi32, #tpu.memory_space<vmem>> -> memref<1x128xi32, #tpu.memory_space<vmem>>
      %dma_start3A_214 = tpu.memref_squeeze %dma_start3A_213 : memref<1x128xi32, #tpu.memory_space<vmem>> -> memref<128xi32, #tpu.memory_space<vmem>>
      %dma_start3A_215 = arith.constant 0 : i32
      %dma_start3A_216 = arith.constant 0 : i32
      %dma_start3A_217 = tpu.memref_slice %arg16[%dma_start3A_215, %dma_start3A_216] : memref<10000x16xf32, #tpu.memory_space<vmem_shared>> -> memref<10000x16xf32, #tpu.memory_space<vmem_shared>>
      tpu.enqueue_indirect_dma source(%dma_start3A_217 : memref<10000x16xf32, #tpu.memory_space<vmem_shared>>) target(%dma_start3A_211 : memref<128x16xf32, #tpu.memory_space<vmem>>) offsets(%dma_start3A_214 : memref<128xi32, #tpu.memory_space<vmem>>) semaphore(%arg12 : memref<!tpu.dma_semaphore, #tpu.memory_space<semaphore_mem>>)
      %add3A_218 = arith.constant 0 : i32
      %add3A_219 = arith.addi %mul3A_115, %add3A_218 : i32
      %dma_start3A_220 = arith.constant 0 : i32
      %dma_start3A_221 = arith.constant 0 : i32
      %dma_start3A_222 = arith.constant 0 : i32
      %dma_start3A_223 = tpu.memref_slice %arg9[%dma_start3A_220, %dma_start3A_221, %dma_start3A_222] : memref<4x128x16xf32, #tpu.memory_space<vmem>> -> memref<1x128x16xf32, #tpu.memory_space<vmem>>
      %dma_start3A_224 = tpu.memref_squeeze %dma_start3A_223 : memref<1x128x16xf32, #tpu.memory_space<vmem>> -> memref<128x16xf32, #tpu.memory_space<vmem>>
      %dma_start3A_225 = arith.constant 0 : i32
      %dma_start3A_226 = tpu.memref_slice %arg8[%add3A_219, %dma_start3A_225] : memref<44x128xi32, #tpu.memory_space<vmem>> -> memref<1x128xi32, #tpu.memory_space<vmem>>
      %dma_start3A_227 = tpu.memref_squeeze %dma_start3A_226 : memref<1x128xi32, #tpu.memory_space<vmem>> -> memref<128xi32, #tpu.memory_space<vmem>>
      %dma_start3A_228 = arith.constant 0 : i32
      %dma_start3A_229 = arith.constant 0 : i32
      %dma_start3A_230 = tpu.memref_slice %arg15[%dma_start3A_228, %dma_start3A_229] : memref<10240x16xf32, #tpu.memory_space<vmem_shared>> -> memref<10240x16xf32, #tpu.memory_space<vmem_shared>>
      tpu.enqueue_indirect_dma source(%dma_start3A_224 : memref<128x16xf32, #tpu.memory_space<vmem>>) target(%dma_start3A_230 : memref<10240x16xf32, #tpu.memory_space<vmem_shared>>) offsets(%dma_start3A_227 : memref<128xi32, #tpu.memory_space<vmem>>) semaphore(%arg13 : memref<!tpu.dma_semaphore, #tpu.memory_space<semaphore_mem>>) {add = true}
      %add3A_231 = arith.constant 1 : i32
      %add3A_232 = arith.addi %mul3A_115, %add3A_231 : i32
      %dma_start3A_233 = arith.constant 1 : i32
      %dma_start3A_234 = arith.constant 0 : i32
      %dma_start3A_235 = arith.constant 0 : i32
      %dma_start3A_236 = tpu.memref_slice %arg9[%dma_start3A_233, %dma_start3A_234, %dma_start3A_235] : memref<4x128x16xf32, #tpu.memory_space<vmem>> -> memref<1x128x16xf32, #tpu.memory_space<vmem>>
      %dma_start3A_237 = tpu.memref_squeeze %dma_start3A_236 : memref<1x128x16xf32, #tpu.memory_space<vmem>> -> memref<128x16xf32, #tpu.memory_space<vmem>>
      %dma_start3A_238 = arith.constant 0 : i32
      %dma_start3A_239 = tpu.memref_slice %arg8[%add3A_232, %dma_start3A_238] : memref<44x128xi32, #tpu.memory_space<vmem>> -> memref<1x128xi32, #tpu.memory_space<vmem>>
      %dma_start3A_240 = tpu.memref_squeeze %dma_start3A_239 : memref<1x128xi32, #tpu.memory_space<vmem>> -> memref<128xi32, #tpu.memory_space<vmem>>
      %dma_start3A_241 = arith.constant 0 : i32
      %dma_start3A_242 = arith.constant 0 : i32
      %dma_start3A_243 = tpu.memref_slice %arg15[%dma_start3A_241, %dma_start3A_242] : memref<10240x16xf32, #tpu.memory_space<vmem_shared>> -> memref<10240x16xf32, #tpu.memory_space<vmem_shared>>
      tpu.enqueue_indirect_dma source(%dma_start3A_237 : memref<128x16xf32, #tpu.memory_space<vmem>>) target(%dma_start3A_243 : memref<10240x16xf32, #tpu.memory_space<vmem_shared>>) offsets(%dma_start3A_240 : memref<128xi32, #tpu.memory_space<vmem>>) semaphore(%arg13 : memref<!tpu.dma_semaphore, #tpu.memory_space<semaphore_mem>>) {add = true}
      %add3A_244 = arith.constant 2 : i32
      %add3A_245 = arith.addi %mul3A_115, %add3A_244 : i32
      %dma_start3A_246 = arith.constant 2 : i32
      %dma_start3A_247 = arith.constant 0 : i32
      %dma_start3A_248 = arith.constant 0 : i32
      %dma_start3A_249 = tpu.memref_slice %arg9[%dma_start3A_246, %dma_start3A_247, %dma_start3A_248] : memref<4x128x16xf32, #tpu.memory_space<vmem>> -> memref<1x128x16xf32, #tpu.memory_space<vmem>>
      %dma_start3A_250 = tpu.memref_squeeze %dma_start3A_249 : memref<1x128x16xf32, #tpu.memory_space<vmem>> -> memref<128x16xf32, #tpu.memory_space<vmem>>
      %dma_start3A_251 = arith.constant 0 : i32
      %dma_start3A_252 = tpu.memref_slice %arg8[%add3A_245, %dma_start3A_251] : memref<44x128xi32, #tpu.memory_space<vmem>> -> memref<1x128xi32, #tpu.memory_space<vmem>>
      %dma_start3A_253 = tpu.memref_squeeze %dma_start3A_252 : memref<1x128xi32, #tpu.memory_space<vmem>> -> memref<128xi32, #tpu.memory_space<vmem>>
      %dma_start3A_254 = arith.constant 0 : i32
      %dma_start3A_255 = arith.constant 0 : i32
      %dma_start3A_256 = tpu.memref_slice %arg15[%dma_start3A_254, %dma_start3A_255] : memref<10240x16xf32, #tpu.memory_space<vmem_shared>> -> memref<10240x16xf32, #tpu.memory_space<vmem_shared>>
      tpu.enqueue_indirect_dma source(%dma_start3A_250 : memref<128x16xf32, #tpu.memory_space<vmem>>) target(%dma_start3A_256 : memref<10240x16xf32, #tpu.memory_space<vmem_shared>>) offsets(%dma_start3A_253 : memref<128xi32, #tpu.memory_space<vmem>>) semaphore(%arg13 : memref<!tpu.dma_semaphore, #tpu.memory_space<semaphore_mem>>) {add = true}
      %add3A_257 = arith.constant 3 : i32
      %add3A_258 = arith.addi %mul3A_115, %add3A_257 : i32
      %dma_start3A_259 = arith.constant 3 : i32
      %dma_start3A_260 = arith.constant 0 : i32
      %dma_start3A_261 = arith.constant 0 : i32
      %dma_start3A_262 = tpu.memref_slice %arg9[%dma_start3A_259, %dma_start3A_260, %dma_start3A_261] : memref<4x128x16xf32, #tpu.memory_space<vmem>> -> memref<1x128x16xf32, #tpu.memory_space<vmem>>
      %dma_start3A_263 = tpu.memref_squeeze %dma_start3A_262 : memref<1x128x16xf32, #tpu.memory_space<vmem>> -> memref<128x16xf32, #tpu.memory_space<vmem>>
      %dma_start3A_264 = arith.constant 0 : i32
      %dma_start3A_265 = tpu.memref_slice %arg8[%add3A_258, %dma_start3A_264] : memref<44x128xi32, #tpu.memory_space<vmem>> -> memref<1x128xi32, #tpu.memory_space<vmem>>
      %dma_start3A_266 = tpu.memref_squeeze %dma_start3A_265 : memref<1x128xi32, #tpu.memory_space<vmem>> -> memref<128xi32, #tpu.memory_space<vmem>>
      %dma_start3A_267 = arith.constant 0 : i32
      %dma_start3A_268 = arith.constant 0 : i32
      %dma_start3A_269 = tpu.memref_slice %arg15[%dma_start3A_267, %dma_start3A_268] : memref<10240x16xf32, #tpu.memory_space<vmem_shared>> -> memref<10240x16xf32, #tpu.memory_space<vmem_shared>>
      tpu.enqueue_indirect_dma source(%dma_start3A_263 : memref<128x16xf32, #tpu.memory_space<vmem>>) target(%dma_start3A_269 : memref<10240x16xf32, #tpu.memory_space<vmem_shared>>) offsets(%dma_start3A_266 : memref<128xi32, #tpu.memory_space<vmem>>) semaphore(%arg13 : memref<!tpu.dma_semaphore, #tpu.memory_space<semaphore_mem>>) {add = true}
      %dma_wait3A_270 = arith.constant 0 : i32
      %dma_wait3A_271 = arith.constant 0 : i32
      %dma_wait3A_272 = arith.constant 0 : i32
      %dma_wait3A_273 = arith.constant 0 : i32
      %dma_wait3A_274 = tpu.memref_slice %arg10[%dma_wait3A_271, %dma_wait3A_272, %dma_wait3A_273] : memref<4x128x16xf32, #tpu.memory_space<vmem>> -> memref<1x128x16xf32, #tpu.memory_space<vmem>>
      %dma_wait3A_275 = tpu.memref_squeeze %dma_wait3A_274 : memref<1x128x16xf32, #tpu.memory_space<vmem>> -> memref<128x16xf32, #tpu.memory_space<vmem>>
      %dma_wait3A_276 = arith.constant 0 : i32
      %dma_wait3A_277 = tpu.memref_slice %arg7[%dma_wait3A_270, %dma_wait3A_276] : memref<44x128xi32, #tpu.memory_space<vmem>> -> memref<1x128xi32, #tpu.memory_space<vmem>>
      %dma_wait3A_278 = tpu.memref_squeeze %dma_wait3A_277 : memref<1x128xi32, #tpu.memory_space<vmem>> -> memref<128xi32, #tpu.memory_space<vmem>>
      %dma_wait3A_279 = arith.constant 0 : i32
      %dma_wait3A_280 = arith.constant 0 : i32
      %dma_wait3A_281 = tpu.memref_slice %arg16[%dma_wait3A_279, %dma_wait3A_280] : memref<10000x16xf32, #tpu.memory_space<vmem_shared>> -> memref<10000x16xf32, #tpu.memory_space<vmem_shared>>
      tpu.wait_indirect_dma semaphore(%arg12 : memref<!tpu.dma_semaphore, #tpu.memory_space<semaphore_mem>>) src(%dma_wait3A_281 : memref<10000x16xf32, #tpu.memory_space<vmem_shared>>) dst(%dma_wait3A_275 : memref<128x16xf32, #tpu.memory_space<vmem>>)
      %dma_wait3A_282 = arith.constant 1 : i32
      %dma_wait3A_283 = arith.constant 1 : i32
      %dma_wait3A_284 = arith.constant 0 : i32
      %dma_wait3A_285 = arith.constant 0 : i32
      %dma_wait3A_286 = tpu.memref_slice %arg10[%dma_wait3A_283, %dma_wait3A_284, %dma_wait3A_285] : memref<4x128x16xf32, #tpu.memory_space<vmem>> -> memref<1x128x16xf32, #tpu.memory_space<vmem>>
      %dma_wait3A_287 = tpu.memref_squeeze %dma_wait3A_286 : memref<1x128x16xf32, #tpu.memory_space<vmem>> -> memref<128x16xf32, #tpu.memory_space<vmem>>
      %dma_wait3A_288 = arith.constant 0 : i32
      %dma_wait3A_289 = tpu.memref_slice %arg7[%dma_wait3A_282, %dma_wait3A_288] : memref<44x128xi32, #tpu.memory_space<vmem>> -> memref<1x128xi32, #tpu.memory_space<vmem>>
      %dma_wait3A_290 = tpu.memref_squeeze %dma_wait3A_289 : memref<1x128xi32, #tpu.memory_space<vmem>> -> memref<128xi32, #tpu.memory_space<vmem>>
      %dma_wait3A_291 = arith.constant 0 : i32
      %dma_wait3A_292 = arith.constant 0 : i32
      %dma_wait3A_293 = tpu.memref_slice %arg16[%dma_wait3A_291, %dma_wait3A_292] : memref<10000x16xf32, #tpu.memory_space<vmem_shared>> -> memref<10000x16xf32, #tpu.memory_space<vmem_shared>>
      tpu.wait_indirect_dma semaphore(%arg12 : memref<!tpu.dma_semaphore, #tpu.memory_space<semaphore_mem>>) src(%dma_wait3A_293 : memref<10000x16xf32, #tpu.memory_space<vmem_shared>>) dst(%dma_wait3A_287 : memref<128x16xf32, #tpu.memory_space<vmem>>)
      %dma_wait3A_294 = arith.constant 2 : i32
      %dma_wait3A_295 = arith.constant 2 : i32
      %dma_wait3A_296 = arith.constant 0 : i32
      %dma_wait3A_297 = arith.constant 0 : i32
      %dma_wait3A_298 = tpu.memref_slice %arg10[%dma_wait3A_295, %dma_wait3A_296, %dma_wait3A_297] : memref<4x128x16xf32, #tpu.memory_space<vmem>> -> memref<1x128x16xf32, #tpu.memory_space<vmem>>
      %dma_wait3A_299 = tpu.memref_squeeze %dma_wait3A_298 : memref<1x128x16xf32, #tpu.memory_space<vmem>> -> memref<128x16xf32, #tpu.memory_space<vmem>>
      %dma_wait3A_300 = arith.constant 0 : i32
      %dma_wait3A_301 = tpu.memref_slice %arg7[%dma_wait3A_294, %dma_wait3A_300] : memref<44x128xi32, #tpu.memory_space<vmem>> -> memref<1x128xi32, #tpu.memory_space<vmem>>
      %dma_wait3A_302 = tpu.memref_squeeze %dma_wait3A_301 : memref<1x128xi32, #tpu.memory_space<vmem>> -> memref<128xi32, #tpu.memory_space<vmem>>
      %dma_wait3A_303 = arith.constant 0 : i32
      %dma_wait3A_304 = arith.constant 0 : i32
      %dma_wait3A_305 = tpu.memref_slice %arg16[%dma_wait3A_303, %dma_wait3A_304] : memref<10000x16xf32, #tpu.memory_space<vmem_shared>> -> memref<10000x16xf32, #tpu.memory_space<vmem_shared>>
      tpu.wait_indirect_dma semaphore(%arg12 : memref<!tpu.dma_semaphore, #tpu.memory_space<semaphore_mem>>) src(%dma_wait3A_305 : memref<10000x16xf32, #tpu.memory_space<vmem_shared>>) dst(%dma_wait3A_299 : memref<128x16xf32, #tpu.memory_space<vmem>>)
      %dma_wait3A_306 = arith.constant 3 : i32
      %dma_wait3A_307 = arith.constant 3 : i32
      %dma_wait3A_308 = arith.constant 0 : i32
      %dma_wait3A_309 = arith.constant 0 : i32
      %dma_wait3A_310 = tpu.memref_slice %arg10[%dma_wait3A_307, %dma_wait3A_308, %dma_wait3A_309] : memref<4x128x16xf32, #tpu.memory_space<vmem>> -> memref<1x128x16xf32, #tpu.memory_space<vmem>>
      %dma_wait3A_311 = tpu.memref_squeeze %dma_wait3A_310 : memref<1x128x16xf32, #tpu.memory_space<vmem>> -> memref<128x16xf32, #tpu.memory_space<vmem>>
      %dma_wait3A_312 = arith.constant 0 : i32
      %dma_wait3A_313 = tpu.memref_slice %arg7[%dma_wait3A_306, %dma_wait3A_312] : memref<44x128xi32, #tpu.memory_space<vmem>> -> memref<1x128xi32, #tpu.memory_space<vmem>>
      %dma_wait3A_314 = tpu.memref_squeeze %dma_wait3A_313 : memref<1x128xi32, #tpu.memory_space<vmem>> -> memref<128xi32, #tpu.memory_space<vmem>>
      %dma_wait3A_315 = arith.constant 0 : i32
      %dma_wait3A_316 = arith.constant 0 : i32
      %dma_wait3A_317 = tpu.memref_slice %arg16[%dma_wait3A_315, %dma_wait3A_316] : memref<10000x16xf32, #tpu.memory_space<vmem_shared>> -> memref<10000x16xf32, #tpu.memory_space<vmem_shared>>
      tpu.wait_indirect_dma semaphore(%arg12 : memref<!tpu.dma_semaphore, #tpu.memory_space<semaphore_mem>>) src(%dma_wait3A_317 : memref<10000x16xf32, #tpu.memory_space<vmem_shared>>) dst(%dma_wait3A_311 : memref<128x16xf32, #tpu.memory_space<vmem>>)
      %add3A_318 = arith.constant 4 : i32
      %add3A_319 = arith.addi %mul3A_115, %add3A_318 : i32
      %add3A_320 = arith.constant 0 : i32
      %add3A_321 = arith.addi %add3A_319, %add3A_320 : i32
      %dma_start3A_322 = arith.constant 0 : i32
      %dma_start3A_323 = arith.constant 0 : i32
      %dma_start3A_324 = arith.constant 0 : i32
      %dma_start3A_325 = tpu.memref_slice %arg10[%dma_start3A_322, %dma_start3A_323, %dma_start3A_324] : memref<4x128x16xf32, #tpu.memory_space<vmem>> -> memref<1x128x16xf32, #tpu.memory_space<vmem>>
      %dma_start3A_326 = tpu.memref_squeeze %dma_start3A_325 : memref<1x128x16xf32, #tpu.memory_space<vmem>> -> memref<128x16xf32, #tpu.memory_space<vmem>>
      %dma_start3A_327 = arith.constant 0 : i32
      %dma_start3A_328 = tpu.memref_slice %arg8[%add3A_321, %dma_start3A_327] : memref<44x128xi32, #tpu.memory_space<vmem>> -> memref<1x128xi32, #tpu.memory_space<vmem>>
      %dma_start3A_329 = tpu.memref_squeeze %dma_start3A_328 : memref<1x128xi32, #tpu.memory_space<vmem>> -> memref<128xi32, #tpu.memory_space<vmem>>
      %dma_start3A_330 = arith.constant 0 : i32
      %dma_start3A_331 = arith.constant 0 : i32
      %dma_start3A_332 = tpu.memref_slice %arg15[%dma_start3A_330, %dma_start3A_331] : memref<10240x16xf32, #tpu.memory_space<vmem_shared>> -> memref<10240x16xf32, #tpu.memory_space<vmem_shared>>
      tpu.enqueue_indirect_dma source(%dma_start3A_326 : memref<128x16xf32, #tpu.memory_space<vmem>>) target(%dma_start3A_332 : memref<10240x16xf32, #tpu.memory_space<vmem_shared>>) offsets(%dma_start3A_329 : memref<128xi32, #tpu.memory_space<vmem>>) semaphore(%arg14 : memref<!tpu.dma_semaphore, #tpu.memory_space<semaphore_mem>>) {add = true}
      %add3A_333 = arith.constant 1 : i32
      %add3A_334 = arith.addi %add3A_319, %add3A_333 : i32
      %dma_start3A_335 = arith.constant 1 : i32
      %dma_start3A_336 = arith.constant 0 : i32
      %dma_start3A_337 = arith.constant 0 : i32
      %dma_start3A_338 = tpu.memref_slice %arg10[%dma_start3A_335, %dma_start3A_336, %dma_start3A_337] : memref<4x128x16xf32, #tpu.memory_space<vmem>> -> memref<1x128x16xf32, #tpu.memory_space<vmem>>
      %dma_start3A_339 = tpu.memref_squeeze %dma_start3A_338 : memref<1x128x16xf32, #tpu.memory_space<vmem>> -> memref<128x16xf32, #tpu.memory_space<vmem>>
      %dma_start3A_340 = arith.constant 0 : i32
      %dma_start3A_341 = tpu.memref_slice %arg8[%add3A_334, %dma_start3A_340] : memref<44x128xi32, #tpu.memory_space<vmem>> -> memref<1x128xi32, #tpu.memory_space<vmem>>
      %dma_start3A_342 = tpu.memref_squeeze %dma_start3A_341 : memref<1x128xi32, #tpu.memory_space<vmem>> -> memref<128xi32, #tpu.memory_space<vmem>>
      %dma_start3A_343 = arith.constant 0 : i32
      %dma_start3A_344 = arith.constant 0 : i32
      %dma_start3A_345 = tpu.memref_slice %arg15[%dma_start3A_343, %dma_start3A_344] : memref<10240x16xf32, #tpu.memory_space<vmem_shared>> -> memref<10240x16xf32, #tpu.memory_space<vmem_shared>>
      tpu.enqueue_indirect_dma source(%dma_start3A_339 : memref<128x16xf32, #tpu.memory_space<vmem>>) target(%dma_start3A_345 : memref<10240x16xf32, #tpu.memory_space<vmem_shared>>) offsets(%dma_start3A_342 : memref<128xi32, #tpu.memory_space<vmem>>) semaphore(%arg14 : memref<!tpu.dma_semaphore, #tpu.memory_space<semaphore_mem>>) {add = true}
      %add3A_346 = arith.constant 2 : i32
      %add3A_347 = arith.addi %add3A_319, %add3A_346 : i32
      %dma_start3A_348 = arith.constant 2 : i32
      %dma_start3A_349 = arith.constant 0 : i32
      %dma_start3A_350 = arith.constant 0 : i32
      %dma_start3A_351 = tpu.memref_slice %arg10[%dma_start3A_348, %dma_start3A_349, %dma_start3A_350] : memref<4x128x16xf32, #tpu.memory_space<vmem>> -> memref<1x128x16xf32, #tpu.memory_space<vmem>>
      %dma_start3A_352 = tpu.memref_squeeze %dma_start3A_351 : memref<1x128x16xf32, #tpu.memory_space<vmem>> -> memref<128x16xf32, #tpu.memory_space<vmem>>
      %dma_start3A_353 = arith.constant 0 : i32
      %dma_start3A_354 = tpu.memref_slice %arg8[%add3A_347, %dma_start3A_353] : memref<44x128xi32, #tpu.memory_space<vmem>> -> memref<1x128xi32, #tpu.memory_space<vmem>>
      %dma_start3A_355 = tpu.memref_squeeze %dma_start3A_354 : memref<1x128xi32, #tpu.memory_space<vmem>> -> memref<128xi32, #tpu.memory_space<vmem>>
      %dma_start3A_356 = arith.constant 0 : i32
      %dma_start3A_357 = arith.constant 0 : i32
      %dma_start3A_358 = tpu.memref_slice %arg15[%dma_start3A_356, %dma_start3A_357] : memref<10240x16xf32, #tpu.memory_space<vmem_shared>> -> memref<10240x16xf32, #tpu.memory_space<vmem_shared>>
      tpu.enqueue_indirect_dma source(%dma_start3A_352 : memref<128x16xf32, #tpu.memory_space<vmem>>) target(%dma_start3A_358 : memref<10240x16xf32, #tpu.memory_space<vmem_shared>>) offsets(%dma_start3A_355 : memref<128xi32, #tpu.memory_space<vmem>>) semaphore(%arg14 : memref<!tpu.dma_semaphore, #tpu.memory_space<semaphore_mem>>) {add = true}
      %add3A_359 = arith.constant 3 : i32
      %add3A_360 = arith.addi %add3A_319, %add3A_359 : i32
      %dma_start3A_361 = arith.constant 3 : i32
      %dma_start3A_362 = arith.constant 0 : i32
      %dma_start3A_363 = arith.constant 0 : i32
      %dma_start3A_364 = tpu.memref_slice %arg10[%dma_start3A_361, %dma_start3A_362, %dma_start3A_363] : memref<4x128x16xf32, #tpu.memory_space<vmem>> -> memref<1x128x16xf32, #tpu.memory_space<vmem>>
      %dma_start3A_365 = tpu.memref_squeeze %dma_start3A_364 : memref<1x128x16xf32, #tpu.memory_space<vmem>> -> memref<128x16xf32, #tpu.memory_space<vmem>>
      %dma_start3A_366 = arith.constant 0 : i32
      %dma_start3A_367 = tpu.memref_slice %arg8[%add3A_360, %dma_start3A_366] : memref<44x128xi32, #tpu.memory_space<vmem>> -> memref<1x128xi32, #tpu.memory_space<vmem>>
      %dma_start3A_368 = tpu.memref_squeeze %dma_start3A_367 : memref<1x128xi32, #tpu.memory_space<vmem>> -> memref<128xi32, #tpu.memory_space<vmem>>
      %dma_start3A_369 = arith.constant 0 : i32
      %dma_start3A_370 = arith.constant 0 : i32
      %dma_start3A_371 = tpu.memref_slice %arg15[%dma_start3A_369, %dma_start3A_370] : memref<10240x16xf32, #tpu.memory_space<vmem_shared>> -> memref<10240x16xf32, #tpu.memory_space<vmem_shared>>
      tpu.enqueue_indirect_dma source(%dma_start3A_365 : memref<128x16xf32, #tpu.memory_space<vmem>>) target(%dma_start3A_371 : memref<10240x16xf32, #tpu.memory_space<vmem_shared>>) offsets(%dma_start3A_368 : memref<128xi32, #tpu.memory_space<vmem>>) semaphore(%arg14 : memref<!tpu.dma_semaphore, #tpu.memory_space<semaphore_mem>>) {add = true}
      %dma_wait3A_372 = arith.constant 0 : i32
      %dma_wait3A_373 = arith.constant 0 : i32
      %dma_wait3A_374 = arith.constant 0 : i32
      %dma_wait3A_375 = arith.constant 0 : i32
      %dma_wait3A_376 = tpu.memref_slice %arg9[%dma_wait3A_372, %dma_wait3A_374, %dma_wait3A_375] : memref<4x128x16xf32, #tpu.memory_space<vmem>> -> memref<1x128x16xf32, #tpu.memory_space<vmem>>
      %dma_wait3A_377 = tpu.memref_squeeze %dma_wait3A_376 : memref<1x128x16xf32, #tpu.memory_space<vmem>> -> memref<128x16xf32, #tpu.memory_space<vmem>>
      %dma_wait3A_378 = arith.constant 0 : i32
      %dma_wait3A_379 = tpu.memref_slice %arg8[%dma_wait3A_373, %dma_wait3A_378] : memref<44x128xi32, #tpu.memory_space<vmem>> -> memref<1x128xi32, #tpu.memory_space<vmem>>
      %dma_wait3A_380 = tpu.memref_squeeze %dma_wait3A_379 : memref<1x128xi32, #tpu.memory_space<vmem>> -> memref<128xi32, #tpu.memory_space<vmem>>
      %dma_wait3A_381 = arith.constant 0 : i32
      %dma_wait3A_382 = arith.constant 0 : i32
      %dma_wait3A_383 = tpu.memref_slice %arg15[%dma_wait3A_381, %dma_wait3A_382] : memref<10240x16xf32, #tpu.memory_space<vmem_shared>> -> memref<10240x16xf32, #tpu.memory_space<vmem_shared>>
      tpu.wait_indirect_dma semaphore(%arg13 : memref<!tpu.dma_semaphore, #tpu.memory_space<semaphore_mem>>) src(%dma_wait3A_377 : memref<128x16xf32, #tpu.memory_space<vmem>>) dst(%dma_wait3A_383 : memref<10240x16xf32, #tpu.memory_space<vmem_shared>>)
      %dma_wait3A_384 = arith.constant 1 : i32
      %dma_wait3A_385 = arith.constant 1 : i32
      %dma_wait3A_386 = arith.constant 0 : i32
      %dma_wait3A_387 = arith.constant 0 : i32
      %dma_wait3A_388 = tpu.memref_slice %arg9[%dma_wait3A_384, %dma_wait3A_386, %dma_wait3A_387] : memref<4x128x16xf32, #tpu.memory_space<vmem>> -> memref<1x128x16xf32, #tpu.memory_space<vmem>>
      %dma_wait3A_389 = tpu.memref_squeeze %dma_wait3A_388 : memref<1x128x16xf32, #tpu.memory_space<vmem>> -> memref<128x16xf32, #tpu.memory_space<vmem>>
      %dma_wait3A_390 = arith.constant 0 : i32
      %dma_wait3A_391 = tpu.memref_slice %arg8[%dma_wait3A_385, %dma_wait3A_390] : memref<44x128xi32, #tpu.memory_space<vmem>> -> memref<1x128xi32, #tpu.memory_space<vmem>>
      %dma_wait3A_392 = tpu.memref_squeeze %dma_wait3A_391 : memref<1x128xi32, #tpu.memory_space<vmem>> -> memref<128xi32, #tpu.memory_space<vmem>>
      %dma_wait3A_393 = arith.constant 0 : i32
      %dma_wait3A_394 = arith.constant 0 : i32
      %dma_wait3A_395 = tpu.memref_slice %arg15[%dma_wait3A_393, %dma_wait3A_394] : memref<10240x16xf32, #tpu.memory_space<vmem_shared>> -> memref<10240x16xf32, #tpu.memory_space<vmem_shared>>
      tpu.wait_indirect_dma semaphore(%arg13 : memref<!tpu.dma_semaphore, #tpu.memory_space<semaphore_mem>>) src(%dma_wait3A_389 : memref<128x16xf32, #tpu.memory_space<vmem>>) dst(%dma_wait3A_395 : memref<10240x16xf32, #tpu.memory_space<vmem_shared>>)
      %dma_wait3A_396 = arith.constant 2 : i32
      %dma_wait3A_397 = arith.constant 2 : i32
      %dma_wait3A_398 = arith.constant 0 : i32
      %dma_wait3A_399 = arith.constant 0 : i32
      %dma_wait3A_400 = tpu.memref_slice %arg9[%dma_wait3A_396, %dma_wait3A_398, %dma_wait3A_399] : memref<4x128x16xf32, #tpu.memory_space<vmem>> -> memref<1x128x16xf32, #tpu.memory_space<vmem>>
      %dma_wait3A_401 = tpu.memref_squeeze %dma_wait3A_400 : memref<1x128x16xf32, #tpu.memory_space<vmem>> -> memref<128x16xf32, #tpu.memory_space<vmem>>
      %dma_wait3A_402 = arith.constant 0 : i32
      %dma_wait3A_403 = tpu.memref_slice %arg8[%dma_wait3A_397, %dma_wait3A_402] : memref<44x128xi32, #tpu.memory_space<vmem>> -> memref<1x128xi32, #tpu.memory_space<vmem>>
      %dma_wait3A_404 = tpu.memref_squeeze %dma_wait3A_403 : memref<1x128xi32, #tpu.memory_space<vmem>> -> memref<128xi32, #tpu.memory_space<vmem>>
      %dma_wait3A_405 = arith.constant 0 : i32
      %dma_wait3A_406 = arith.constant 0 : i32
      %dma_wait3A_407 = tpu.memref_slice %arg15[%dma_wait3A_405, %dma_wait3A_406] : memref<10240x16xf32, #tpu.memory_space<vmem_shared>> -> memref<10240x16xf32, #tpu.memory_space<vmem_shared>>
      tpu.wait_indirect_dma semaphore(%arg13 : memref<!tpu.dma_semaphore, #tpu.memory_space<semaphore_mem>>) src(%dma_wait3A_401 : memref<128x16xf32, #tpu.memory_space<vmem>>) dst(%dma_wait3A_407 : memref<10240x16xf32, #tpu.memory_space<vmem_shared>>)
      %dma_wait3A_408 = arith.constant 3 : i32
      %dma_wait3A_409 = arith.constant 3 : i32
      %dma_wait3A_410 = arith.constant 0 : i32
      %dma_wait3A_411 = arith.constant 0 : i32
      %dma_wait3A_412 = tpu.memref_slice %arg9[%dma_wait3A_408, %dma_wait3A_410, %dma_wait3A_411] : memref<4x128x16xf32, #tpu.memory_space<vmem>> -> memref<1x128x16xf32, #tpu.memory_space<vmem>>
      %dma_wait3A_413 = tpu.memref_squeeze %dma_wait3A_412 : memref<1x128x16xf32, #tpu.memory_space<vmem>> -> memref<128x16xf32, #tpu.memory_space<vmem>>
      %dma_wait3A_414 = arith.constant 0 : i32
      %dma_wait3A_415 = tpu.memref_slice %arg8[%dma_wait3A_409, %dma_wait3A_414] : memref<44x128xi32, #tpu.memory_space<vmem>> -> memref<1x128xi32, #tpu.memory_space<vmem>>
      %dma_wait3A_416 = tpu.memref_squeeze %dma_wait3A_415 : memref<1x128xi32, #tpu.memory_space<vmem>> -> memref<128xi32, #tpu.memory_space<vmem>>
      %dma_wait3A_417 = arith.constant 0 : i32
      %dma_wait3A_418 = arith.constant 0 : i32
      %dma_wait3A_419 = tpu.memref_slice %arg15[%dma_wait3A_417, %dma_wait3A_418] : memref<10240x16xf32, #tpu.memory_space<vmem_shared>> -> memref<10240x16xf32, #tpu.memory_space<vmem_shared>>
      tpu.wait_indirect_dma semaphore(%arg13 : memref<!tpu.dma_semaphore, #tpu.memory_space<semaphore_mem>>) src(%dma_wait3A_413 : memref<128x16xf32, #tpu.memory_space<vmem>>) dst(%dma_wait3A_419 : memref<10240x16xf32, #tpu.memory_space<vmem_shared>>)
      %add3A_420 = arith.constant 8 : i32
      %add3A_421 = arith.addi %mul3A_115, %add3A_420 : i32
      %add3A_422 = arith.constant 0 : i32
      %add3A_423 = arith.addi %add3A_421, %add3A_422 : i32
      %dma_start3A_424 = arith.constant 0 : i32
      %dma_start3A_425 = arith.constant 0 : i32
      %dma_start3A_426 = arith.constant 0 : i32
      %dma_start3A_427 = tpu.memref_slice %arg9[%dma_start3A_424, %dma_start3A_425, %dma_start3A_426] : memref<4x128x16xf32, #tpu.memory_space<vmem>> -> memref<1x128x16xf32, #tpu.memory_space<vmem>>
      %dma_start3A_428 = tpu.memref_squeeze %dma_start3A_427 : memref<1x128x16xf32, #tpu.memory_space<vmem>> -> memref<128x16xf32, #tpu.memory_space<vmem>>
      %dma_start3A_429 = arith.constant 0 : i32
      %dma_start3A_430 = tpu.memref_slice %arg7[%add3A_423, %dma_start3A_429] : memref<44x128xi32, #tpu.memory_space<vmem>> -> memref<1x128xi32, #tpu.memory_space<vmem>>
      %dma_start3A_431 = tpu.memref_squeeze %dma_start3A_430 : memref<1x128xi32, #tpu.memory_space<vmem>> -> memref<128xi32, #tpu.memory_space<vmem>>
      %dma_start3A_432 = arith.constant 0 : i32
      %dma_start3A_433 = arith.constant 0 : i32
      %dma_start3A_434 = tpu.memref_slice %arg16[%dma_start3A_432, %dma_start3A_433] : memref<10000x16xf32, #tpu.memory_space<vmem_shared>> -> memref<10000x16xf32, #tpu.memory_space<vmem_shared>>
      tpu.enqueue_indirect_dma source(%dma_start3A_434 : memref<10000x16xf32, #tpu.memory_space<vmem_shared>>) target(%dma_start3A_428 : memref<128x16xf32, #tpu.memory_space<vmem>>) offsets(%dma_start3A_431 : memref<128xi32, #tpu.memory_space<vmem>>) semaphore(%arg11 : memref<!tpu.dma_semaphore, #tpu.memory_space<semaphore_mem>>)
      %add3A_435 = arith.constant 1 : i32
      %add3A_436 = arith.addi %add3A_421, %add3A_435 : i32
      %dma_start3A_437 = arith.constant 1 : i32
      %dma_start3A_438 = arith.constant 0 : i32
      %dma_start3A_439 = arith.constant 0 : i32
      %dma_start3A_440 = tpu.memref_slice %arg9[%dma_start3A_437, %dma_start3A_438, %dma_start3A_439] : memref<4x128x16xf32, #tpu.memory_space<vmem>> -> memref<1x128x16xf32, #tpu.memory_space<vmem>>
      %dma_start3A_441 = tpu.memref_squeeze %dma_start3A_440 : memref<1x128x16xf32, #tpu.memory_space<vmem>> -> memref<128x16xf32, #tpu.memory_space<vmem>>
      %dma_start3A_442 = arith.constant 0 : i32
      %dma_start3A_443 = tpu.memref_slice %arg7[%add3A_436, %dma_start3A_442] : memref<44x128xi32, #tpu.memory_space<vmem>> -> memref<1x128xi32, #tpu.memory_space<vmem>>
      %dma_start3A_444 = tpu.memref_squeeze %dma_start3A_443 : memref<1x128xi32, #tpu.memory_space<vmem>> -> memref<128xi32, #tpu.memory_space<vmem>>
      %dma_start3A_445 = arith.constant 0 : i32
      %dma_start3A_446 = arith.constant 0 : i32
      %dma_start3A_447 = tpu.memref_slice %arg16[%dma_start3A_445, %dma_start3A_446] : memref<10000x16xf32, #tpu.memory_space<vmem_shared>> -> memref<10000x16xf32, #tpu.memory_space<vmem_shared>>
      tpu.enqueue_indirect_dma source(%dma_start3A_447 : memref<10000x16xf32, #tpu.memory_space<vmem_shared>>) target(%dma_start3A_441 : memref<128x16xf32, #tpu.memory_space<vmem>>) offsets(%dma_start3A_444 : memref<128xi32, #tpu.memory_space<vmem>>) semaphore(%arg11 : memref<!tpu.dma_semaphore, #tpu.memory_space<semaphore_mem>>)
      %add3A_448 = arith.constant 2 : i32
      %add3A_449 = arith.addi %add3A_421, %add3A_448 : i32
      %dma_start3A_450 = arith.constant 2 : i32
      %dma_start3A_451 = arith.constant 0 : i32
      %dma_start3A_452 = arith.constant 0 : i32
      %dma_start3A_453 = tpu.memref_slice %arg9[%dma_start3A_450, %dma_start3A_451, %dma_start3A_452] : memref<4x128x16xf32, #tpu.memory_space<vmem>> -> memref<1x128x16xf32, #tpu.memory_space<vmem>>
      %dma_start3A_454 = tpu.memref_squeeze %dma_start3A_453 : memref<1x128x16xf32, #tpu.memory_space<vmem>> -> memref<128x16xf32, #tpu.memory_space<vmem>>
      %dma_start3A_455 = arith.constant 0 : i32
      %dma_start3A_456 = tpu.memref_slice %arg7[%add3A_449, %dma_start3A_455] : memref<44x128xi32, #tpu.memory_space<vmem>> -> memref<1x128xi32, #tpu.memory_space<vmem>>
      %dma_start3A_457 = tpu.memref_squeeze %dma_start3A_456 : memref<1x128xi32, #tpu.memory_space<vmem>> -> memref<128xi32, #tpu.memory_space<vmem>>
      %dma_start3A_458 = arith.constant 0 : i32
      %dma_start3A_459 = arith.constant 0 : i32
      %dma_start3A_460 = tpu.memref_slice %arg16[%dma_start3A_458, %dma_start3A_459] : memref<10000x16xf32, #tpu.memory_space<vmem_shared>> -> memref<10000x16xf32, #tpu.memory_space<vmem_shared>>
      tpu.enqueue_indirect_dma source(%dma_start3A_460 : memref<10000x16xf32, #tpu.memory_space<vmem_shared>>) target(%dma_start3A_454 : memref<128x16xf32, #tpu.memory_space<vmem>>) offsets(%dma_start3A_457 : memref<128xi32, #tpu.memory_space<vmem>>) semaphore(%arg11 : memref<!tpu.dma_semaphore, #tpu.memory_space<semaphore_mem>>)
      %add3A_461 = arith.constant 3 : i32
      %add3A_462 = arith.addi %add3A_421, %add3A_461 : i32
      %dma_start3A_463 = arith.constant 3 : i32
      %dma_start3A_464 = arith.constant 0 : i32
      %dma_start3A_465 = arith.constant 0 : i32
      %dma_start3A_466 = tpu.memref_slice %arg9[%dma_start3A_463, %dma_start3A_464, %dma_start3A_465] : memref<4x128x16xf32, #tpu.memory_space<vmem>> -> memref<1x128x16xf32, #tpu.memory_space<vmem>>
      %dma_start3A_467 = tpu.memref_squeeze %dma_start3A_466 : memref<1x128x16xf32, #tpu.memory_space<vmem>> -> memref<128x16xf32, #tpu.memory_space<vmem>>
      %dma_start3A_468 = arith.constant 0 : i32
      %dma_start3A_469 = tpu.memref_slice %arg7[%add3A_462, %dma_start3A_468] : memref<44x128xi32, #tpu.memory_space<vmem>> -> memref<1x128xi32, #tpu.memory_space<vmem>>
      %dma_start3A_470 = tpu.memref_squeeze %dma_start3A_469 : memref<1x128xi32, #tpu.memory_space<vmem>> -> memref<128xi32, #tpu.memory_space<vmem>>
      %dma_start3A_471 = arith.constant 0 : i32
      %dma_start3A_472 = arith.constant 0 : i32
      %dma_start3A_473 = tpu.memref_slice %arg16[%dma_start3A_471, %dma_start3A_472] : memref<10000x16xf32, #tpu.memory_space<vmem_shared>> -> memref<10000x16xf32, #tpu.memory_space<vmem_shared>>
      tpu.enqueue_indirect_dma source(%dma_start3A_473 : memref<10000x16xf32, #tpu.memory_space<vmem_shared>>) target(%dma_start3A_467 : memref<128x16xf32, #tpu.memory_space<vmem>>) offsets(%dma_start3A_470 : memref<128xi32, #tpu.memory_space<vmem>>) semaphore(%arg11 : memref<!tpu.dma_semaphore, #tpu.memory_space<semaphore_mem>>)
      %dma_wait3A_474 = arith.constant 0 : i32
      %dma_wait3A_475 = arith.constant 0 : i32
      %dma_wait3A_476 = arith.constant 0 : i32
      %dma_wait3A_477 = arith.constant 0 : i32
      %dma_wait3A_478 = tpu.memref_slice %arg10[%dma_wait3A_474, %dma_wait3A_476, %dma_wait3A_477] : memref<4x128x16xf32, #tpu.memory_space<vmem>> -> memref<1x128x16xf32, #tpu.memory_space<vmem>>
      %dma_wait3A_479 = tpu.memref_squeeze %dma_wait3A_478 : memref<1x128x16xf32, #tpu.memory_space<vmem>> -> memref<128x16xf32, #tpu.memory_space<vmem>>
      %dma_wait3A_480 = arith.constant 0 : i32
      %dma_wait3A_481 = tpu.memref_slice %arg8[%dma_wait3A_475, %dma_wait3A_480] : memref<44x128xi32, #tpu.memory_space<vmem>> -> memref<1x128xi32, #tpu.memory_space<vmem>>
      %dma_wait3A_482 = tpu.memref_squeeze %dma_wait3A_481 : memref<1x128xi32, #tpu.memory_space<vmem>> -> memref<128xi32, #tpu.memory_space<vmem>>
      %dma_wait3A_483 = arith.constant 0 : i32
      %dma_wait3A_484 = arith.constant 0 : i32
      %dma_wait3A_485 = tpu.memref_slice %arg15[%dma_wait3A_483, %dma_wait3A_484] : memref<10240x16xf32, #tpu.memory_space<vmem_shared>> -> memref<10240x16xf32, #tpu.memory_space<vmem_shared>>
      tpu.wait_indirect_dma semaphore(%arg14 : memref<!tpu.dma_semaphore, #tpu.memory_space<semaphore_mem>>) src(%dma_wait3A_479 : memref<128x16xf32, #tpu.memory_space<vmem>>) dst(%dma_wait3A_485 : memref<10240x16xf32, #tpu.memory_space<vmem_shared>>)
      %dma_wait3A_486 = arith.constant 1 : i32
      %dma_wait3A_487 = arith.constant 1 : i32
      %dma_wait3A_488 = arith.constant 0 : i32
      %dma_wait3A_489 = arith.constant 0 : i32
      %dma_wait3A_490 = tpu.memref_slice %arg10[%dma_wait3A_486, %dma_wait3A_488, %dma_wait3A_489] : memref<4x128x16xf32, #tpu.memory_space<vmem>> -> memref<1x128x16xf32, #tpu.memory_space<vmem>>
      %dma_wait3A_491 = tpu.memref_squeeze %dma_wait3A_490 : memref<1x128x16xf32, #tpu.memory_space<vmem>> -> memref<128x16xf32, #tpu.memory_space<vmem>>
      %dma_wait3A_492 = arith.constant 0 : i32
      %dma_wait3A_493 = tpu.memref_slice %arg8[%dma_wait3A_487, %dma_wait3A_492] : memref<44x128xi32, #tpu.memory_space<vmem>> -> memref<1x128xi32, #tpu.memory_space<vmem>>
      %dma_wait3A_494 = tpu.memref_squeeze %dma_wait3A_493 : memref<1x128xi32, #tpu.memory_space<vmem>> -> memref<128xi32, #tpu.memory_space<vmem>>
      %dma_wait3A_495 = arith.constant 0 : i32
      %dma_wait3A_496 = arith.constant 0 : i32
      %dma_wait3A_497 = tpu.memref_slice %arg15[%dma_wait3A_495, %dma_wait3A_496] : memref<10240x16xf32, #tpu.memory_space<vmem_shared>> -> memref<10240x16xf32, #tpu.memory_space<vmem_shared>>
      tpu.wait_indirect_dma semaphore(%arg14 : memref<!tpu.dma_semaphore, #tpu.memory_space<semaphore_mem>>) src(%dma_wait3A_491 : memref<128x16xf32, #tpu.memory_space<vmem>>) dst(%dma_wait3A_497 : memref<10240x16xf32, #tpu.memory_space<vmem_shared>>)
      %dma_wait3A_498 = arith.constant 2 : i32
      %dma_wait3A_499 = arith.constant 2 : i32
      %dma_wait3A_500 = arith.constant 0 : i32
      %dma_wait3A_501 = arith.constant 0 : i32
      %dma_wait3A_502 = tpu.memref_slice %arg10[%dma_wait3A_498, %dma_wait3A_500, %dma_wait3A_501] : memref<4x128x16xf32, #tpu.memory_space<vmem>> -> memref<1x128x16xf32, #tpu.memory_space<vmem>>
      %dma_wait3A_503 = tpu.memref_squeeze %dma_wait3A_502 : memref<1x128x16xf32, #tpu.memory_space<vmem>> -> memref<128x16xf32, #tpu.memory_space<vmem>>
      %dma_wait3A_504 = arith.constant 0 : i32
      %dma_wait3A_505 = tpu.memref_slice %arg8[%dma_wait3A_499, %dma_wait3A_504] : memref<44x128xi32, #tpu.memory_space<vmem>> -> memref<1x128xi32, #tpu.memory_space<vmem>>
      %dma_wait3A_506 = tpu.memref_squeeze %dma_wait3A_505 : memref<1x128xi32, #tpu.memory_space<vmem>> -> memref<128xi32, #tpu.memory_space<vmem>>
      %dma_wait3A_507 = arith.constant 0 : i32
      %dma_wait3A_508 = arith.constant 0 : i32
      %dma_wait3A_509 = tpu.memref_slice %arg15[%dma_wait3A_507, %dma_wait3A_508] : memref<10240x16xf32, #tpu.memory_space<vmem_shared>> -> memref<10240x16xf32, #tpu.memory_space<vmem_shared>>
      tpu.wait_indirect_dma semaphore(%arg14 : memref<!tpu.dma_semaphore, #tpu.memory_space<semaphore_mem>>) src(%dma_wait3A_503 : memref<128x16xf32, #tpu.memory_space<vmem>>) dst(%dma_wait3A_509 : memref<10240x16xf32, #tpu.memory_space<vmem_shared>>)
      %dma_wait3A_510 = arith.constant 3 : i32
      %dma_wait3A_511 = arith.constant 3 : i32
      %dma_wait3A_512 = arith.constant 0 : i32
      %dma_wait3A_513 = arith.constant 0 : i32
      %dma_wait3A_514 = tpu.memref_slice %arg10[%dma_wait3A_510, %dma_wait3A_512, %dma_wait3A_513] : memref<4x128x16xf32, #tpu.memory_space<vmem>> -> memref<1x128x16xf32, #tpu.memory_space<vmem>>
      %dma_wait3A_515 = tpu.memref_squeeze %dma_wait3A_514 : memref<1x128x16xf32, #tpu.memory_space<vmem>> -> memref<128x16xf32, #tpu.memory_space<vmem>>
      %dma_wait3A_516 = arith.constant 0 : i32
      %dma_wait3A_517 = tpu.memref_slice %arg8[%dma_wait3A_511, %dma_wait3A_516] : memref<44x128xi32, #tpu.memory_space<vmem>> -> memref<1x128xi32, #tpu.memory_space<vmem>>
      %dma_wait3A_518 = tpu.memref_squeeze %dma_wait3A_517 : memref<1x128xi32, #tpu.memory_space<vmem>> -> memref<128xi32, #tpu.memory_space<vmem>>
      %dma_wait3A_519 = arith.constant 0 : i32
      %dma_wait3A_520 = arith.constant 0 : i32
      %dma_wait3A_521 = tpu.memref_slice %arg15[%dma_wait3A_519, %dma_wait3A_520] : memref<10240x16xf32, #tpu.memory_space<vmem_shared>> -> memref<10240x16xf32, #tpu.memory_space<vmem_shared>>
      tpu.wait_indirect_dma semaphore(%arg14 : memref<!tpu.dma_semaphore, #tpu.memory_space<semaphore_mem>>) src(%dma_wait3A_515 : memref<128x16xf32, #tpu.memory_space<vmem>>) dst(%dma_wait3A_521 : memref<10240x16xf32, #tpu.memory_space<vmem_shared>>)
    }
    %scan3A_60 = arith.constant 5 : i32
    %dma_wait3A = arith.constant 0 : i32
    %dma_wait3A_61 = arith.constant 0 : i32
    %dma_wait3A_62 = arith.constant 0 : i32
    %dma_wait3A_63 = arith.constant 0 : i32
    %dma_wait3A_64 = tpu.memref_slice %arg9[%dma_wait3A_61, %dma_wait3A_62, %dma_wait3A_63] : memref<4x128x16xf32, #tpu.memory_space<vmem>> -> memref<1x128x16xf32, #tpu.memory_space<vmem>>
    %dma_wait3A_65 = tpu.memref_squeeze %dma_wait3A_64 : memref<1x128x16xf32, #tpu.memory_space<vmem>> -> memref<128x16xf32, #tpu.memory_space<vmem>>
    %dma_wait3A_66 = arith.constant 0 : i32
    %dma_wait3A_67 = tpu.memref_slice %arg7[%dma_wait3A, %dma_wait3A_66] : memref<44x128xi32, #tpu.memory_space<vmem>> -> memref<1x128xi32, #tpu.memory_space<vmem>>
    %dma_wait3A_68 = tpu.memref_squeeze %dma_wait3A_67 : memref<1x128xi32, #tpu.memory_space<vmem>> -> memref<128xi32, #tpu.memory_space<vmem>>
    %dma_wait3A_69 = arith.constant 0 : i32
    %dma_wait3A_70 = arith.constant 0 : i32
    %dma_wait3A_71 = tpu.memref_slice %arg16[%dma_wait3A_69, %dma_wait3A_70] : memref<10000x16xf32, #tpu.memory_space<vmem_shared>> -> memref<10000x16xf32, #tpu.memory_space<vmem_shared>>
    tpu.wait_indirect_dma semaphore(%arg11 : memref<!tpu.dma_semaphore, #tpu.memory_space<semaphore_mem>>) src(%dma_wait3A_71 : memref<10000x16xf32, #tpu.memory_space<vmem_shared>>) dst(%dma_wait3A_65 : memref<128x16xf32, #tpu.memory_space<vmem>>)
    %dma_wait3A_72 = arith.constant 1 : i32
    %dma_wait3A_73 = arith.constant 1 : i32
    %dma_wait3A_74 = arith.constant 0 : i32
    %dma_wait3A_75 = arith.constant 0 : i32
    %dma_wait3A_76 = tpu.memref_slice %arg9[%dma_wait3A_73, %dma_wait3A_74, %dma_wait3A_75] : memref<4x128x16xf32, #tpu.memory_space<vmem>> -> memref<1x128x16xf32, #tpu.memory_space<vmem>>
    %dma_wait3A_77 = tpu.memref_squeeze %dma_wait3A_76 : memref<1x128x16xf32, #tpu.memory_space<vmem>> -> memref<128x16xf32, #tpu.memory_space<vmem>>
    %dma_wait3A_78 = arith.constant 0 : i32
    %dma_wait3A_79 = tpu.memref_slice %arg7[%dma_wait3A_72, %dma_wait3A_78] : memref<44x128xi32, #tpu.memory_space<vmem>> -> memref<1x128xi32, #tpu.memory_space<vmem>>
    %dma_wait3A_80 = tpu.memref_squeeze %dma_wait3A_79 : memref<1x128xi32, #tpu.memory_space<vmem>> -> memref<128xi32, #tpu.memory_space<vmem>>
    %dma_wait3A_81 = arith.constant 0 : i32
    %dma_wait3A_82 = arith.constant 0 : i32
    %dma_wait3A_83 = tpu.memref_slice %arg16[%dma_wait3A_81, %dma_wait3A_82] : memref<10000x16xf32, #tpu.memory_space<vmem_shared>> -> memref<10000x16xf32, #tpu.memory_space<vmem_shared>>
    tpu.wait_indirect_dma semaphore(%arg11 : memref<!tpu.dma_semaphore, #tpu.memory_space<semaphore_mem>>) src(%dma_wait3A_83 : memref<10000x16xf32, #tpu.memory_space<vmem_shared>>) dst(%dma_wait3A_77 : memref<128x16xf32, #tpu.memory_space<vmem>>)
    %dma_wait3A_84 = arith.constant 2 : i32
    %dma_wait3A_85 = arith.constant 2 : i32
    %dma_wait3A_86 = arith.constant 0 : i32
    %dma_wait3A_87 = arith.constant 0 : i32
    %dma_wait3A_88 = tpu.memref_slice %arg9[%dma_wait3A_85, %dma_wait3A_86, %dma_wait3A_87] : memref<4x128x16xf32, #tpu.memory_space<vmem>> -> memref<1x128x16xf32, #tpu.memory_space<vmem>>
    %dma_wait3A_89 = tpu.memref_squeeze %dma_wait3A_88 : memref<1x128x16xf32, #tpu.memory_space<vmem>> -> memref<128x16xf32, #tpu.memory_space<vmem>>
    %dma_wait3A_90 = arith.constant 0 : i32
    %dma_wait3A_91 = tpu.memref_slice %arg7[%dma_wait3A_84, %dma_wait3A_90] : memref<44x128xi32, #tpu.memory_space<vmem>> -> memref<1x128xi32, #tpu.memory_space<vmem>>
    %dma_wait3A_92 = tpu.memref_squeeze %dma_wait3A_91 : memref<1x128xi32, #tpu.memory_space<vmem>> -> memref<128xi32, #tpu.memory_space<vmem>>
    %dma_wait3A_93 = arith.constant 0 : i32
    %dma_wait3A_94 = arith.constant 0 : i32
    %dma_wait3A_95 = tpu.memref_slice %arg16[%dma_wait3A_93, %dma_wait3A_94] : memref<10000x16xf32, #tpu.memory_space<vmem_shared>> -> memref<10000x16xf32, #tpu.memory_space<vmem_shared>>
    tpu.wait_indirect_dma semaphore(%arg11 : memref<!tpu.dma_semaphore, #tpu.memory_space<semaphore_mem>>) src(%dma_wait3A_95 : memref<10000x16xf32, #tpu.memory_space<vmem_shared>>) dst(%dma_wait3A_89 : memref<128x16xf32, #tpu.memory_space<vmem>>)
    %dma_wait3A_96 = arith.constant 3 : i32
    %dma_wait3A_97 = arith.constant 3 : i32
    %dma_wait3A_98 = arith.constant 0 : i32
    %dma_wait3A_99 = arith.constant 0 : i32
    %dma_wait3A_100 = tpu.memref_slice %arg9[%dma_wait3A_97, %dma_wait3A_98, %dma_wait3A_99] : memref<4x128x16xf32, #tpu.memory_space<vmem>> -> memref<1x128x16xf32, #tpu.memory_space<vmem>>
    %dma_wait3A_101 = tpu.memref_squeeze %dma_wait3A_100 : memref<1x128x16xf32, #tpu.memory_space<vmem>> -> memref<128x16xf32, #tpu.memory_space<vmem>>
    %dma_wait3A_102 = arith.constant 0 : i32
    %dma_wait3A_103 = tpu.memref_slice %arg7[%dma_wait3A_96, %dma_wait3A_102] : memref<44x128xi32, #tpu.memory_space<vmem>> -> memref<1x128xi32, #tpu.memory_space<vmem>>
    %dma_wait3A_104 = tpu.memref_squeeze %dma_wait3A_103 : memref<1x128xi32, #tpu.memory_space<vmem>> -> memref<128xi32, #tpu.memory_space<vmem>>
    %dma_wait3A_105 = arith.constant 0 : i32
    %dma_wait3A_106 = arith.constant 0 : i32
    %dma_wait3A_107 = tpu.memref_slice %arg16[%dma_wait3A_105, %dma_wait3A_106] : memref<10000x16xf32, #tpu.memory_space<vmem_shared>> -> memref<10000x16xf32, #tpu.memory_space<vmem_shared>>
    tpu.wait_indirect_dma semaphore(%arg11 : memref<!tpu.dma_semaphore, #tpu.memory_space<semaphore_mem>>) src(%dma_wait3A_107 : memref<10000x16xf32, #tpu.memory_space<vmem_shared>>) dst(%dma_wait3A_101 : memref<128x16xf32, #tpu.memory_space<vmem>>)
    %barrier3A_108 = arith.constant 0 : index
    tpu.barrier barrier_id(%barrier3A_108)
    %mul3A_109 = arith.constant 640 : i32
    %mul3A_110 = arith.muli %arg1, %mul3A_109 : i32
    %mul3A_111 = arith.constant 640 : i32
    %mul3A_112 = arith.muli %arg1, %mul3A_111 : i32
    "tpu.region"() ({
      %run_scoped3A = tpu.sem_alloc : memref<!tpu.dma_semaphore, #tpu.memory_space<semaphore_mem>>
      %dma_start3A_113 = arith.constant 0 : i32
      %dma_start3A_114 = tpu.memref_slice %arg6[%arg0, %mul3A_112, %dma_start3A_113] : memref<2x10240x16xf32, #tpu.memory_space<hbm>> -> memref<1x640x16xf32, #tpu.memory_space<hbm>>
      %dma_start3A_115 = tpu.memref_squeeze %dma_start3A_114 : memref<1x640x16xf32, #tpu.memory_space<hbm>> -> memref<640x16xf32, #tpu.memory_space<hbm>>
      %dma_start3A_116 = arith.constant 0 : i32
      %dma_start3A_117 = tpu.memref_slice %arg15[%mul3A_110, %dma_start3A_116] : memref<10240x16xf32, #tpu.memory_space<vmem_shared>> -> memref<640x16xf32, #tpu.memory_space<vmem_shared>>
      tpu.enqueue_dma source(%dma_start3A_117 : memref<640x16xf32, #tpu.memory_space<vmem_shared>>) target(%dma_start3A_115 : memref<640x16xf32, #tpu.memory_space<hbm>>) target_semaphore(%run_scoped3A : memref<!tpu.dma_semaphore, #tpu.memory_space<semaphore_mem>>)
      %dma_wait3A_118 = arith.constant 0 : i32
      %dma_wait3A_119 = tpu.memref_slice %arg6[%arg0, %mul3A_112, %dma_wait3A_118] : memref<2x10240x16xf32, #tpu.memory_space<hbm>> -> memref<1x640x16xf32, #tpu.memory_space<hbm>>
      %dma_wait3A_120 = tpu.memref_squeeze %dma_wait3A_119 : memref<1x640x16xf32, #tpu.memory_space<hbm>> -> memref<640x16xf32, #tpu.memory_space<hbm>>
      %dma_wait3A_121 = arith.constant 0 : i32
      %dma_wait3A_122 = tpu.memref_slice %arg15[%mul3A_110, %dma_wait3A_121] : memref<10240x16xf32, #tpu.memory_space<vmem_shared>> -> memref<640x16xf32, #tpu.memory_space<vmem_shared>>
      tpu.wait_dma2 semaphore(%run_scoped3A : memref<!tpu.dma_semaphore, #tpu.memory_space<semaphore_mem>>) src(%dma_wait3A_122 : memref<640x16xf32, #tpu.memory_space<vmem_shared>>) dst(%dma_wait3A_120 : memref<640x16xf32, #tpu.memory_space<hbm>>)
      tpu.yield
    }) : () -> ()
    return
  }
}

module attributes {stable_mosaic.version = 14 : i64} {
  func.func @_mm1_body(%arg0: i32, %arg1: memref<2000x256xf32, #tpu.memory_space<vmem>>, %arg2: memref<256x64xf32, #tpu.memory_space<vmem>>, %arg3: memref<2x2000x1xf32, #tpu.memory_space<vmem>>, %arg4: memref<2000x64xf32, #tpu.memory_space<vmem>>) attributes {dimension_semantics = [#tpu.dimension_semantics<arbitrary>], iteration_bounds = array<i64: 5>, scalar_prefetch = 0 : i64, scratch_operands = 0 : i64, tpu.core_type = #tpu.core_type<tc>, window_params = [{transform_indices = @transform_0, window_bounds = array<i64: 2000, 256>}, {pipeline_mode = #tpu.pipeline_mode<synchronous>, transform_indices = @transform_1, window_bounds = array<i64: 256, 64>}, {transform_indices = @transform_2, window_bounds = array<i64: 2, 2000, 1>}, {transform_indices = @transform_3, window_bounds = array<i64: 2000, 64>}]} {
    %get3A = arith.constant 0 : index
    %get3A_0 = arith.constant 0 : index
    %get3A_1 = vector.load %arg1[%get3A, %get3A_0] : memref<2000x256xf32, #tpu.memory_space<vmem>>, vector<2000x256xf32>
    %get3A_2 = arith.constant 0 : index
    %get3A_3 = arith.constant 0 : index
    %get3A_4 = vector.load %arg2[%get3A_2, %get3A_3] : memref<256x64xf32, #tpu.memory_space<vmem>>, vector<256x64xf32>
    %dot_general3A = arith.constant dense<0.000000e+00> : vector<2000x64xf32>
    %dot_general3A_5 = tpu.matmul %get3A_1, %get3A_4, %dot_general3A {dimension_numbers = #tpu.dot_dimension_numbers<[1], [0], [0], [1], [0, 0, 1, 1], [], []>, transpose_lhs_hint = false} : vector<2000x256xf32>, vector<256x64xf32>, vector<2000x64xf32> -> vector<2000x64xf32>
    %get3A_6 = arith.constant 0 : index
    %get3A_7 = arith.constant 0 : index
    %get3A_8 = arith.constant 0 : index
    %get3A_9 = vector.load %arg3[%get3A_6, %get3A_7, %get3A_8] : memref<2x2000x1xf32, #tpu.memory_space<vmem>>, vector<1x2000x1xf32>
    %get3A_10 = vector.shape_cast %get3A_9 : vector<1x2000x1xf32> to vector<2000x1xf32>
    %get3A_11 = arith.constant 1 : index
    %get3A_12 = arith.constant 0 : index
    %get3A_13 = arith.constant 0 : index
    %get3A_14 = vector.load %arg3[%get3A_11, %get3A_12, %get3A_13] : memref<2x2000x1xf32, #tpu.memory_space<vmem>>, vector<1x2000x1xf32>
    %get3A_15 = vector.shape_cast %get3A_14 : vector<1x2000x1xf32> to vector<2000x1xf32>
    %add3A = arith.addf %get3A_10, %get3A_15 : vector<2000x1xf32>
    %add3A_16 = arith.constant 1.000000e+00 : f32
    %add3A_17 = vector.broadcast %add3A_16 : f32 to vector<2000x1xf32>
    %add3A_18 = arith.addf %add3A, %add3A_17 : vector<2000x1xf32>
    %rsqrt3A = math.rsqrt %add3A_18 : vector<2000x1xf32>
    %mul3A = vector.broadcast %rsqrt3A : vector<2000x1xf32> to vector<2000x64xf32>
    %mul3A_19 = arith.mulf %dot_general3A_5, %mul3A : vector<2000x64xf32>
    %swap3A = arith.constant 0 : index
    %swap3A_20 = arith.constant 0 : index
    %swap3A_21 = vector.load %arg4[%swap3A, %swap3A_20] : memref<2000x64xf32, #tpu.memory_space<vmem>>, vector<2000x64xf32>
    tpu.vector_store %arg4[%swap3A, %swap3A_20], %mul3A_19 {strides = array<i32>} : memref<2000x64xf32, #tpu.memory_space<vmem>>, vector<2000x64xf32>,
    return
  }
  func.func @transform_0(%arg0: i32) -> (i32, i32) {
    %c0_i32 = arith.constant 0 : i32
    %c0_i32_0 = arith.constant 0 : i32
    return %arg0, %c0_i32 : i32, i32
  }
  func.func @transform_1(%arg0: i32) -> (i32, i32) {
    %c0_i32 = arith.constant 0 : i32
    %c0_i32_0 = arith.constant 0 : i32
    %c0_i32_1 = arith.constant 0 : i32
    return %c0_i32, %c0_i32_0 : i32, i32
  }
  func.func @transform_2(%arg0: i32) -> (i32, i32, i32) {
    %c0_i32 = arith.constant 0 : i32
    %c0_i32_0 = arith.constant 0 : i32
    %c0_i32_1 = arith.constant 0 : i32
    return %c0_i32, %arg0, %c0_i32_0 : i32, i32, i32
  }
  func.func @transform_3(%arg0: i32) -> (i32, i32) {
    %c0_i32 = arith.constant 0 : i32
    %c0_i32_0 = arith.constant 0 : i32
    return %arg0, %c0_i32 : i32, i32
  }
}

module attributes {stable_mosaic.version = 14 : i64} {
  func.func @_mid_body(%arg0: i32, %arg1: memref<2x2000x64xf32, #tpu.memory_space<vmem>>, %arg2: memref<2000x64xf32, #tpu.memory_space<vmem>>, %arg3: memref<2x2000x1xf32, #tpu.memory_space<vmem>>, %arg4: memref<1x64xf32, #tpu.memory_space<vmem>>, %arg5: memref<64x16xf32, #tpu.memory_space<vmem>>, %arg6: memref<2000x16xf32, #tpu.memory_space<vmem>>) attributes {dimension_semantics = [#tpu.dimension_semantics<arbitrary>], iteration_bounds = array<i64: 5>, scalar_prefetch = 0 : i64, scratch_operands = 0 : i64, tpu.core_type = #tpu.core_type<tc>, window_params = [{transform_indices = @transform_0, window_bounds = array<i64: 2, 2000, 64>}, {transform_indices = @transform_1, window_bounds = array<i64: 2000, 64>}, {transform_indices = @transform_2, window_bounds = array<i64: 2, 2000, 1>}, {pipeline_mode = #tpu.pipeline_mode<synchronous>, transform_indices = @transform_3, window_bounds = array<i64: 1, 64>}, {pipeline_mode = #tpu.pipeline_mode<synchronous>, transform_indices = @transform_4, window_bounds = array<i64: 64, 16>}, {transform_indices = @transform_5, window_bounds = array<i64: 2000, 16>}]} {
    %get3A = arith.constant 0 : index
    %get3A_0 = arith.constant 0 : index
    %get3A_1 = arith.constant 0 : index
    %get3A_2 = vector.load %arg3[%get3A, %get3A_0, %get3A_1] : memref<2x2000x1xf32, #tpu.memory_space<vmem>>, vector<1x2000x1xf32>
    %get3A_3 = vector.shape_cast %get3A_2 : vector<1x2000x1xf32> to vector<2000x1xf32>
    %get3A_4 = arith.constant 1 : index
    %get3A_5 = arith.constant 0 : index
    %get3A_6 = arith.constant 0 : index
    %get3A_7 = vector.load %arg3[%get3A_4, %get3A_5, %get3A_6] : memref<2x2000x1xf32, #tpu.memory_space<vmem>>, vector<1x2000x1xf32>
    %get3A_8 = vector.shape_cast %get3A_7 : vector<1x2000x1xf32> to vector<2000x1xf32>
    %add3A = arith.addf %get3A_3, %get3A_8 : vector<2000x1xf32>
    %add3A_9 = arith.constant 1.000000e+00 : f32
    %add3A_10 = vector.broadcast %add3A_9 : f32 to vector<2000x1xf32>
    %add3A_11 = arith.addf %add3A, %add3A_10 : vector<2000x1xf32>
    %rsqrt3A = math.rsqrt %add3A_11 : vector<2000x1xf32>
    %get3A_12 = arith.constant 0 : index
    %get3A_13 = arith.constant 0 : index
    %get3A_14 = arith.constant 0 : index
    %get3A_15 = vector.load %arg1[%get3A_12, %get3A_13, %get3A_14] : memref<2x2000x64xf32, #tpu.memory_space<vmem>>, vector<1x2000x64xf32>
    %get3A_16 = vector.shape_cast %get3A_15 : vector<1x2000x64xf32> to vector<2000x64xf32>
    %get3A_17 = arith.constant 1 : index
    %get3A_18 = arith.constant 0 : index
    %get3A_19 = arith.constant 0 : index
    %get3A_20 = vector.load %arg1[%get3A_17, %get3A_18, %get3A_19] : memref<2x2000x64xf32, #tpu.memory_space<vmem>>, vector<1x2000x64xf32>
    %get3A_21 = vector.shape_cast %get3A_20 : vector<1x2000x64xf32> to vector<2000x64xf32>
    %add3A_22 = arith.addf %get3A_16, %get3A_21 : vector<2000x64xf32>
    %get3A_23 = arith.constant 0 : index
    %get3A_24 = arith.constant 0 : index
    %get3A_25 = vector.load %arg2[%get3A_23, %get3A_24] : memref<2000x64xf32, #tpu.memory_space<vmem>>, vector<2000x64xf32>
    %add3A_26 = arith.addf %add3A_22, %get3A_25 : vector<2000x64xf32>
    %mul3A = vector.broadcast %rsqrt3A : vector<2000x1xf32> to vector<2000x64xf32>
    %mul3A_27 = arith.mulf %add3A_26, %mul3A : vector<2000x64xf32>
    %get3A_28 = arith.constant 0 : index
    %get3A_29 = arith.constant 0 : index
    %get3A_30 = vector.load %arg4[%get3A_28, %get3A_29] : memref<1x64xf32, #tpu.memory_space<vmem>>, vector<1x64xf32>
    %add3A_31 = vector.broadcast %get3A_30 : vector<1x64xf32> to vector<2000x64xf32>
    %add3A_32 = arith.addf %mul3A_27, %add3A_31 : vector<2000x64xf32>
    %max3A = arith.constant 0.000000e+00 : f32
    %max3A_33 = vector.broadcast %max3A : f32 to vector<2000x64xf32>
    %max3A_34 = arith.maximumf %add3A_32, %max3A_33 : vector<2000x64xf32>
    %get3A_35 = arith.constant 0 : index
    %get3A_36 = arith.constant 0 : index
    %get3A_37 = vector.load %arg5[%get3A_35, %get3A_36] : memref<64x16xf32, #tpu.memory_space<vmem>>, vector<64x16xf32>
    %dot_general3A = arith.constant dense<0.000000e+00> : vector<2000x16xf32>
    %dot_general3A_38 = tpu.matmul %max3A_34, %get3A_37, %dot_general3A {dimension_numbers = #tpu.dot_dimension_numbers<[1], [0], [0], [1], [0, 0, 1, 1], [], []>, transpose_lhs_hint = false} : vector<2000x64xf32>, vector<64x16xf32>, vector<2000x16xf32> -> vector<2000x16xf32>
    %mul3A_39 = vector.broadcast %rsqrt3A : vector<2000x1xf32> to vector<2000x16xf32>
    %mul3A_40 = arith.mulf %dot_general3A_38, %mul3A_39 : vector<2000x16xf32>
    %swap3A = arith.constant 0 : index
    %swap3A_41 = arith.constant 0 : index
    %swap3A_42 = vector.load %arg6[%swap3A, %swap3A_41] : memref<2000x16xf32, #tpu.memory_space<vmem>>, vector<2000x16xf32>
    tpu.vector_store %arg6[%swap3A, %swap3A_41], %mul3A_40 {strides = array<i32>} : memref<2000x16xf32, #tpu.memory_space<vmem>>, vector<2000x16xf32>,
    return
  }
  func.func @transform_0(%arg0: i32) -> (i32, i32, i32) {
    %c0_i32 = arith.constant 0 : i32
    %c0_i32_0 = arith.constant 0 : i32
    %c0_i32_1 = arith.constant 0 : i32
    return %c0_i32, %arg0, %c0_i32_0 : i32, i32, i32
  }
  func.func @transform_1(%arg0: i32) -> (i32, i32) {
    %c0_i32 = arith.constant 0 : i32
    %c0_i32_0 = arith.constant 0 : i32
    return %arg0, %c0_i32 : i32, i32
  }
  func.func @transform_2(%arg0: i32) -> (i32, i32, i32) {
    %c0_i32 = arith.constant 0 : i32
    %c0_i32_0 = arith.constant 0 : i32
    %c0_i32_1 = arith.constant 0 : i32
    return %c0_i32, %arg0, %c0_i32_0 : i32, i32, i32
  }
  func.func @transform_3(%arg0: i32) -> (i32, i32) {
    %c0_i32 = arith.constant 0 : i32
    %c0_i32_0 = arith.constant 0 : i32
    %c0_i32_1 = arith.constant 0 : i32
    return %c0_i32, %c0_i32_0 : i32, i32
  }
  func.func @transform_4(%arg0: i32) -> (i32, i32) {
    %c0_i32 = arith.constant 0 : i32
    %c0_i32_0 = arith.constant 0 : i32
    %c0_i32_1 = arith.constant 0 : i32
    return %c0_i32, %c0_i32_0 : i32, i32
  }
  func.func @transform_5(%arg0: i32) -> (i32, i32) {
    %c0_i32 = arith.constant 0 : i32
    %c0_i32_0 = arith.constant 0 : i32
    return %arg0, %c0_i32 : i32, i32
  }
}

module attributes {stable_mosaic.version = 14 : i64} {
  func.func @_fin_body(%arg0: i32, %arg1: memref<2x2000x16xf32, #tpu.memory_space<vmem>>, %arg2: memref<2000x16xf32, #tpu.memory_space<vmem>>, %arg3: memref<2x2000x1xf32, #tpu.memory_space<vmem>>, %arg4: memref<1x16xf32, #tpu.memory_space<vmem>>, %arg5: memref<2000x16xf32, #tpu.memory_space<vmem>>) attributes {dimension_semantics = [#tpu.dimension_semantics<arbitrary>], iteration_bounds = array<i64: 5>, scalar_prefetch = 0 : i64, scratch_operands = 0 : i64, tpu.core_type = #tpu.core_type<tc>, window_params = [{transform_indices = @transform_0, window_bounds = array<i64: 2, 2000, 16>}, {transform_indices = @transform_1, window_bounds = array<i64: 2000, 16>}, {transform_indices = @transform_2, window_bounds = array<i64: 2, 2000, 1>}, {pipeline_mode = #tpu.pipeline_mode<synchronous>, transform_indices = @transform_3, window_bounds = array<i64: 1, 16>}, {transform_indices = @transform_4, window_bounds = array<i64: 2000, 16>}]} {
    %get3A = arith.constant 0 : index
    %get3A_0 = arith.constant 0 : index
    %get3A_1 = arith.constant 0 : index
    %get3A_2 = vector.load %arg3[%get3A, %get3A_0, %get3A_1] : memref<2x2000x1xf32, #tpu.memory_space<vmem>>, vector<1x2000x1xf32>
    %get3A_3 = vector.shape_cast %get3A_2 : vector<1x2000x1xf32> to vector<2000x1xf32>
    %get3A_4 = arith.constant 1 : index
    %get3A_5 = arith.constant 0 : index
    %get3A_6 = arith.constant 0 : index
    %get3A_7 = vector.load %arg3[%get3A_4, %get3A_5, %get3A_6] : memref<2x2000x1xf32, #tpu.memory_space<vmem>>, vector<1x2000x1xf32>
    %get3A_8 = vector.shape_cast %get3A_7 : vector<1x2000x1xf32> to vector<2000x1xf32>
    %add3A = arith.addf %get3A_3, %get3A_8 : vector<2000x1xf32>
    %add3A_9 = arith.constant 1.000000e+00 : f32
    %add3A_10 = vector.broadcast %add3A_9 : f32 to vector<2000x1xf32>
    %add3A_11 = arith.addf %add3A, %add3A_10 : vector<2000x1xf32>
    %rsqrt3A = math.rsqrt %add3A_11 : vector<2000x1xf32>
    %get3A_12 = arith.constant 0 : index
    %get3A_13 = arith.constant 0 : index
    %get3A_14 = arith.constant 0 : index
    %get3A_15 = vector.load %arg1[%get3A_12, %get3A_13, %get3A_14] : memref<2x2000x16xf32, #tpu.memory_space<vmem>>, vector<1x2000x16xf32>
    %get3A_16 = vector.shape_cast %get3A_15 : vector<1x2000x16xf32> to vector<2000x16xf32>
    %get3A_17 = arith.constant 1 : index
    %get3A_18 = arith.constant 0 : index
    %get3A_19 = arith.constant 0 : index
    %get3A_20 = vector.load %arg1[%get3A_17, %get3A_18, %get3A_19] : memref<2x2000x16xf32, #tpu.memory_space<vmem>>, vector<1x2000x16xf32>
    %get3A_21 = vector.shape_cast %get3A_20 : vector<1x2000x16xf32> to vector<2000x16xf32>
    %add3A_22 = arith.addf %get3A_16, %get3A_21 : vector<2000x16xf32>
    %get3A_23 = arith.constant 0 : index
    %get3A_24 = arith.constant 0 : index
    %get3A_25 = vector.load %arg2[%get3A_23, %get3A_24] : memref<2000x16xf32, #tpu.memory_space<vmem>>, vector<2000x16xf32>
    %add3A_26 = arith.addf %add3A_22, %get3A_25 : vector<2000x16xf32>
    %mul3A = vector.broadcast %rsqrt3A : vector<2000x1xf32> to vector<2000x16xf32>
    %mul3A_27 = arith.mulf %add3A_26, %mul3A : vector<2000x16xf32>
    %get3A_28 = arith.constant 0 : index
    %get3A_29 = arith.constant 0 : index
    %get3A_30 = vector.load %arg4[%get3A_28, %get3A_29] : memref<1x16xf32, #tpu.memory_space<vmem>>, vector<1x16xf32>
    %add3A_31 = vector.broadcast %get3A_30 : vector<1x16xf32> to vector<2000x16xf32>
    %add3A_32 = arith.addf %mul3A_27, %add3A_31 : vector<2000x16xf32>
    %swap3A = arith.constant 0 : index
    %swap3A_33 = arith.constant 0 : index
    %swap3A_34 = vector.load %arg5[%swap3A, %swap3A_33] : memref<2000x16xf32, #tpu.memory_space<vmem>>, vector<2000x16xf32>
    tpu.vector_store %arg5[%swap3A, %swap3A_33], %add3A_32 {strides = array<i32>} : memref<2000x16xf32, #tpu.memory_space<vmem>>, vector<2000x16xf32>,
    return
  }
  func.func @transform_0(%arg0: i32) -> (i32, i32, i32) {
    %c0_i32 = arith.constant 0 : i32
    %c0_i32_0 = arith.constant 0 : i32
    %c0_i32_1 = arith.constant 0 : i32
    return %c0_i32, %arg0, %c0_i32_0 : i32, i32, i32
  }
  func.func @transform_1(%arg0: i32) -> (i32, i32) {
    %c0_i32 = arith.constant 0 : i32
    %c0_i32_0 = arith.constant 0 : i32
    return %arg0, %c0_i32 : i32, i32
  }
  func.func @transform_2(%arg0: i32) -> (i32, i32, i32) {
    %c0_i32 = arith.constant 0 : i32
    %c0_i32_0 = arith.constant 0 : i32
    %c0_i32_1 = arith.constant 0 : i32
    return %c0_i32, %arg0, %c0_i32_0 : i32, i32, i32
  }
  func.func @transform_3(%arg0: i32) -> (i32, i32) {
    %c0_i32 = arith.constant 0 : i32
    %c0_i32_0 = arith.constant 0 : i32
    %c0_i32_1 = arith.constant 0 : i32
    return %c0_i32, %c0_i32_0 : i32, i32
  }
  func.func @transform_4(%arg0: i32) -> (i32, i32) {
    %c0_i32 = arith.constant 0 : i32
    %c0_i32_0 = arith.constant 0 : i32
    return %arg0, %c0_i32 : i32, i32
  }
}

</mosaic_0001>

<sc_bundles>
// kernel: kernel.11.cloned.1.call-start
scs
__scs_entry_jumppad:
0x0: {  	(pc) =	sbr.rel $0x88, $3  }
0x1: {  	(tag) =	ssettag $0x0;
	lr =	simm.s32 $0x1  }
0x2: {  	[smem:$0x3F9B] =	sst lr;
	_ =	strace $0xD0000000  }
0x3: {  	_ = 	snop  }
0x4: {  	_ = 	snop  }
0x5: {  	_ = 	snop  }
0x6: {  	_ = 	snop  }
0x7: {  	_ = 	snop  }
__scs_overlays_trampoline_lowered:
0x8: {  	[smem:$0x3FAA] =	sst s0  }
0x9: {  	[smem:$0x3FAB] =	sst s1  }
0xa: {  	[smem:$0x3FAC] =	sst s2  }
0xb: {  	[smem:$0x3FAD] =	sst s3  }
0xc: {  	[smem:$0x3FAE] =	sst s4  }
0xd: {  	[smem:$0x3FAF] =	sst s5  }
0xe: {  	[smem:$0x3FB0] =	sst s6  }
0xf: {  	[smem:$0x3FB1] =	sst s7  }
0x10: {  	[smem:$0x3FB2] =	sst s8  }
0x11: {  	[smem:$0x3FB3] =	sst s9;
	s0 =	simm.s32 @!p0 $0x0  }
0x12: {  	s1 =	sld [smem:$0x3F99];
	s0 =	simm.s32 @p0 $0x1  }
0x13: {  	[smem:$0x3FB4] =	sst s0;
	s0 =	simm.s32 @!p1 $0x0  }
0x14: {  	s2 =	sld [smem:$0x3F98];
	s0 =	simm.s32 @p1 $0x1  }
0x15: {  	[smem:$0x3FB5] =	sst s0;
	s0 =	simm.s32 @!p2 $0x0  }
0x16: {  	s3 =	sld [smem:$0x3FDB];
	s0 =	simm.s32 @p2 $0x1  }
0x17: {  	s4 =	simm.s32 $0x1BF5;
	[smem:$0x3FB7] =	sst s0  }
0x18: {  	s0 =	sld [smem:$0x3F9A];
	_ =	swait.ge [sflag:s4], $0x0  }
0x19: {  	s7 =	sld [smem:$0x3F9B]  }
0x1a: {  	s8 =	sadd.s32 $0xFFFFE003, lr  }
0x1b: {  	s9 =	sadd.s32 $0xFFFFFEF7, lr;
	s5 =	simm.s32 $0xFFFFFFFF;
	p2 =	slt.u32 s8, $0xFFFFF086  }
0x1c: {  	p1 =	slt.u32 s9, $0xF7A;
	s5 =	simm.s32 @!p2 $0x0  }
0x1d: {  	s5 =	simm.s32 @p1 $0x1;
	p0 =	seq.s32 s7, s2  }
0x1e: {  	s7 =	smul.u32 @!p0 $0xF7A, s2;
	p2 =	seq.s32 @!p0 s5, $0x0  }
0x1f: {  	s9 =	smul.u32 $0xF7A, s1;
	s8 =	simm.s32 @!p0 $0x1BF5;
	p2 =	por !p2, p0  }
0x20: {  	[sflag:s8] =	ssyncset.s32 @!p0 $0xFFFFF086;
	s6 =	sadd.s32 @!p0 s3, s7;
	s7 =	simm.s32 @!p0 $0x108  }
0x21: {  	s3 =	sadd.s32 s3, s9;
	s6 =	sadd.s32 @!p0 $0x88, s6;
	s7 =	simm.s32 @p2 $0x1082  }
0x22: {  	[simem:s7], [sflag:s8] =	dma.local @!p0 [hbm:s6], $0xF7A  }
0x23: {  	s9 =	sor.u32 $0xD0000000, s2;
	s6 =	simm.s32 $0x108;
	_ =	swait.ge @!p0 [sflag:s8], $0x0  }
0x24: {  	s3 =	sadd.s32 $0x88, s3;
	s6 =	simm.s32 @!p1 $0x1082;
	[sflag:s4] =	ssyncset.s32 $0xFFFFF086  }
0x25: {  	[simem:s6], [sflag:s4] =	dma.local [hbm:s3], $0xF7A  }
0x26: {  	[smem:$0x3F9B] =	sst s1;
	(tag) =	ssettag s2;
	_ =	strace s9  }
0x27: {  	s1 =	sld [smem:$0x3FAB]  }
0x28: {  	s2 =	sld [smem:$0x3FAC]  }
0x29: {  	s4 =	sld [smem:$0x3FAE]  }
0x2a: {  	p0 =	seq.s32 s5, $0x0;
	s5 =	sld [smem:$0x3FAF]  }
0x2b: {  	s6 =	sld [smem:$0x3FB0]  }
0x2c: {  	s7 =	sld [smem:$0x3FB1]  }
0x2d: {  	s3 =	simm.s32 $0x108;
	s8 =	sld [smem:$0x3FB2]  }
0x2e: {  	s3 =	simm.s32 @!p0 $0x1082;
	s9 =	sld [smem:$0x3FB3]  }
0x2f: {  	lr =	sadd.s32 s0, s3;
	s0 =	sld [smem:$0x3FAA]  }
0x30: {  	s3 =	sld [smem:$0x3FAD]  }
0x31: {  	[smem:$0x3FB6] =	sst s10  }
0x32: {  	s10 =	sld [smem:$0x3FB4];
	_ =	sdelay $0x3  }
0x33: {  	p0 =	seq.s32 s10, $0x1;
	s10 =	sld [smem:$0x3FB6];
	_ =	sdelay $0x3  }
0x34: {  	[smem:$0x3FB6] =	sst s10  }
0x35: {  	s10 =	sld [smem:$0x3FB5];
	_ =	sdelay $0x3  }
0x36: {  	p1 =	seq.s32 s10, $0x1;
	s10 =	sld [smem:$0x3FB6];
	_ =	sdelay $0x3  }
0x37: {  	[smem:$0x3FB6] =	sst s10  }
0x38: {  	s10 =	sld [smem:$0x3FB7]  }
0x39: {  	_ = 	snop;
	(pc) =	sbr.ind lr, $3  }
0x3a: {  	_ = 	snop  }
0x3b: {  	_ = 	snop  }
0x3c: {  	p2 =	seq.s32 s10, $0x1;
	s10 =	sld [smem:$0x3FB6]  }
0x3d: {  	_ =	shalt  }
0x3e: {  	_ =	shalt  }
0x3f: {  	_ =	shalt  }
0x40: {  	_ =	shalt  }
0x41: {  	_ =	shalt  }
0x42: {  	_ =	shalt  }
0x43: {  	_ =	shalt  }
0x44: {  	_ =	shalt  }
0x45: {  	_ =	shalt  }
0x46: {  	_ =	shalt  }
0x47: {  	_ =	shalt  }
0x48: {  	_ =	shalt  }
0x49: {  	_ =	shalt  }
0x4a: {  	_ =	shalt  }
0x4b: {  	_ =	shalt  }
0x4c: {  	_ =	shalt  }
0x4d: {  	_ =	shalt  }
0x4e: {  	_ =	shalt  }
0x4f: {  	_ =	shalt  }
0x50: {  	_ =	shalt  }
0x51: {  	_ =	shalt  }
0x52: {  	_ =	shalt  }
0x53: {  	_ =	shalt  }
0x54: {  	_ =	shalt  }
0x55: {  	_ =	shalt  }
0x56: {  	_ =	shalt  }
0x57: {  	_ =	shalt  }
0x58: {  	_ =	shalt  }
0x59: {  	_ =	shalt  }
0x5a: {  	_ =	shalt  }
0x5b: {  	_ =	shalt  }
0x5c: {  	_ =	shalt  }
0x5d: {  	_ =	shalt  }
0x5e: {  	_ =	shalt  }
0x5f: {  	_ =	shalt  }
0x60: {  	_ =	shalt  }
0x61: {  	_ =	shalt  }
0x62: {  	_ =	shalt  }
0x63: {  	_ =	shalt  }
0x64: {  	_ =	shalt  }
0x65: {  	_ =	shalt  }
0x66: {  	_ =	shalt  }
0x67: {  	_ =	shalt  }
0x68: {  	_ =	shalt  }
0x69: {  	_ =	shalt  }
0x6a: {  	_ =	shalt  }
0x6b: {  	_ =	shalt  }
0x6c: {  	_ =	shalt  }
0x6d: {  	_ =	shalt  }
0x6e: {  	_ =	shalt  }
0x6f: {  	_ =	shalt  }
0x70: {  	_ =	shalt  }
0x71: {  	_ =	shalt  }
0x72: {  	_ =	shalt  }
0x73: {  	_ =	shalt  }
0x74: {  	_ =	shalt  }
0x75: {  	_ =	shalt  }
0x76: {  	_ =	shalt  }
0x77: {  	_ =	shalt  }
0x78: {  	_ =	shalt  }
0x79: {  	_ =	shalt  }
0x7a: {  	_ =	shalt  }
0x7b: {  	_ =	shalt  }
0x7c: {  	_ =	shalt  }
0x7d: {  	_ =	shalt  }
0x7e: {  	_ =	shalt  }
0x7f: {  	_ =	shalt  }
0x80: {  	_ =	shalt  }
0x81: {  	_ =	shalt  }
0x82: {  	_ =	shalt  }
0x83: {  	_ =	shalt  }
0x84: {  	_ =	shalt  }
0x85: {  	_ =	shalt  }
0x86: {  	_ =	shalt  }
0x87: {  	_ =	shalt  }
.Lfunc_end0:
.L_simem_size_0:
called_computation.1_lowered:
.L_overlay_start_0:
0x88: {  	s2 =	sld [smem:$0x3FD9]  }
0x89: {  	s3 =	sld [smem:$0x3FFE];
	_ =	sdelay $0x1  }
0x8a: {  	s1 =	srdreg.scid  }
0x8b: {  	s0 =	sand.u32 $0x1, s1  }
0x8c: {  	s16 =	sshll.u32 s0, $0xA;
	s2 =	sadd.s32 s3, s2  }
0x8d: {  	s2 =	sadd.s32 s2, s16  }
0x8e: {  	[smem:$0x3FC2] =	sst s2  }
0x8f: {  	_ = 	snop  }
0x90: {  	(tm) =	ssettm $0x1  }
0x91: {  	s17 =	sld [smem:$0x3FFB];
	_ =	sdelay $0x3  }
0x92: {  	_ =	strace s17  }
0x93: {  	s2 =	sld [smem:$0x3FFC];
	_ =	sdelay $0x3  }
0x94: {  	_ =	strace s2  }
0x95: {  	s2 =	sld [smem:$0x3FFD];
	_ =	sdelay $0x3  }
0x96: {  	_ =	strace s2  }
0x97: {  	_ =	strace $0x8FFFFFFF  }
0x98: {  	s18 =	sld [smem:$0x3FDB];
	_ =	sdelay $0x1  }
0x99: {  	s19 =	simm.s32 $_scs_section_size  }
0x9a: {  	s4 =	simm.s32 $_size__tile_overlayer_lowered;
	s5 =	simm.s32 $_tile_overlayer_lowered  }
0x9b: {  	s22 =	simm.s32 $0x1BFF;
	s21 =	sshll.u32 s5, $0x1;
	s2 =	sadd.s32 s19, s18  }
0x9c: {  	s6 =	simm.s32 $0x0;
	s20 =	sshll.u32 s4, $0x1;
	s4 =	sadd.s32 s21, s2  }
0x9d: {  	[timem:s6], [sflag:s22] =	dma.local [hbm:s4], s20  }
0x9e: {  	_ =	swait.ge [sflag:s22], s20  }
0x9f: {  	s3 =	ssub.s32 $0x0, s20;
	[sflag:s22] =	ssyncset.done $0x0  }
0xa0: {  	[sflag:s22] =	ssyncadd.s32 s3;
	_ =	sdelay $0x1  }
0xa1: {  	s23 =	simm.s32 $0x1B8B  }
0xa2: {  	_ =	swait.ge [sflag:s23], $0x1  }
0xa3: {  	[sflag:s23] =	ssyncset.done $0x0  }
0xa4: {  	s25 =	simm.s32 $0x1B8E;
	s24 =	sld [smem:$0x3FFE];
	[sflag:s23] =	ssyncadd.s32 $0xFFFFFFFF  }
0xa5: {  	s26 =	simm.s32 $execute0_lowered;
	[smem:$0x3FD2] =	sst s25  }
0xa6: {  	s4 =	sshll.u32 s26, $0x1;
	_ =	strace $0x80000049;
	[dreg:$0x1] =	wrdreg $0xFFFFFFFF  }
0xa7: {  	s28 =	simm.s32 $_size_execute0_lowered;
	s2 =	sadd.s32 s2, s4;
	[dreg:$0x0] =	wrdreg $0x0  }
0xa8: {  	s4 =	sshll.u32 s28, $0x1;
	[dreg:$0x2] =	wrdreg s2  }
0xa9: {  	[dreg:$0x3] =	wrdreg s4  }
0xaa: {  	[dreg:$0x4] =	wrdreg $0xC0  }
0xab: {  	_ =	task [dreg:s6], $0x5FFFF  }
0xac: {  	[dreg:$0x1] =	wrdreg $0xFFFFFFFF  }
0xad: {  	[dreg:$0x0] =	wrdreg $0x60  }
0xae: {  	[dreg:$0x2] =	wrdreg s24  }
0xaf: {  	[dreg:$0x3] =	wrdreg $0xAA000  }
0xb0: {  	[dreg:$0x4] =	wrdreg $0x14A000  }
0xb1: {  	[dreg:$0x5] =	wrdreg $0x9  }
0xb2: {  	_ =	task.clear_ibuf [dreg:s6], $0x6FFFF;
	_ =	strace $0x90000049  }
0xb3: {  	s29 =	simm.s32 $0x9;
	_ =	strace $0x8000004B  }
0xb4: {  	_ =	swait.ge [sflag:s29], $0x1  }
0xb5: {  	[sflag:s29] =	ssyncadd.s32 $0xFFFFFFFF  }
0xb6: {  	_ =	strace $0x9000004B  }
0xb7: {  	_ =	sfence  }
0xb8: {  	s30 =	sld [smem:$0x0];
	_ =	sdelay $0x2  }
0xb9: {  	s31 =	sshll.u32 s1, $0xD;
	s1 =	sshrl.u32 s1, $0x2  }
0xba: {  	s3 =	sand.u32 $0x4000, s31;
	s1 =	sadd.s32 s1, s30  }
0xbb: {  	s0 =	sor.u32 s3, s0;
	s1 =	sshll.u32 s1, $0x11  }
0xbc: {  	s0 =	sor.u32 s1, s0  }
0xbd: {  	s0 =	sadd.s32 $0x8F2B, s0  }
0xbe: {  	[sflag:s0] =	ssyncadd.remote.s32 $0x1  }
0xbf: {  	_ =	sfence.sel $0xFFFF  }
0xc0: {  	[dreg:$0x0] =	wrdreg $0xFFFFFFFF;
	(pc) =	sbr.abs _section_cstart, $3  }
0xc1: {  	[dreg:$0x1] =	wrdreg $0xFFFFFFFF  }
0xc2: {  	_ =	task.clear_ibuf [dreg:s6], $0x2FFFF;
	_ =	strace $0x9FFFFFFF  }
0xc3: {  	(tm) =	ssettm $0x7FFFFFFF  }
tec
execute0_lowered:
.L_overlay_start_1:
0x0: {  	(tag) =	ssettag $0x1  }
0x1: {  	s6 =	rddreg [dreg:$0x0]  }
0x2: {  	s0 =	srdreg.scid;
	s2 =	rddreg [dreg:$0x1]  }
0x3: {  	s3 =	rddreg [dreg:$0x2];
	s4 =	simm.s32 $0x0;
	s17 =	simm.s32 $0x2A00  }
0x4: {  	s18 =	simm.s32 $0x4A00;
	s19 =	simm.s32 $0x1;
	s20 =	simm.s32 $0x6A00  }
0x5: {  	s21 =	simm.s32 $0x8A00;
	s5 =	sand.u32 $0x1, s0;
	s0 =	stileid.u32  }
0x6: {  	s22 =	simm.s32 $0x2;
	s23 =	simm.s32 $0x3;
	s7 =	smul.u32 $0x9C40, s0  }
0x7: {  	s24 =	simm.s32 $0x4;
	s25 =	simm.s32 $0x0;
	s9 =	smul.u32 $0xA000, s0  }
0x8: {  	[smem:$0x7FF] =	sst s4;
	s1 =	sshll.u32 s5, $0x4;
	s11 =	smul.u32 $0xA0000, s5  }
0x9: {  	s5 =	ssub.s32 $0x2, s5;
	s31 =	sshll.u32 s0, $0x6;
	s1 =	sor.u32 s0, s1  }
0xa: {  	s13 =	sshrl.u32 s5, $0x1;
	s8 =	smul.u32 $0x320, s1;
	s1 =	rddreg [dreg:$0x3]  }
0xb: {  	s10 =	sshrl.u32 s7, $0x3;
	_ =	strace $0x8000004A;
	s29 =	sadd.s32 s9, s11  }
0xc: {  	s30 =	sshrl.u32 s9, $0x3;
	s13 =	ssub.s32 s5, s13;
	s15 =	sadd.s32 s9, s2  }
0xd: {  	s16 =	sadd.s32 s7, s3;
	s10 =	sadd.s32 s10, s6;
	s11 =	sadd.s32 s30, s6  }
0xe: {  	s12 =	sadd.s32 s8, s6;
	s8 =	sshrl.u32 s29, $0x3;
	s5 =	sadd.s32 $0x72200, s11  }
0xf: {  	s7 =	sadd.s32 $0x5E800, s10;
	s11 =	smax.u32 s13, $0x1;
	s13 =	simm.s32 $0x5  }
0x10: {  	s14 =	sadd.s32 s8, s6;
	s6 =	sor.u32 $0x1C05, s31;
	s8 =	sadd.s32 $0x8400, s12  }
0x11: {  	s9 =	sadd.s32 $0x1800, s12;
	s12 =	sshrl.u32 s15, $0x3;
	s15 =	simm.s32 $0x1500  }
0x12: {  	s10 =	sadd.s32 $0x86200, s14;
	s14 =	sshrl.u32 s16, $0x3;
	s16 =	simm.s32 $0x80  }
.LBB2_1:
0x13: {  	[spmem:s12], [sflag:s6] =	dma.local [hbm:s5], $0x1400  }
0x14: {  	_ =	swait.ge [sflag:s13], $0x1400  }
0x15: {  	[sflag:s13] =	ssyncset.done $0x0  }
0x16: {  	[sflag:s13] =	ssyncadd.s32 $0xFFFFEC00  }
0x17: {  	[spmem:s14], [sflag:s6] =	dma.local [hbm:s7], $0x1388  }
0x18: {  	_ =	swait.ge [sflag:s13], $0x1388  }
0x19: {  	[sflag:s13] =	ssyncset.done $0x0  }
0x1a: {  	[sflag:s13] =	ssyncadd.s32 $0xFFFFEC78  }
0x1b: {  	[tilespmem:s4], [sflag:$0x5] =	stream.linear.gather [hbm4b:s8+s4], $0x1500, $0x38;
	[tilespmem:$0x1E640] =	vst v63  }
0x1c: {  	_ =	swait.ge [sflag:s13], $0x1500  }
0x1d: {  	[sflag:s13] =	ssyncset.done $0x0  }
0x1e: {  	[sflag:s13] =	ssyncadd.s32 $0xFFFFEB00  }
0x1f: {  	[tilespmem:s15], [sflag:$0x5] =	stream.linear.gather [hbm4b:s9+s4], $0x1500, $0x38;
	[tilespmem:$0x1E640] =	vst v63  }
0x20: {  	_ =	swait.ge [sflag:s13], $0x1500  }
0x21: {  	[sflag:s13] =	ssyncset.done $0x0  }
0x22: {  	[sflag:s13] =	ssyncadd.s32 $0xFFFFEB00  }
0x23: {  	[bflag:$0x0] =	sbarrier.arrive $0xFFFF  }
0x24: {  	[tilespmem:s17], [sflag:$0x1] =	stream.indirect.gather [spmem:s3], $0x40, s4, s16, $0xb8;
	[tilespmem:$0x1E640] =	vst v63  }
0x25: {  	_ = 	snop  }
0x26: {  	[tilespmem:s18], [sflag:$0x1] =	stream.indirect.gather [spmem:s3], $0x40, s16, s16, $0xb8;
	[tilespmem:$0x1E640] =	vst v63  }
0x27: {  	_ =	swait.ge [sflag:s19], $0x2000  }
0x28: {  	[sflag:s19] =	ssyncset.done $0x0  }
0x29: {  	[sflag:s19] =	ssyncadd.s32 $0xFFFFE000  }
0x2a: {  	_ =	swait.ge [sflag:s19], $0x2000  }
0x2b: {  	[sflag:s19] =	ssyncset.done $0x0  }
0x2c: {  	s26 =	simm.s32 $0x100;
	[sflag:s19] =	ssyncadd.s32 $0xFFFFE000  }
0x2d: {  	[tilespmem:s20], [sflag:$0x2] =	stream.indirect.gather [spmem:s3], $0x40, s26, s16, $0xb8;
	[tilespmem:$0x1E640] =	vst v63  }
0x2e: {  	s29 =	simm.s32 $0x180  }
0x2f: {  	[tilespmem:s21], [sflag:$0x2] =	stream.indirect.gather [spmem:s3], $0x40, s29, s16, $0xb8;
	[tilespmem:$0x1E640] =	vst v63  }
0x30: {  	s30 =	simm.s32 $0x1500  }
0x31: {  	[spmem:s2] =	stream.indirect.scatter.add.f32 [tilespmem:s17], [sflag:$0x3], $0x40, s30, s16, $0xb8;
	[tilespmem:$0x1E640] =	vst v63  }
0x32: {  	s31 =	simm.s32 $0x1580  }
0x33: {  	[spmem:s2] =	stream.indirect.scatter.add.f32 [tilespmem:s18], [sflag:$0x3], $0x40, s31, s16, $0xb8;
	[tilespmem:$0x1E640] =	vst v63  }
0x34: {  	_ =	swait.ge [sflag:s22], $0x2000  }
0x35: {  	[sflag:s22] =	ssyncset.done $0x0  }
0x36: {  	[sflag:s22] =	ssyncadd.s32 $0xFFFFE000  }
0x37: {  	_ =	swait.ge [sflag:s22], $0x2000  }
0x38: {  	[sflag:s22] =	ssyncset.done $0x0  }
0x39: {  	s28 =	simm.s32 $0x1600;
	[sflag:s22] =	ssyncadd.s32 $0xFFFFE000  }
0x3a: {  	[spmem:s2] =	stream.indirect.scatter.add.f32 [tilespmem:s20], [sflag:$0x4], $0x40, s28, s16, $0xb8;
	[tilespmem:$0x1E640] =	vst v63  }
0x3b: {  	s29 =	simm.s32 $0x1680  }
0x3c: {  	[spmem:s2] =	stream.indirect.scatter.add.f32 [tilespmem:s21], [sflag:$0x4], $0x40, s29, s16, $0xb8;
	[tilespmem:$0x1E640] =	vst v63  }
0x3d: {  	_ =	swait.ge [sflag:s23], $0x2000  }
0x3e: {  	[sflag:s23] =	ssyncset.done $0x0  }
0x3f: {  	[sflag:s23] =	ssyncadd.s32 $0xFFFFE000  }
0x40: {  	_ =	swait.ge [sflag:s23], $0x2000  }
0x41: {  	[sflag:s23] =	ssyncset.done $0x0  }
0x42: {  	s30 =	simm.s32 $0x200;
	[sflag:s23] =	ssyncadd.s32 $0xFFFFE000  }
0x43: {  	[tilespmem:s17], [sflag:$0x1] =	stream.indirect.gather [spmem:s3], $0x40, s30, s16, $0xb8;
	[tilespmem:$0x1E640] =	vst v63  }
0x44: {  	s31 =	simm.s32 $0x280  }
0x45: {  	[tilespmem:s18], [sflag:$0x1] =	stream.indirect.gather [spmem:s3], $0x40, s31, s16, $0xb8;
	[tilespmem:$0x1E640] =	vst v63  }
0x46: {  	_ =	swait.ge [sflag:s24], $0x2000  }
0x47: {  	[sflag:s24] =	ssyncset.done $0x0  }
0x48: {  	[sflag:s24] =	ssyncadd.s32 $0xFFFFE000  }
0x49: {  	_ =	swait.ge [sflag:s24], $0x2000  }
0x4a: {  	s26 =	simm.s32 $0x800;
	[sflag:s24] =	ssyncset.done $0x0  }
.LBB2_2:
0x4b: {  	p0 =	sne.s32 s26, $0x4800  }
0x4c: {  	[sflag:s24] =	ssyncadd.s32 $0xFFFFE000;
	s28 =	smov.u32 s26;
	s26 =	sadd.s32 $0x800, s26  }
0x4d: {  	_ =	swait.ge [sflag:s19], $0x2000  }
0x4e: {  	[sflag:s19] =	ssyncset.done $0x0  }
0x4f: {  	[sflag:s19] =	ssyncadd.s32 $0xFFFFE000  }
0x50: {  	_ =	swait.ge [sflag:s19], $0x2000  }
0x51: {  	s28 =	sshra.s32 s28, $0x2;
	[sflag:s19] =	ssyncset.done $0x0  }
0x52: {  	s29 =	sadd.s32 $0x100, s28;
	[sflag:s19] =	ssyncadd.s32 $0xFFFFE000  }
0x53: {  	[tilespmem:s20], [sflag:$0x2] =	stream.indirect.gather [spmem:s3], $0x40, s29, s16, $0xb8;
	[tilespmem:$0x1E640] =	vst v63  }
0x54: {  	s29 =	sadd.s32 $0x180, s28  }
0x55: {  	[tilespmem:s21], [sflag:$0x2] =	stream.indirect.gather [spmem:s3], $0x40, s29, s16, $0xb8;
	[tilespmem:$0x1E640] =	vst v63  }
0x56: {  	s29 =	sadd.s32 $0x1500, s28  }
0x57: {  	[spmem:s2] =	stream.indirect.scatter.add.f32 [tilespmem:s17], [sflag:$0x3], $0x40, s29, s16, $0xb8;
	[tilespmem:$0x1E640] =	vst v63  }
0x58: {  	s29 =	sadd.s32 $0x1580, s28  }
0x59: {  	[spmem:s2] =	stream.indirect.scatter.add.f32 [tilespmem:s18], [sflag:$0x3], $0x40, s29, s16, $0xb8;
	[tilespmem:$0x1E640] =	vst v63  }
0x5a: {  	_ =	swait.ge [sflag:s22], $0x2000  }
0x5b: {  	[sflag:s22] =	ssyncset.done $0x0  }
0x5c: {  	[sflag:s22] =	ssyncadd.s32 $0xFFFFE000  }
0x5d: {  	_ =	swait.ge [sflag:s22], $0x2000  }
0x5e: {  	[sflag:s22] =	ssyncset.done $0x0  }
0x5f: {  	s29 =	sadd.s32 $0x1600, s28;
	[sflag:s22] =	ssyncadd.s32 $0xFFFFE000  }
0x60: {  	[spmem:s2] =	stream.indirect.scatter.add.f32 [tilespmem:s20], [sflag:$0x4], $0x40, s29, s16, $0xb8;
	[tilespmem:$0x1E640] =	vst v63  }
0x61: {  	s29 =	sadd.s32 $0x1680, s28  }
0x62: {  	[spmem:s2] =	stream.indirect.scatter.add.f32 [tilespmem:s21], [sflag:$0x4], $0x40, s29, s16, $0xb8;
	[tilespmem:$0x1E640] =	vst v63  }
0x63: {  	_ =	swait.ge [sflag:s23], $0x2000  }
0x64: {  	[sflag:s23] =	ssyncset.done $0x0  }
0x65: {  	[sflag:s23] =	ssyncadd.s32 $0xFFFFE000  }
0x66: {  	_ =	swait.ge [sflag:s23], $0x2000  }
0x67: {  	[sflag:s23] =	ssyncset.done $0x0  }
0x68: {  	s29 =	sadd.s32 $0x200, s28;
	[sflag:s23] =	ssyncadd.s32 $0xFFFFE000  }
0x69: {  	[tilespmem:s17], [sflag:$0x1] =	stream.indirect.gather [spmem:s3], $0x40, s29, s16, $0xb8;
	[tilespmem:$0x1E640] =	vst v63  }
0x6a: {  	s28 =	sadd.s32 $0x280, s28  }
0x6b: {  	[tilespmem:s18], [sflag:$0x1] =	stream.indirect.gather [spmem:s3], $0x40, s28, s16, $0xb8;
	[tilespmem:$0x1E640] =	vst v63  }
.Ltmp0:
0x6c: {  	_ =	swait.ge [sflag:s24], $0x2000;
	(pc) =	sbr.rel @p0 .LBB2_2-.Ltmp0, $4  }
0x6d: {  	[sflag:s24] =	ssyncset.done $0x0  }
0x6e: {  	[sflag:s24] =	ssyncadd.s32 $0xFFFFE000  }
0x6f: {  	_ =	swait.ge [sflag:s24], $0x2000  }
0x70: {  	[sflag:s24] =	ssyncset.done $0x0  }
0x71: {  	[sflag:s24] =	ssyncadd.s32 $0xFFFFE000  }
0x72: {  	_ =	swait.ge [sflag:s19], $0x2000  }
0x73: {  	[sflag:s19] =	ssyncset.done $0x0  }
0x74: {  	[sflag:s19] =	ssyncadd.s32 $0xFFFFE000  }
0x75: {  	_ =	swait.ge [sflag:s19], $0x2000  }
0x76: {  	s25 =	sadd.s32 $0x1, s25;
	[sflag:s19] =	ssyncset.done $0x0  }
0x77: {  	p0 =	sne.s32 s25, s11;
	[sflag:s19] =	ssyncadd.s32 $0xFFFFE000  }
.Ltmp1:
0x78: {  	[bflag:$0x0] =	sbarrier.arrive $0xFFFF;
	(pc) =	sbr.rel @p0 .LBB2_1-.Ltmp1, $4  }
0x79: {  	[hbm:s10], [sflag:s6] =	dma.local [spmem:s12], $0x1400  }
0x7a: {  	_ =	swait.ge [sflag:s13], $0x1400  }
0x7b: {  	[sflag:s13] =	ssyncset.done $0x0  }
0x7c: {  	[sflag:s13] =	ssyncadd.s32 $0xFFFFEC00  }
0x7d: {  	_ =	sfence.sel $0x180000  }
0x7e: {  	[bflag:$0x0] =	sbarrier.arrive $0xFFFF  }
0x7f: {  	p0 =	sne.s32 s0, $0x0;
	_ =	strace $0x9000004A  }
0x80: {  	s0 =	sadd.s32 @!p0 $0x100000, s1;
	[bflag:$0x2] =	sbarrier.arrive $0xFFFF  }
0x81: {  	[sflag:s0] =	ssyncadd.tile.s32 @!p0 $0x1;
	_ =	shalt  }
.Lfunc_end2:
_tile_overlayer_lowered:
.L_overlay_start_2:
0x82: {  	(tag) =	ssettag $0x2  }
0x83: {  	s0 =	rddreg [dreg:$0x0];
	s2 =	stileid.u32  }
0x84: {  	s1 =	rddreg [dreg:$0x1];
	p0 =	sne.s32 s2, $0x0  }
0x85: {  	s3 =	rddreg [dreg:$0x2];
	[bflag:$0x3] =	sbarrier.arrive $0xFFFF;
	s2 =	simm.s32 @!p0 $0x1C05  }
0x86: {  	[timem:s3], [sflag:s2] =	dma.local @!p0 [hbm:s0], s1  }
0x87: {  	s0 =	simm.s32 @!p0 $0x5  }
0x88: {  	_ =	swait.ge @!p0 [sflag:s0], s1  }
0x89: {  	s1 =	ssub.s32 @!p0 $0x0, s1;
	[sflag:s0] =	ssyncset.done @!p0 $0x0  }
0x8a: {  	[sflag:s0] =	ssyncadd.s32 @!p0 s1  }
0x8b: {  	[bflag:$0x3] =	sbarrier.arrive $0xFFFF  }
0x8c: {  	_ =	shalt  }

// kernel: kernel.14.cloned.1.call-start
scs
__scs_entry_jumppad:
0x0: {  	(pc) =	sbr.rel $0x88, $3  }
0x1: {  	(tag) =	ssettag $0x0;
	lr =	simm.s32 $0x1  }
0x2: {  	[smem:$0x3F9B] =	sst lr;
	_ =	strace $0xD0000000  }
0x3: {  	_ = 	snop  }
0x4: {  	_ = 	snop  }
0x5: {  	_ = 	snop  }
0x6: {  	_ = 	snop  }
0x7: {  	_ = 	snop  }
__scs_overlays_trampoline_lowered:
0x8: {  	[smem:$0x3FAA] =	sst s0  }
0x9: {  	[smem:$0x3FAB] =	sst s1  }
0xa: {  	[smem:$0x3FAC] =	sst s2  }
0xb: {  	[smem:$0x3FAD] =	sst s3  }
0xc: {  	[smem:$0x3FAE] =	sst s4  }
0xd: {  	[smem:$0x3FAF] =	sst s5  }
0xe: {  	[smem:$0x3FB0] =	sst s6  }
0xf: {  	[smem:$0x3FB1] =	sst s7  }
0x10: {  	[smem:$0x3FB2] =	sst s8  }
0x11: {  	[smem:$0x3FB3] =	sst s9;
	s0 =	simm.s32 @!p0 $0x0  }
0x12: {  	s1 =	sld [smem:$0x3F99];
	s0 =	simm.s32 @p0 $0x1  }
0x13: {  	[smem:$0x3FB4] =	sst s0;
	s0 =	simm.s32 @!p1 $0x0  }
0x14: {  	s2 =	sld [smem:$0x3F98];
	s0 =	simm.s32 @p1 $0x1  }
0x15: {  	[smem:$0x3FB5] =	sst s0;
	s0 =	simm.s32 @!p2 $0x0  }
0x16: {  	s3 =	sld [smem:$0x3FDB];
	s0 =	simm.s32 @p2 $0x1  }
0x17: {  	s4 =	simm.s32 $0x1BF5;
	[smem:$0x3FB7] =	sst s0  }
0x18: {  	s0 =	sld [smem:$0x3F9A];
	_ =	swait.ge [sflag:s4], $0x0  }
0x19: {  	s7 =	sld [smem:$0x3F9B]  }
0x1a: {  	s8 =	sadd.s32 $0xFFFFE003, lr  }
0x1b: {  	s9 =	sadd.s32 $0xFFFFFEF7, lr;
	s5 =	simm.s32 $0xFFFFFFFF;
	p2 =	slt.u32 s8, $0xFFFFF086  }
0x1c: {  	p1 =	slt.u32 s9, $0xF7A;
	s5 =	simm.s32 @!p2 $0x0  }
0x1d: {  	s5 =	simm.s32 @p1 $0x1;
	p0 =	seq.s32 s7, s2  }
0x1e: {  	s7 =	smul.u32 @!p0 $0xF7A, s2;
	p2 =	seq.s32 @!p0 s5, $0x0  }
0x1f: {  	s9 =	smul.u32 $0xF7A, s1;
	s8 =	simm.s32 @!p0 $0x1BF5;
	p2 =	por !p2, p0  }
0x20: {  	[sflag:s8] =	ssyncset.s32 @!p0 $0xFFFFF086;
	s6 =	sadd.s32 @!p0 s3, s7;
	s7 =	simm.s32 @!p0 $0x108  }
0x21: {  	s3 =	sadd.s32 s3, s9;
	s6 =	sadd.s32 @!p0 $0x88, s6;
	s7 =	simm.s32 @p2 $0x1082  }
0x22: {  	[simem:s7], [sflag:s8] =	dma.local @!p0 [hbm:s6], $0xF7A  }
0x23: {  	s9 =	sor.u32 $0xD0000000, s2;
	s6 =	simm.s32 $0x108;
	_ =	swait.ge @!p0 [sflag:s8], $0x0  }
0x24: {  	s3 =	sadd.s32 $0x88, s3;
	s6 =	simm.s32 @!p1 $0x1082;
	[sflag:s4] =	ssyncset.s32 $0xFFFFF086  }
0x25: {  	[simem:s6], [sflag:s4] =	dma.local [hbm:s3], $0xF7A  }
0x26: {  	[smem:$0x3F9B] =	sst s1;
	(tag) =	ssettag s2;
	_ =	strace s9  }
0x27: {  	s1 =	sld [smem:$0x3FAB]  }
0x28: {  	s2 =	sld [smem:$0x3FAC]  }
0x29: {  	s4 =	sld [smem:$0x3FAE]  }
0x2a: {  	p0 =	seq.s32 s5, $0x0;
	s5 =	sld [smem:$0x3FAF]  }
0x2b: {  	s6 =	sld [smem:$0x3FB0]  }
0x2c: {  	s7 =	sld [smem:$0x3FB1]  }
0x2d: {  	s3 =	simm.s32 $0x108;
	s8 =	sld [smem:$0x3FB2]  }
0x2e: {  	s3 =	simm.s32 @!p0 $0x1082;
	s9 =	sld [smem:$0x3FB3]  }
0x2f: {  	lr =	sadd.s32 s0, s3;
	s0 =	sld [smem:$0x3FAA]  }
0x30: {  	s3 =	sld [smem:$0x3FAD]  }
0x31: {  	[smem:$0x3FB6] =	sst s10  }
0x32: {  	s10 =	sld [smem:$0x3FB4];
	_ =	sdelay $0x3  }
0x33: {  	p0 =	seq.s32 s10, $0x1;
	s10 =	sld [smem:$0x3FB6];
	_ =	sdelay $0x3  }
0x34: {  	[smem:$0x3FB6] =	sst s10  }
0x35: {  	s10 =	sld [smem:$0x3FB5];
	_ =	sdelay $0x3  }
0x36: {  	p1 =	seq.s32 s10, $0x1;
	s10 =	sld [smem:$0x3FB6];
	_ =	sdelay $0x3  }
0x37: {  	[smem:$0x3FB6] =	sst s10  }
0x38: {  	s10 =	sld [smem:$0x3FB7]  }
0x39: {  	_ = 	snop;
	(pc) =	sbr.ind lr, $3  }
0x3a: {  	_ = 	snop  }
0x3b: {  	_ = 	snop  }
0x3c: {  	p2 =	seq.s32 s10, $0x1;
	s10 =	sld [smem:$0x3FB6]  }
0x3d: {  	_ =	shalt  }
0x3e: {  	_ =	shalt  }
0x3f: {  	_ =	shalt  }
0x40: {  	_ =	shalt  }
0x41: {  	_ =	shalt  }
0x42: {  	_ =	shalt  }
0x43: {  	_ =	shalt  }
0x44: {  	_ =	shalt  }
0x45: {  	_ =	shalt  }
0x46: {  	_ =	shalt  }
0x47: {  	_ =	shalt  }
0x48: {  	_ =	shalt  }
0x49: {  	_ =	shalt  }
0x4a: {  	_ =	shalt  }
0x4b: {  	_ =	shalt  }
0x4c: {  	_ =	shalt  }
0x4d: {  	_ =	shalt  }
0x4e: {  	_ =	shalt  }
0x4f: {  	_ =	shalt  }
0x50: {  	_ =	shalt  }
0x51: {  	_ =	shalt  }
0x52: {  	_ =	shalt  }
0x53: {  	_ =	shalt  }
0x54: {  	_ =	shalt  }
0x55: {  	_ =	shalt  }
0x56: {  	_ =	shalt  }
0x57: {  	_ =	shalt  }
0x58: {  	_ =	shalt  }
0x59: {  	_ =	shalt  }
0x5a: {  	_ =	shalt  }
0x5b: {  	_ =	shalt  }
0x5c: {  	_ =	shalt  }
0x5d: {  	_ =	shalt  }
0x5e: {  	_ =	shalt  }
0x5f: {  	_ =	shalt  }
0x60: {  	_ =	shalt  }
0x61: {  	_ =	shalt  }
0x62: {  	_ =	shalt  }
0x63: {  	_ =	shalt  }
0x64: {  	_ =	shalt  }
0x65: {  	_ =	shalt  }
0x66: {  	_ =	shalt  }
0x67: {  	_ =	shalt  }
0x68: {  	_ =	shalt  }
0x69: {  	_ =	shalt  }
0x6a: {  	_ =	shalt  }
0x6b: {  	_ =	shalt  }
0x6c: {  	_ =	shalt  }
0x6d: {  	_ =	shalt  }
0x6e: {  	_ =	shalt  }
0x6f: {  	_ =	shalt  }
0x70: {  	_ =	shalt  }
0x71: {  	_ =	shalt  }
0x72: {  	_ =	shalt  }
0x73: {  	_ =	shalt  }
0x74: {  	_ =	shalt  }
0x75: {  	_ =	shalt  }
0x76: {  	_ =	shalt  }
0x77: {  	_ =	shalt  }
0x78: {  	_ =	shalt  }
0x79: {  	_ =	shalt  }
0x7a: {  	_ =	shalt  }
0x7b: {  	_ =	shalt  }
0x7c: {  	_ =	shalt  }
0x7d: {  	_ =	shalt  }
0x7e: {  	_ =	shalt  }
0x7f: {  	_ =	shalt  }
0x80: {  	_ =	shalt  }
0x81: {  	_ =	shalt  }
0x82: {  	_ =	shalt  }
0x83: {  	_ =	shalt  }
0x84: {  	_ =	shalt  }
0x85: {  	_ =	shalt  }
0x86: {  	_ =	shalt  }
0x87: {  	_ =	shalt  }
.Lfunc_end0:
.L_simem_size_0:
called_computation.2_lowered:
.L_overlay_start_0:
0x88: {  	s2 =	sld [smem:$0x3FD9]  }
0x89: {  	s3 =	sld [smem:$0x3FFE];
	_ =	sdelay $0x1  }
0x8a: {  	s1 =	srdreg.scid  }
0x8b: {  	s0 =	sand.u32 $0x1, s1  }
0x8c: {  	s17 =	sshll.u32 s0, $0xA;
	s2 =	sadd.s32 s3, s2  }
0x8d: {  	s2 =	sadd.s32 s2, s17  }
0x8e: {  	[smem:$0x3FC2] =	sst s2  }
0x8f: {  	_ = 	snop  }
0x90: {  	s2 =	sld [smem:$0x3FD0];
	(tm) =	ssettm $0x1  }
0x91: {  	s18 =	sld [smem:$0x3FFB];
	_ =	sdelay $0x3  }
0x92: {  	_ =	strace s18  }
0x93: {  	s3 =	sld [smem:$0x3FFC];
	_ =	sdelay $0x3  }
0x94: {  	_ =	strace s3  }
0x95: {  	s3 =	sld [smem:$0x3FFD];
	_ =	sdelay $0x3  }
0x96: {  	_ =	strace s3  }
0x97: {  	_ =	strace $0x8FFFFFFF  }
0x98: {  	s19 =	sld [smem:$0x3FDB];
	_ =	sdelay $0x1  }
0x99: {  	s4 =	simm.s32 $_scs_section_size  }
0x9a: {  	s5 =	simm.s32 $_size__tile_overlayer_lowered;
	s6 =	simm.s32 $_tile_overlayer_lowered  }
0x9b: {  	s22 =	simm.s32 $0x1BFF;
	s21 =	sshll.u32 s6, $0x1;
	s3 =	sadd.s32 s4, s19  }
0x9c: {  	s7 =	simm.s32 $0x0;
	s20 =	sshll.u32 s5, $0x1;
	s5 =	sadd.s32 s21, s3  }
0x9d: {  	[timem:s7], [sflag:s22] =	dma.local [hbm:s5], s20  }
0x9e: {  	_ =	swait.ge [sflag:s22], s20  }
0x9f: {  	s4 =	ssub.s32 $0x0, s20;
	[sflag:s22] =	ssyncset.done $0x0  }
0xa0: {  	[sflag:s22] =	ssyncadd.s32 s4;
	_ =	sdelay $0x1  }
0xa1: {  	s23 =	simm.s32 $0x1B8B  }
0xa2: {  	_ =	swait.ge [sflag:s23], $0x1  }
0xa3: {  	[sflag:s23] =	ssyncset.done $0x0  }
0xa4: {  	s25 =	simm.s32 $0x1B8E;
	s24 =	sld [smem:$0x3FFE];
	[sflag:s23] =	ssyncadd.s32 $0xFFFFFFFF  }
0xa5: {  	s26 =	simm.s32 $execute0_lowered;
	[smem:$0x3FD2] =	sst s25  }
0xa6: {  	s5 =	sshll.u32 s26, $0x1;
	_ =	strace $0x8000004C;
	[dreg:$0x1] =	wrdreg $0xFFFFFFFF  }
0xa7: {  	s28 =	simm.s32 $_size_execute0_lowered;
	s3 =	sadd.s32 s3, s5;
	[dreg:$0x0] =	wrdreg $0x0  }
0xa8: {  	s5 =	sshll.u32 s28, $0x1;
	[dreg:$0x2] =	wrdreg s3  }
0xa9: {  	[dreg:$0x3] =	wrdreg s5  }
0xaa: {  	[dreg:$0x4] =	wrdreg $0xC0  }
0xab: {  	_ =	task [dreg:s7], $0x5FFFF  }
0xac: {  	[dreg:$0x1] =	wrdreg $0xFFFFFFFF  }
0xad: {  	[dreg:$0x0] =	wrdreg $0x60  }
0xae: {  	[dreg:$0x2] =	wrdreg s2  }
0xaf: {  	[dreg:$0x3] =	wrdreg s24  }
0xb0: {  	[dreg:$0x4] =	wrdreg $0x6C000  }
0xb1: {  	[dreg:$0x5] =	wrdreg $0x94000  }
0xb2: {  	[dreg:$0x6] =	wrdreg $0x9  }
0xb3: {  	_ =	task.clear_ibuf [dreg:s7], $0x7FFFF;
	_ =	strace $0x9000004C  }
0xb4: {  	s29 =	simm.s32 $0x9;
	_ =	strace $0x8000004E  }
0xb5: {  	_ =	swait.ge [sflag:s29], $0x1  }
0xb6: {  	[sflag:s29] =	ssyncadd.s32 $0xFFFFFFFF  }
0xb7: {  	_ =	strace $0x9000004E  }
0xb8: {  	_ =	sfence  }
0xb9: {  	s30 =	sld [smem:$0x0];
	_ =	sdelay $0x2  }
0xba: {  	s31 =	sshll.u32 s1, $0xD;
	s1 =	sshrl.u32 s1, $0x2  }
0xbb: {  	s3 =	sand.u32 $0x4000, s31;
	s1 =	sadd.s32 s1, s30  }
0xbc: {  	s0 =	sor.u32 s3, s0;
	s1 =	sshll.u32 s1, $0x11  }
0xbd: {  	s0 =	sor.u32 s1, s0  }
0xbe: {  	s0 =	sadd.s32 $0x8F2B, s0  }
0xbf: {  	[sflag:s0] =	ssyncadd.remote.s32 $0x1  }
0xc0: {  	_ =	sfence.sel $0xFFFF  }
0xc1: {  	[dreg:$0x0] =	wrdreg $0xFFFFFFFF;
	(pc) =	sbr.abs _section_cstart, $3  }
0xc2: {  	[dreg:$0x1] =	wrdreg $0xFFFFFFFF  }
0xc3: {  	_ =	task.clear_ibuf [dreg:s7], $0x2FFFF;
	_ =	strace $0x9FFFFFFF  }
0xc4: {  	(tm) =	ssettm $0x7FFFFFFF  }
0xc5: {  	_ =	shalt  }
tec
execute0_lowered:
.L_overlay_start_1:
0x0: {  	(tag) =	ssettag $0x1  }
0x1: {  	s1 =	rddreg [dreg:$0x0]  }
0x2: {  	s0 =	srdreg.scid;
	s5 =	rddreg [dreg:$0x1]  }
0x3: {  	s14 =	stileid.u32;
	s2 =	rddreg [dreg:$0x2];
	s16 =	simm.s32 $0x80  }
0x4: {  	s17 =	simm.s32 $0x2C00;
	s18 =	simm.s32 $0x3400;
	s20 =	simm.s32 $0x3C00  }
0x5: {  	s21 =	simm.s32 $0x180;
	s22 =	simm.s32 $0x4400;
	s28 =	simm.s32 $0x6400  }
0x6: {  	s29 =	simm.s32 $0x2;
	s30 =	simm.s32 $0x3;
	s7 =	smul.u32 $0x2800, s14  }
0x7: {  	s31 =	simm.s32 $0x4;
	s0 =	sand.u32 $0x1, s0;
	s11 =	smul.u32 $0x2710, s14  }
0x8: {  	s24 =	sshll.u32 s14, $0x6;
	s3 =	sshll.u32 s0, $0x4;
	s8 =	smul.u32 $0x28000, s0  }
0x9: {  	s0 =	ssub.s32 $0x2, s0;
	s4 =	sor.u32 s14, s3;
	s3 =	rddreg [dreg:$0x3]  }
0xa: {  	s23 =	sshrl.u32 s7, $0x3;
	s10 =	sshrl.u32 s0, $0x1;
	s13 =	sadd.s32 s7, s2  }
0xb: {  	s25 =	sshrl.u32 s11, $0x3;
	s6 =	smul.u32 $0x320, s4;
	s4 =	simm.s32 $0x0  }
0xc: {  	s8 =	sadd.s32 s7, s8;
	s0 =	ssub.s32 s0, s10;
	s26 =	sadd.s32 s11, s3  }
0xd: {  	s7 =	sadd.s32 s1, s25;
	s25 =	simm.s32 $0x5400;
	s1 =	simm.s32 $0x0  }
0xe: {  	[smem:$0x7FF] =	sst s4;
	s8 =	sshrl.u32 s8, $0x3;
	s11 =	smax.u32 s0, $0x1  }
0xf: {  	s14 =	sshrl.u32 s26, $0x3;
	s26 =	simm.s32 $0x5C00;
	_ =	strace $0x8000004D  }
0x10: {  	s9 =	sadd.s32 s6, s5;
	s6 =	sadd.s32 s23, s5;
	s12 =	sadd.s32 s8, s5  }
0x11: {  	s23 =	simm.s32 $0x1;
	s5 =	sadd.s32 $0x5E800, s6;
	s6 =	sor.u32 $0x1C05, s24  }
0x12: {  	s8 =	sadd.s32 $0x8400, s9;
	s9 =	sadd.s32 $0x1800, s9;
	s10 =	sadd.s32 $0x63800, s12  }
0x13: {  	s12 =	sshrl.u32 s13, $0x3;
	s13 =	simm.s32 $0x5;
	s24 =	simm.s32 $0x4C00  }
.LBB2_1:
0x14: {  	[spmem:s12], [sflag:s6] =	dma.local [hbm:s5], $0x500  }
0x15: {  	_ =	swait.ge [sflag:s13], $0x500  }
0x16: {  	[sflag:s13] =	ssyncset.done $0x0  }
0x17: {  	[sflag:s13] =	ssyncadd.s32 $0xFFFFFB00  }
0x18: {  	[spmem:s14], [sflag:s6] =	dma.local [hbm:s7], $0x4E2  }
0x19: {  	_ =	swait.ge [sflag:s13], $0x4E2  }
0x1a: {  	[sflag:s13] =	ssyncset.done $0x0  }
0x1b: {  	[sflag:s13] =	ssyncadd.s32 $0xFFFFFB1E  }
0x1c: {  	[tilespmem:s4], [sflag:$0x5] =	stream.linear.gather [hbm4b:s8+s4], $0x1600, $0x38;
	[tilespmem:$0xBB10] =	vst v63  }
0x1d: {  	_ =	swait.ge [sflag:s13], $0x1600  }
0x1e: {  	[sflag:s13] =	ssyncset.done $0x0  }
0x1f: {  	s0 =	simm.s32 $0x1600;
	[sflag:s13] =	ssyncadd.s32 $0xFFFFEA00  }
0x20: {  	[tilespmem:s0], [sflag:$0x5] =	stream.linear.gather [hbm4b:s9+s4], $0x1600, $0x38;
	[tilespmem:$0xBB10] =	vst v63  }
0x21: {  	_ =	swait.ge [sflag:s13], $0x1600  }
0x22: {  	[sflag:s13] =	ssyncset.done $0x0  }
0x23: {  	[sflag:s13] =	ssyncadd.s32 $0xFFFFEA00  }
0x24: {  	[bflag:$0x0] =	sbarrier.arrive $0xFFFF  }
0x25: {  	[tilespmem:s17], [sflag:$0x1] =	stream.indirect.gather [spmem:s3], $0x10, s4, s16, $0xb8;
	[tilespmem:$0xBB10] =	vst v63  }
0x26: {  	_ = 	snop  }
0x27: {  	[tilespmem:s18], [sflag:$0x1] =	stream.indirect.gather [spmem:s3], $0x10, s16, s16, $0xb8;
	[tilespmem:$0xBB10] =	vst v63  }
0x28: {  	s19 =	simm.s32 $0x100  }
0x29: {  	[tilespmem:s20], [sflag:$0x1] =	stream.indirect.gather [spmem:s3], $0x10, s19, s16, $0xb8;
	[tilespmem:$0xBB10] =	vst v63  }
0x2a: {  	_ = 	snop  }
0x2b: {  	[tilespmem:s22], [sflag:$0x1] =	stream.indirect.gather [spmem:s3], $0x10, s21, s16, $0xb8;
	[tilespmem:$0xBB10] =	vst v63  }
0x2c: {  	_ =	swait.ge [sflag:s23], $0x800  }
0x2d: {  	[sflag:s23] =	ssyncset.done $0x0  }
0x2e: {  	[sflag:s23] =	ssyncadd.s32 $0xFFFFF800  }
0x2f: {  	_ =	swait.ge [sflag:s23], $0x800  }
0x30: {  	[sflag:s23] =	ssyncset.done $0x0  }
0x31: {  	[sflag:s23] =	ssyncadd.s32 $0xFFFFF800  }
0x32: {  	_ =	swait.ge [sflag:s23], $0x800  }
0x33: {  	[sflag:s23] =	ssyncset.done $0x0  }
0x34: {  	[sflag:s23] =	ssyncadd.s32 $0xFFFFF800  }
0x35: {  	_ =	swait.ge [sflag:s23], $0x800  }
0x36: {  	[sflag:s23] =	ssyncset.done $0x0  }
0x37: {  	s15 =	simm.s32 $0x200;
	[sflag:s23] =	ssyncadd.s32 $0xFFFFF800  }
0x38: {  	[tilespmem:s24], [sflag:$0x2] =	stream.indirect.gather [spmem:s3], $0x10, s15, s16, $0xb8;
	[tilespmem:$0xBB10] =	vst v63  }
0x39: {  	s19 =	simm.s32 $0x280  }
0x3a: {  	[tilespmem:s25], [sflag:$0x2] =	stream.indirect.gather [spmem:s3], $0x10, s19, s16, $0xb8;
	[tilespmem:$0xBB10] =	vst v63  }
0x3b: {  	s15 =	simm.s32 $0x300  }
0x3c: {  	[tilespmem:s26], [sflag:$0x2] =	stream.indirect.gather [spmem:s3], $0x10, s15, s16, $0xb8;
	[tilespmem:$0xBB10] =	vst v63  }
0x3d: {  	s19 =	simm.s32 $0x380  }
0x3e: {  	[tilespmem:s28], [sflag:$0x2] =	stream.indirect.gather [spmem:s3], $0x10, s19, s16, $0xb8;
	[tilespmem:$0xBB10] =	vst v63  }
0x3f: {  	s15 =	simm.s32 $0x1600  }
0x40: {  	[spmem:s2] =	stream.indirect.scatter.add.f32 [tilespmem:s17], [sflag:$0x3], $0x10, s15, s16, $0xb8;
	[tilespmem:$0xBB10] =	vst v63  }
0x41: {  	s19 =	simm.s32 $0x1680  }
0x42: {  	[spmem:s2] =	stream.indirect.scatter.add.f32 [tilespmem:s18], [sflag:$0x3], $0x10, s19, s16, $0xb8;
	[tilespmem:$0xBB10] =	vst v63  }
0x43: {  	s15 =	simm.s32 $0x1700  }
0x44: {  	[spmem:s2] =	stream.indirect.scatter.add.f32 [tilespmem:s20], [sflag:$0x3], $0x10, s15, s16, $0xb8;
	[tilespmem:$0xBB10] =	vst v63  }
0x45: {  	s19 =	simm.s32 $0x1780  }
0x46: {  	[spmem:s2] =	stream.indirect.scatter.add.f32 [tilespmem:s22], [sflag:$0x3], $0x10, s19, s16, $0xb8;
	[tilespmem:$0xBB10] =	vst v63  }
0x47: {  	_ =	swait.ge [sflag:s29], $0x800  }
0x48: {  	[sflag:s29] =	ssyncset.done $0x0  }
0x49: {  	[sflag:s29] =	ssyncadd.s32 $0xFFFFF800  }
0x4a: {  	_ =	swait.ge [sflag:s29], $0x800  }
0x4b: {  	[sflag:s29] =	ssyncset.done $0x0  }
0x4c: {  	[sflag:s29] =	ssyncadd.s32 $0xFFFFF800  }
0x4d: {  	_ =	swait.ge [sflag:s29], $0x800  }
0x4e: {  	[sflag:s29] =	ssyncset.done $0x0  }
0x4f: {  	[sflag:s29] =	ssyncadd.s32 $0xFFFFF800  }
0x50: {  	_ =	swait.ge [sflag:s29], $0x800  }
0x51: {  	[sflag:s29] =	ssyncset.done $0x0  }
0x52: {  	s15 =	simm.s32 $0x1800;
	[sflag:s29] =	ssyncadd.s32 $0xFFFFF800  }
0x53: {  	[spmem:s2] =	stream.indirect.scatter.add.f32 [tilespmem:s24], [sflag:$0x4], $0x10, s15, s16, $0xb8;
	[tilespmem:$0xBB10] =	vst v63  }
0x54: {  	s19 =	simm.s32 $0x1880  }
0x55: {  	[spmem:s2] =	stream.indirect.scatter.add.f32 [tilespmem:s25], [sflag:$0x4], $0x10, s19, s16, $0xb8;
	[tilespmem:$0xBB10] =	vst v63  }
0x56: {  	s15 =	simm.s32 $0x1900  }
0x57: {  	[spmem:s2] =	stream.indirect.scatter.add.f32 [tilespmem:s26], [sflag:$0x4], $0x10, s15, s16, $0xb8;
	[tilespmem:$0xBB10] =	vst v63  }
0x58: {  	s19 =	simm.s32 $0x1980  }
0x59: {  	[spmem:s2] =	stream.indirect.scatter.add.f32 [tilespmem:s28], [sflag:$0x4], $0x10, s19, s16, $0xb8;
	[tilespmem:$0xBB10] =	vst v63  }
0x5a: {  	_ =	swait.ge [sflag:s30], $0x800  }
0x5b: {  	[sflag:s30] =	ssyncset.done $0x0  }
0x5c: {  	[sflag:s30] =	ssyncadd.s32 $0xFFFFF800  }
0x5d: {  	_ =	swait.ge [sflag:s30], $0x800  }
0x5e: {  	[sflag:s30] =	ssyncset.done $0x0  }
0x5f: {  	[sflag:s30] =	ssyncadd.s32 $0xFFFFF800  }
0x60: {  	_ =	swait.ge [sflag:s30], $0x800  }
0x61: {  	[sflag:s30] =	ssyncset.done $0x0  }
0x62: {  	[sflag:s30] =	ssyncadd.s32 $0xFFFFF800  }
0x63: {  	_ =	swait.ge [sflag:s30], $0x800  }
0x64: {  	[sflag:s30] =	ssyncset.done $0x0  }
0x65: {  	s15 =	simm.s32 $0x400;
	[sflag:s30] =	ssyncadd.s32 $0xFFFFF800  }
0x66: {  	[tilespmem:s17], [sflag:$0x1] =	stream.indirect.gather [spmem:s3], $0x10, s15, s16, $0xb8;
	[tilespmem:$0xBB10] =	vst v63  }
0x67: {  	s19 =	simm.s32 $0x480  }
0x68: {  	[tilespmem:s18], [sflag:$0x1] =	stream.indirect.gather [spmem:s3], $0x10, s19, s16, $0xb8;
	[tilespmem:$0xBB10] =	vst v63  }
0x69: {  	s15 =	simm.s32 $0x500  }
0x6a: {  	[tilespmem:s20], [sflag:$0x1] =	stream.indirect.gather [spmem:s3], $0x10, s15, s16, $0xb8;
	[tilespmem:$0xBB10] =	vst v63  }
0x6b: {  	s19 =	simm.s32 $0x580  }
0x6c: {  	[tilespmem:s22], [sflag:$0x1] =	stream.indirect.gather [spmem:s3], $0x10, s19, s16, $0xb8;
	[tilespmem:$0xBB10] =	vst v63  }
0x6d: {  	_ =	swait.ge [sflag:s31], $0x800  }
0x6e: {  	[sflag:s31] =	ssyncset.done $0x0  }
0x6f: {  	[sflag:s31] =	ssyncadd.s32 $0xFFFFF800  }
0x70: {  	_ =	swait.ge [sflag:s31], $0x800  }
0x71: {  	[sflag:s31] =	ssyncset.done $0x0  }
0x72: {  	[sflag:s31] =	ssyncadd.s32 $0xFFFFF800  }
0x73: {  	_ =	swait.ge [sflag:s31], $0x800  }
0x74: {  	[sflag:s31] =	ssyncset.done $0x0  }
0x75: {  	[sflag:s31] =	ssyncadd.s32 $0xFFFFF800  }
0x76: {  	_ =	swait.ge [sflag:s31], $0x800  }
0x77: {  	s0 =	simm.s32 $0x1000;
	[sflag:s31] =	ssyncset.done $0x0  }
.LBB2_2:
0x78: {  	p0 =	sne.s32 s0, $0x4000  }
0x79: {  	[sflag:s31] =	ssyncadd.s32 $0xFFFFF800;
	s15 =	smov.u32 s0;
	s0 =	sadd.s32 $0x1000, s0  }
0x7a: {  	_ =	swait.ge [sflag:s23], $0x800  }
0x7b: {  	[sflag:s23] =	ssyncset.done $0x0  }
0x7c: {  	[sflag:s23] =	ssyncadd.s32 $0xFFFFF800  }
0x7d: {  	_ =	swait.ge [sflag:s23], $0x800  }
0x7e: {  	[sflag:s23] =	ssyncset.done $0x0  }
0x7f: {  	[sflag:s23] =	ssyncadd.s32 $0xFFFFF800  }
0x80: {  	_ =	swait.ge [sflag:s23], $0x800  }
0x81: {  	[sflag:s23] =	ssyncset.done $0x0  }
0x82: {  	[sflag:s23] =	ssyncadd.s32 $0xFFFFF800  }
0x83: {  	_ =	swait.ge [sflag:s23], $0x800  }
0x84: {  	s15 =	sshra.s32 s15, $0x2;
	[sflag:s23] =	ssyncset.done $0x0  }
0x85: {  	s19 =	sadd.s32 $0x200, s15;
	[sflag:s23] =	ssyncadd.s32 $0xFFFFF800  }
0x86: {  	[tilespmem:s24], [sflag:$0x2] =	stream.indirect.gather [spmem:s3], $0x10, s19, s16, $0xb8;
	[tilespmem:$0xBB10] =	vst v63  }
0x87: {  	s19 =	sadd.s32 $0x280, s15  }
0x88: {  	[tilespmem:s25], [sflag:$0x2] =	stream.indirect.gather [spmem:s3], $0x10, s19, s16, $0xb8;
	[tilespmem:$0xBB10] =	vst v63  }
0x89: {  	s19 =	sadd.s32 $0x300, s15  }
0x8a: {  	[tilespmem:s26], [sflag:$0x2] =	stream.indirect.gather [spmem:s3], $0x10, s19, s16, $0xb8;
	[tilespmem:$0xBB10] =	vst v63  }
0x8b: {  	s19 =	sadd.s32 $0x380, s15  }
0x8c: {  	[tilespmem:s28], [sflag:$0x2] =	stream.indirect.gather [spmem:s3], $0x10, s19, s16, $0xb8;
	[tilespmem:$0xBB10] =	vst v63  }
0x8d: {  	s19 =	sadd.s32 $0x1600, s15  }
0x8e: {  	[spmem:s2] =	stream.indirect.scatter.add.f32 [tilespmem:s17], [sflag:$0x3], $0x10, s19, s16, $0xb8;
	[tilespmem:$0xBB10] =	vst v63  }
0x8f: {  	s19 =	sadd.s32 $0x1680, s15  }
0x90: {  	[spmem:s2] =	stream.indirect.scatter.add.f32 [tilespmem:s18], [sflag:$0x3], $0x10, s19, s16, $0xb8;
	[tilespmem:$0xBB10] =	vst v63  }
0x91: {  	s19 =	sadd.s32 $0x1700, s15  }
0x92: {  	[spmem:s2] =	stream.indirect.scatter.add.f32 [tilespmem:s20], [sflag:$0x3], $0x10, s19, s16, $0xb8;
	[tilespmem:$0xBB10] =	vst v63  }
0x93: {  	s19 =	sadd.s32 $0x1780, s15  }
0x94: {  	[spmem:s2] =	stream.indirect.scatter.add.f32 [tilespmem:s22], [sflag:$0x3], $0x10, s19, s16, $0xb8;
	[tilespmem:$0xBB10] =	vst v63  }
0x95: {  	_ =	swait.ge [sflag:s29], $0x800  }
0x96: {  	[sflag:s29] =	ssyncset.done $0x0  }
0x97: {  	[sflag:s29] =	ssyncadd.s32 $0xFFFFF800  }
0x98: {  	_ =	swait.ge [sflag:s29], $0x800  }
0x99: {  	[sflag:s29] =	ssyncset.done $0x0  }
0x9a: {  	[sflag:s29] =	ssyncadd.s32 $0xFFFFF800  }
0x9b: {  	_ =	swait.ge [sflag:s29], $0x800  }
0x9c: {  	[sflag:s29] =	ssyncset.done $0x0  }
0x9d: {  	[sflag:s29] =	ssyncadd.s32 $0xFFFFF800  }
0x9e: {  	_ =	swait.ge [sflag:s29], $0x800  }
0x9f: {  	[sflag:s29] =	ssyncset.done $0x0  }
0xa0: {  	s19 =	sadd.s32 $0x1800, s15;
	[sflag:s29] =	ssyncadd.s32 $0xFFFFF800  }
0xa1: {  	[spmem:s2] =	stream.indirect.scatter.add.f32 [tilespmem:s24], [sflag:$0x4], $0x10, s19, s16, $0xb8;
	[tilespmem:$0xBB10] =	vst v63  }
0xa2: {  	s19 =	sadd.s32 $0x1880, s15  }
0xa3: {  	[spmem:s2] =	stream.indirect.scatter.add.f32 [tilespmem:s25], [sflag:$0x4], $0x10, s19, s16, $0xb8;
	[tilespmem:$0xBB10] =	vst v63  }
0xa4: {  	s19 =	sadd.s32 $0x1900, s15  }
0xa5: {  	[spmem:s2] =	stream.indirect.scatter.add.f32 [tilespmem:s26], [sflag:$0x4], $0x10, s19, s16, $0xb8;
	[tilespmem:$0xBB10] =	vst v63  }
0xa6: {  	s19 =	sadd.s32 $0x1980, s15  }
0xa7: {  	[spmem:s2] =	stream.indirect.scatter.add.f32 [tilespmem:s28], [sflag:$0x4], $0x10, s19, s16, $0xb8;
	[tilespmem:$0xBB10] =	vst v63  }
0xa8: {  	_ =	swait.ge [sflag:s30], $0x800  }
0xa9: {  	[sflag:s30] =	ssyncset.done $0x0  }
0xaa: {  	[sflag:s30] =	ssyncadd.s32 $0xFFFFF800  }
0xab: {  	_ =	swait.ge [sflag:s30], $0x800  }
0xac: {  	[sflag:s30] =	ssyncset.done $0x0  }
0xad: {  	[sflag:s30] =	ssyncadd.s32 $0xFFFFF800  }
0xae: {  	_ =	swait.ge [sflag:s30], $0x800  }
0xaf: {  	[sflag:s30] =	ssyncset.done $0x0  }
0xb0: {  	[sflag:s30] =	ssyncadd.s32 $0xFFFFF800  }
0xb1: {  	_ =	swait.ge [sflag:s30], $0x800  }
0xb2: {  	[sflag:s30] =	ssyncset.done $0x0  }
0xb3: {  	s19 =	sadd.s32 $0x400, s15;
	[sflag:s30] =	ssyncadd.s32 $0xFFFFF800  }
0xb4: {  	[tilespmem:s17], [sflag:$0x1] =	stream.indirect.gather [spmem:s3], $0x10, s19, s16, $0xb8;
	[tilespmem:$0xBB10] =	vst v63  }
0xb5: {  	s19 =	sadd.s32 $0x480, s15  }
0xb6: {  	[tilespmem:s18], [sflag:$0x1] =	stream.indirect.gather [spmem:s3], $0x10, s19, s16, $0xb8;
	[tilespmem:$0xBB10] =	vst v63  }
0xb7: {  	s19 =	sadd.s32 $0x500, s15  }
0xb8: {  	[tilespmem:s20], [sflag:$0x1] =	stream.indirect.gather [spmem:s3], $0x10, s19, s16, $0xb8;
	[tilespmem:$0xBB10] =	vst v63  }
0xb9: {  	s15 =	sadd.s32 $0x580, s15  }
0xba: {  	[tilespmem:s22], [sflag:$0x1] =	stream.indirect.gather [spmem:s3], $0x10, s15, s16, $0xb8;
	[tilespmem:$0xBB10] =	vst v63  }
0xbb: {  	_ =	swait.ge [sflag:s31], $0x800  }
0xbc: {  	[sflag:s31] =	ssyncset.done $0x0  }
0xbd: {  	[sflag:s31] =	ssyncadd.s32 $0xFFFFF800  }
0xbe: {  	_ =	swait.ge [sflag:s31], $0x800  }
0xbf: {  	[sflag:s31] =	ssyncset.done $0x0  }
0xc0: {  	[sflag:s31] =	ssyncadd.s32 $0xFFFFF800  }
.Ltmp0:
0xc1: {  	_ =	swait.ge [sflag:s31], $0x800;
	(pc) =	sbr.rel @p0 .LBB2_2-.Ltmp0, $4  }
0xc2: {  	[sflag:s31] =	ssyncset.done $0x0  }
0xc3: {  	[sflag:s31] =	ssyncadd.s32 $0xFFFFF800  }
0xc4: {  	_ =	swait.ge [sflag:s31], $0x800  }
0xc5: {  	[sflag:s31] =	ssyncset.done $0x0  }
0xc6: {  	[sflag:s31] =	ssyncadd.s32 $0xFFFFF800  }
0xc7: {  	_ =	swait.ge [sflag:s23], $0x800  }
0xc8: {  	[sflag:s23] =	ssyncset.done $0x0  }
0xc9: {  	[sflag:s23] =	ssyncadd.s32 $0xFFFFF800  }
0xca: {  	_ =	swait.ge [sflag:s23], $0x800  }
0xcb: {  	[sflag:s23] =	ssyncset.done $0x0  }
0xcc: {  	[sflag:s23] =	ssyncadd.s32 $0xFFFFF800  }
0xcd: {  	_ =	swait.ge [sflag:s23], $0x800  }
0xce: {  	[sflag:s23] =	ssyncset.done $0x0  }
0xcf: {  	[sflag:s23] =	ssyncadd.s32 $0xFFFFF800  }
0xd0: {  	_ =	swait.ge [sflag:s23], $0x800  }
0xd1: {  	s1 =	sadd.s32 $0x1, s1;
	[sflag:s23] =	ssyncset.done $0x0  }
0xd2: {  	p0 =	sne.s32 s1, s11;
	[sflag:s23] =	ssyncadd.s32 $0xFFFFF800  }
.Ltmp1:
0xd3: {  	[bflag:$0x0] =	sbarrier.arrive $0xFFFF;
	(pc) =	sbr.rel @p0 .LBB2_1-.Ltmp1, $4  }
0xd4: {  	[hbm:s10], [sflag:s6] =	dma.local [spmem:s12], $0x500  }
0xd5: {  	_ =	swait.ge [sflag:s13], $0x500  }
0xd6: {  	[sflag:s13] =	ssyncset.done $0x0  }
0xd7: {  	[sflag:s13] =	ssyncadd.s32 $0xFFFFFB00  }
0xd8: {  	_ =	sfence.sel $0x180000  }
0xd9: {  	[bflag:$0x0] =	sbarrier.arrive $0xFFFF  }
0xda: {  	_ =	strace $0x9000004D  }
0xdb: {  	s0 =	stileid.u32;
	[bflag:$0x2] =	sbarrier.arrive $0xFFFF  }
0xdc: {  	p0 =	sne.s32 s0, $0x0;
	s0 =	rddreg [dreg:$0x4]  }
0xdd: {  	s0 =	sadd.s32 @!p0 $0x100000, s0  }
0xde: {  	[sflag:s0] =	ssyncadd.tile.s32 @!p0 $0x1;
	_ =	shalt  }
.Lfunc_end2:
_tile_overlayer_lowered:
.L_overlay_start_2:
0xdf: {  	(tag) =	ssettag $0x2  }
0xe0: {  	s0 =	rddreg [dreg:$0x0];
	s2 =	stileid.u32  }
0xe1: {  	s1 =	rddreg [dreg:$0x1];
	p0 =	sne.s32 s2, $0x0  }
0xe2: {  	s3 =	rddreg [dreg:$0x2];
	[bflag:$0x3] =	sbarrier.arrive $0xFFFF;
	s2 =	simm.s32 @!p0 $0x1C05  }
0xe3: {  	[timem:s3], [sflag:s2] =	dma.local @!p0 [hbm:s0], s1  }
0xe4: {  	s0 =	simm.s32 @!p0 $0x5  }
0xe5: {  	_ =	swait.ge @!p0 [sflag:s0], s1  }
0xe6: {  	s1 =	ssub.s32 @!p0 $0x0, s1;
	[sflag:s0] =	ssyncset.done @!p0 $0x0  }
0xe7: {  	[sflag:s0] =	ssyncadd.s32 @!p0 s1  }
0xe8: {  	[bflag:$0x3] =	sbarrier.arrive $0xFFFF  }
0xe9: {  	_ =	shalt  }

// kernel: kernel.8.cloned.1.call-start
scs
__scs_entry_jumppad:
0x0: {  	(pc) =	sbr.rel $0x88, $3  }
0x1: {  	(tag) =	ssettag $0x0;
	lr =	simm.s32 $0x1  }
0x2: {  	[smem:$0x3F9B] =	sst lr;
	_ =	strace $0xD0000000  }
0x3: {  	_ = 	snop  }
0x4: {  	_ = 	snop  }
0x5: {  	_ = 	snop  }
0x6: {  	_ = 	snop  }
0x7: {  	_ = 	snop  }
__scs_overlays_trampoline_lowered:
0x8: {  	[smem:$0x3FAA] =	sst s0  }
0x9: {  	[smem:$0x3FAB] =	sst s1  }
0xa: {  	[smem:$0x3FAC] =	sst s2  }
0xb: {  	[smem:$0x3FAD] =	sst s3  }
0xc: {  	[smem:$0x3FAE] =	sst s4  }
0xd: {  	[smem:$0x3FAF] =	sst s5  }
0xe: {  	[smem:$0x3FB0] =	sst s6  }
0xf: {  	[smem:$0x3FB1] =	sst s7  }
0x10: {  	[smem:$0x3FB2] =	sst s8  }
0x11: {  	[smem:$0x3FB3] =	sst s9;
	s0 =	simm.s32 @!p0 $0x0  }
0x12: {  	s1 =	sld [smem:$0x3F99];
	s0 =	simm.s32 @p0 $0x1  }
0x13: {  	[smem:$0x3FB4] =	sst s0;
	s0 =	simm.s32 @!p1 $0x0  }
0x14: {  	s2 =	sld [smem:$0x3F98];
	s0 =	simm.s32 @p1 $0x1  }
0x15: {  	[smem:$0x3FB5] =	sst s0;
	s0 =	simm.s32 @!p2 $0x0  }
0x16: {  	s3 =	sld [smem:$0x3FDB];
	s0 =	simm.s32 @p2 $0x1  }
0x17: {  	s4 =	simm.s32 $0x1BF5;
	[smem:$0x3FB7] =	sst s0  }
0x18: {  	s0 =	sld [smem:$0x3F9A];
	_ =	swait.ge [sflag:s4], $0x0  }
0x19: {  	s7 =	sld [smem:$0x3F9B]  }
0x1a: {  	s8 =	sadd.s32 $0xFFFFE003, lr  }
0x1b: {  	s9 =	sadd.s32 $0xFFFFFEF7, lr;
	s5 =	simm.s32 $0xFFFFFFFF;
	p2 =	slt.u32 s8, $0xFFFFF086  }
0x1c: {  	p1 =	slt.u32 s9, $0xF7A;
	s5 =	simm.s32 @!p2 $0x0  }
0x1d: {  	s5 =	simm.s32 @p1 $0x1;
	p0 =	seq.s32 s7, s2  }
0x1e: {  	s7 =	smul.u32 @!p0 $0xF7A, s2;
	p2 =	seq.s32 @!p0 s5, $0x0  }
0x1f: {  	s9 =	smul.u32 $0xF7A, s1;
	s8 =	simm.s32 @!p0 $0x1BF5;
	p2 =	por !p2, p0  }
0x20: {  	[sflag:s8] =	ssyncset.s32 @!p0 $0xFFFFF086;
	s6 =	sadd.s32 @!p0 s3, s7;
	s7 =	simm.s32 @!p0 $0x108  }
0x21: {  	s3 =	sadd.s32 s3, s9;
	s6 =	sadd.s32 @!p0 $0x88, s6;
	s7 =	simm.s32 @p2 $0x1082  }
0x22: {  	[simem:s7], [sflag:s8] =	dma.local @!p0 [hbm:s6], $0xF7A  }
0x23: {  	s9 =	sor.u32 $0xD0000000, s2;
	s6 =	simm.s32 $0x108;
	_ =	swait.ge @!p0 [sflag:s8], $0x0  }
0x24: {  	s3 =	sadd.s32 $0x88, s3;
	s6 =	simm.s32 @!p1 $0x1082;
	[sflag:s4] =	ssyncset.s32 $0xFFFFF086  }
0x25: {  	[simem:s6], [sflag:s4] =	dma.local [hbm:s3], $0xF7A  }
0x26: {  	[smem:$0x3F9B] =	sst s1;
	(tag) =	ssettag s2;
	_ =	strace s9  }
0x27: {  	s1 =	sld [smem:$0x3FAB]  }
0x28: {  	s2 =	sld [smem:$0x3FAC]  }
0x29: {  	s4 =	sld [smem:$0x3FAE]  }
0x2a: {  	p0 =	seq.s32 s5, $0x0;
	s5 =	sld [smem:$0x3FAF]  }
0x2b: {  	s6 =	sld [smem:$0x3FB0]  }
0x2c: {  	s7 =	sld [smem:$0x3FB1]  }
0x2d: {  	s3 =	simm.s32 $0x108;
	s8 =	sld [smem:$0x3FB2]  }
0x2e: {  	s3 =	simm.s32 @!p0 $0x1082;
	s9 =	sld [smem:$0x3FB3]  }
0x2f: {  	lr =	sadd.s32 s0, s3;
	s0 =	sld [smem:$0x3FAA]  }
0x30: {  	s3 =	sld [smem:$0x3FAD]  }
0x31: {  	[smem:$0x3FB6] =	sst s10  }
0x32: {  	s10 =	sld [smem:$0x3FB4];
	_ =	sdelay $0x3  }
0x33: {  	p0 =	seq.s32 s10, $0x1;
	s10 =	sld [smem:$0x3FB6];
	_ =	sdelay $0x3  }
0x34: {  	[smem:$0x3FB6] =	sst s10  }
0x35: {  	s10 =	sld [smem:$0x3FB5];
	_ =	sdelay $0x3  }
0x36: {  	p1 =	seq.s32 s10, $0x1;
	s10 =	sld [smem:$0x3FB6];
	_ =	sdelay $0x3  }
0x37: {  	[smem:$0x3FB6] =	sst s10  }
0x38: {  	s10 =	sld [smem:$0x3FB7]  }
0x39: {  	_ = 	snop;
	(pc) =	sbr.ind lr, $3  }
0x3a: {  	_ = 	snop  }
0x3b: {  	_ = 	snop  }
0x3c: {  	p2 =	seq.s32 s10, $0x1;
	s10 =	sld [smem:$0x3FB6]  }
0x3d: {  	_ =	shalt  }
0x3e: {  	_ =	shalt  }
0x3f: {  	_ =	shalt  }
0x40: {  	_ =	shalt  }
0x41: {  	_ =	shalt  }
0x42: {  	_ =	shalt  }
0x43: {  	_ =	shalt  }
0x44: {  	_ =	shalt  }
0x45: {  	_ =	shalt  }
0x46: {  	_ =	shalt  }
0x47: {  	_ =	shalt  }
0x48: {  	_ =	shalt  }
0x49: {  	_ =	shalt  }
0x4a: {  	_ =	shalt  }
0x4b: {  	_ =	shalt  }
0x4c: {  	_ =	shalt  }
0x4d: {  	_ =	shalt  }
0x4e: {  	_ =	shalt  }
0x4f: {  	_ =	shalt  }
0x50: {  	_ =	shalt  }
0x51: {  	_ =	shalt  }
0x52: {  	_ =	shalt  }
0x53: {  	_ =	shalt  }
0x54: {  	_ =	shalt  }
0x55: {  	_ =	shalt  }
0x56: {  	_ =	shalt  }
0x57: {  	_ =	shalt  }
0x58: {  	_ =	shalt  }
0x59: {  	_ =	shalt  }
0x5a: {  	_ =	shalt  }
0x5b: {  	_ =	shalt  }
0x5c: {  	_ =	shalt  }
0x5d: {  	_ =	shalt  }
0x5e: {  	_ =	shalt  }
0x5f: {  	_ =	shalt  }
0x60: {  	_ =	shalt  }
0x61: {  	_ =	shalt  }
0x62: {  	_ =	shalt  }
0x63: {  	_ =	shalt  }
0x64: {  	_ =	shalt  }
0x65: {  	_ =	shalt  }
0x66: {  	_ =	shalt  }
0x67: {  	_ =	shalt  }
0x68: {  	_ =	shalt  }
0x69: {  	_ =	shalt  }
0x6a: {  	_ =	shalt  }
0x6b: {  	_ =	shalt  }
0x6c: {  	_ =	shalt  }
0x6d: {  	_ =	shalt  }
0x6e: {  	_ =	shalt  }
0x6f: {  	_ =	shalt  }
0x70: {  	_ =	shalt  }
0x71: {  	_ =	shalt  }
0x72: {  	_ =	shalt  }
0x73: {  	_ =	shalt  }
0x74: {  	_ =	shalt  }
0x75: {  	_ =	shalt  }
0x76: {  	_ =	shalt  }
0x77: {  	_ =	shalt  }
0x78: {  	_ =	shalt  }
0x79: {  	_ =	shalt  }
0x7a: {  	_ =	shalt  }
0x7b: {  	_ =	shalt  }
0x7c: {  	_ =	shalt  }
0x7d: {  	_ =	shalt  }
0x7e: {  	_ =	shalt  }
0x7f: {  	_ =	shalt  }
0x80: {  	_ =	shalt  }
0x81: {  	_ =	shalt  }
0x82: {  	_ =	shalt  }
0x83: {  	_ =	shalt  }
0x84: {  	_ =	shalt  }
0x85: {  	_ =	shalt  }
0x86: {  	_ =	shalt  }
0x87: {  	_ =	shalt  }
.Lfunc_end0:
.L_simem_size_0:
called_computation_lowered:
.L_overlay_start_0:
0x88: {  	s2 =	sld [smem:$0x3FD9]  }
0x89: {  	s3 =	sld [smem:$0x3FFE];
	_ =	sdelay $0x1  }
0x8a: {  	s1 =	srdreg.scid  }
0x8b: {  	s0 =	sand.u32 $0x1, s1  }
0x8c: {  	s17 =	sshll.u32 s0, $0xA;
	s2 =	sadd.s32 s3, s2  }
0x8d: {  	s2 =	sadd.s32 s2, s17  }
0x8e: {  	[smem:$0x3FC2] =	sst s2  }
0x8f: {  	_ = 	snop  }
0x90: {  	s2 =	sld [smem:$0x3FD0];
	(tm) =	ssettm $0x1  }
0x91: {  	s18 =	sld [smem:$0x3FFB];
	_ =	sdelay $0x3  }
0x92: {  	_ =	strace s18  }
0x93: {  	s3 =	sld [smem:$0x3FFC];
	_ =	sdelay $0x3  }
0x94: {  	_ =	strace s3  }
0x95: {  	s3 =	sld [smem:$0x3FFD];
	_ =	sdelay $0x3  }
0x96: {  	_ =	strace s3  }
0x97: {  	_ =	strace $0x8FFFFFFF  }
0x98: {  	s19 =	sld [smem:$0x3FDB];
	_ =	sdelay $0x1  }
0x99: {  	s4 =	simm.s32 $_scs_section_size  }
0x9a: {  	s5 =	simm.s32 $_size__tile_overlayer_lowered;
	s6 =	simm.s32 $_tile_overlayer_lowered  }
0x9b: {  	s22 =	simm.s32 $0x1BFF;
	s21 =	sshll.u32 s6, $0x1;
	s3 =	sadd.s32 s4, s19  }
0x9c: {  	s7 =	simm.s32 $0x0;
	s20 =	sshll.u32 s5, $0x1;
	s5 =	sadd.s32 s21, s3  }
0x9d: {  	[timem:s7], [sflag:s22] =	dma.local [hbm:s5], s20  }
0x9e: {  	_ =	swait.ge [sflag:s22], s20  }
0x9f: {  	s4 =	ssub.s32 $0x0, s20;
	[sflag:s22] =	ssyncset.done $0x0  }
0xa0: {  	[sflag:s22] =	ssyncadd.s32 s4;
	_ =	sdelay $0x1  }
0xa1: {  	s23 =	simm.s32 $0x1B8B  }
0xa2: {  	_ =	swait.ge [sflag:s23], $0x1  }
0xa3: {  	[sflag:s23] =	ssyncset.done $0x0  }
0xa4: {  	s25 =	simm.s32 $0x1B8E;
	s24 =	sld [smem:$0x3FFE];
	[sflag:s23] =	ssyncadd.s32 $0xFFFFFFFF  }
0xa5: {  	s26 =	simm.s32 $execute0_lowered;
	[smem:$0x3FD2] =	sst s25  }
0xa6: {  	s5 =	sshll.u32 s26, $0x1;
	_ =	strace $0x80000046;
	[dreg:$0x1] =	wrdreg $0xFFFFFFFF  }
0xa7: {  	s28 =	simm.s32 $_size_execute0_lowered;
	s3 =	sadd.s32 s3, s5;
	[dreg:$0x0] =	wrdreg $0x0  }
0xa8: {  	s5 =	sshll.u32 s28, $0x1;
	[dreg:$0x2] =	wrdreg s3  }
0xa9: {  	[dreg:$0x3] =	wrdreg s5  }
0xaa: {  	[dreg:$0x4] =	wrdreg $0xC0  }
0xab: {  	_ =	task [dreg:s7], $0x5FFFF  }
0xac: {  	[dreg:$0x1] =	wrdreg $0xFFFFFFFF  }
0xad: {  	[dreg:$0x0] =	wrdreg $0x60  }
0xae: {  	[dreg:$0x2] =	wrdreg s24  }
0xaf: {  	[dreg:$0x3] =	wrdreg s2  }
0xb0: {  	[dreg:$0x4] =	wrdreg $0x14800  }
0xb1: {  	[dreg:$0x5] =	wrdreg $0x9  }
0xb2: {  	_ =	task.clear_ibuf [dreg:s7], $0x6FFFF;
	_ =	strace $0x90000046  }
0xb3: {  	s29 =	simm.s32 $0x9;
	_ =	strace $0x80000048  }
0xb4: {  	_ =	swait.ge [sflag:s29], $0x1  }
0xb5: {  	[sflag:s29] =	ssyncadd.s32 $0xFFFFFFFF  }
0xb6: {  	_ =	strace $0x90000048  }
0xb7: {  	_ =	sfence  }
0xb8: {  	s30 =	sld [smem:$0x0];
	_ =	sdelay $0x2  }
0xb9: {  	s31 =	sshll.u32 s1, $0xD;
	s1 =	sshrl.u32 s1, $0x2  }
0xba: {  	s3 =	sand.u32 $0x4000, s31;
	s1 =	sadd.s32 s1, s30  }
0xbb: {  	s0 =	sor.u32 s3, s0;
	s1 =	sshll.u32 s1, $0x11  }
0xbc: {  	s0 =	sor.u32 s1, s0  }
0xbd: {  	s0 =	sadd.s32 $0x8F2B, s0  }
0xbe: {  	[sflag:s0] =	ssyncadd.remote.s32 $0x1  }
0xbf: {  	_ =	sfence.sel $0xFFFF  }
0xc0: {  	[dreg:$0x0] =	wrdreg $0xFFFFFFFF;
	(pc) =	sbr.abs _section_cstart, $3  }
0xc1: {  	[dreg:$0x1] =	wrdreg $0xFFFFFFFF  }
0xc2: {  	_ =	task.clear_ibuf [dreg:s7], $0x2FFFF;
	_ =	strace $0x9FFFFFFF  }
0xc3: {  	(tm) =	ssettm $0x7FFFFFFF  }
tec
execute0_lowered:
.L_overlay_start_1:
0x0: {  	(tag) =	ssettag $0x1  }
0x1: {  	s0 =	rddreg [dreg:$0x0]  }
0x2: {  	s1 =	rddreg [dreg:$0x1]  }
0x3: {  	s2 =	rddreg [dreg:$0x2]  }
0x4: {  	s3 =	srdreg.scid;
	s9 =	rddreg [dreg:$0x3];
	s30 =	simm.s32 $0x0  }
0x5: {  	s8 =	stileid.u32;
	s10 =	simm.s32 $0x280;
	[smem:$0x7FF] =	sst s30  }
0x6: {  	s11 =	simm.s32 $0x300;
	_ =	strace $0x80000047;
	[dreg:$0xb] =	wrdreg s10  }
0x7: {  	s12 =	simm.s32 $0x380;
	s14 =	simm.s32 $0x400;
	[dreg:$0xc] =	wrdreg s11  }
0x8: {  	s15 =	simm.s32 $0x480;
	s16 =	simm.s32 $0x500;
	[dreg:$0xd] =	wrdreg s12  }
0x9: {  	s18 =	simm.s32 $0x580;
	s20 =	simm.s32 $0x600;
	[dreg:$0xe] =	wrdreg s14  }
0xa: {  	s21 =	simm.s32 $0x680;
	s22 =	simm.s32 $0x700;
	[dreg:$0xf] =	wrdreg s15  }
0xb: {  	s28 =	simm.s32 $0xD80;
	s29 =	simm.s32 $0xE00;
	[dreg:$0x10] =	wrdreg s16  }
0xc: {  	s31 =	simm.s32 $0xE80;
	p0 =	por $0x0, $0x0;
	[dreg:$0x11] =	wrdreg s18  }
0xd: {  	s3 =	sand.u32 $0x1, s3;
	s5 =	smul.u32 $0x280, s8;
	[dreg:$0x12] =	wrdreg s20  }
0xe: {  	s19 =	sshll.u32 s8, $0x6;
	s4 =	sshll.u32 s3, $0x4;
	[dreg:$0x13] =	wrdreg s21  }
0xf: {  	s7 =	smul.u32 $0x2800, s3;
	s13 =	ssub.s32 $0x2, s3;
	[dreg:$0x14] =	wrdreg s22  }
0x10: {  	s20 =	simm.s32 $0x980;
	s21 =	simm.s32 $0xA80;
	s22 =	simm.s32 $0xB00  }
0x11: {  	s10 =	simm.s32 $0xF00;
	s11 =	simm.s32 $0xF80;
	s12 =	simm.s32 $0x1000  }
0x12: {  	s14 =	simm.s32 $0x1100;
	s15 =	simm.s32 $0x1180;
	s16 =	simm.s32 $0x1200  }
0x13: {  	s18 =	simm.s32 $0x1300;
	s4 =	sor.u32 s8, s4;
	s6 =	sshrl.u32 s5, $0x3  }
0x14: {  	s3 =	sshrl.u32 s13, $0x1;
	s17 =	sadd.s32 s5, s2;
	s8 =	simm.s32 $0x80  }
0x15: {  	s4 =	smul.u32 $0x320, s4;
	s6 =	sadd.s32 s6, s0;
	s24 =	sadd.s32 s5, s7  }
0x16: {  	s7 =	simm.s32 $0x200;
	s5 =	simm.s32 $0x2;
	s23 =	sadd.s32 $0x7C00, s6  }
0x17: {  	s26 =	sshrl.u32 s24, $0x3;
	s6 =	simm.s32 $0x180;
	[dreg:$0xa] =	wrdreg s7  }
0x18: {  	s24 =	simm.s32 $0x800;
	s7 =	simm.s32 $0x1400;
	[dreg:$0x5] =	wrdreg s23  }
0x19: {  	s4 =	sadd.s32 s4, s0;
	s0 =	sadd.s32 $0x8200, s0;
	[dreg:$0x9] =	wrdreg s6  }
0x1a: {  	s1 =	sadd.s32 s1, s26;
	s23 =	simm.s32 $0x780;
	[dreg:$0x16] =	wrdreg s24  }
0x1b: {  	s26 =	simm.s32 $0x900;
	s6 =	simm.s32 $0x1;
	[dreg:$0x4] =	wrdreg s0  }
0x1c: {  	s24 =	simm.s32 $0xC00;
	[dreg:$0x7] =	wrdreg s1;
	s1 =	ssub.s32 s13, s3  }
0x1d: {  	s25 =	sadd.s32 $0x1800, s4;
	s4 =	simm.s32 $0x100;
	s1 =	smax.u32 s1, $0x1  }
0x1e: {  	s3 =	sor.u32 $0x1C02, s19;
	[dreg:$0x15] =	wrdreg s23;
	p1 =	sne.s32 s1, $0x1  }
.Ltmp0:
0x1f: {  	[dreg:$0x18] =	wrdreg s26;
	s23 =	simm.s32 $0xB80;
	(pc) =	sbr.rel @!p1 .LBB2_1-.Ltmp0, $4  }
0x20: {  	s26 =	simm.s32 $0xD00;
	s13 =	simm.s32 $0x1080;
	[dreg:$0x6] =	wrdreg s25  }
0x21: {  	s19 =	simm.s32 $0x1380;
	[dreg:$0x8] =	wrdreg s4;
	s25 =	simm.s32 $0x880  }
0x22: {  	s4 =	sshrl.u32 s17, $0x3;
	s17 =	simm.s32 $0x1280;
	[dreg:$0x17] =	wrdreg s25  }
0x23: {  	s25 =	simm.s32 $0xC80;
	s0 =	sadd.s32 $0xFFFFFFFF, s1;
	s1 =	rddreg [dreg:$0x5]  }
0x24: {  	[spmem:s4], [sflag:s3] =	dma.local [hbm:s1], $0x50  }
0x25: {  	_ =	swait.ge [sflag:s5], $0x50  }
0x26: {  	[sflag:s5] =	ssyncset.done $0x0  }
0x27: {  	s9 =	rddreg [dreg:$0x4];
	[sflag:s5] =	ssyncadd.s32 $0xFFFFFFB0  }
0x28: {  	[tilespmem:s7], [sflag:$0x2] =	stream.linear.gather [hbm4b:s9+s30], $0x80, $0x38;
	[tilespmem:$0x1700] =	vst v63  }
0x29: {  	_ =	swait.ge [sflag:s5], $0x80  }
0x2a: {  	[sflag:s5] =	ssyncset.done $0x0  }
0x2b: {  	s9 =	rddreg [dreg:$0x6];
	[sflag:s5] =	ssyncadd.s32 $0xFFFFFF80  }
0x2c: {  	[tilespmem:s30], [sflag:$0x2] =	stream.linear.gather [hbm4b:s9+s30], $0x1400, $0x38;
	[tilespmem:$0x1700] =	vst v63  }
0x2d: {  	_ =	swait.ge [sflag:s5], $0x1400  }
0x2e: {  	[sflag:s5] =	ssyncset.done $0x0  }
0x2f: {  	[sflag:s5] =	ssyncadd.s32 $0xFFFFEC00  }
0x30: {  	[bflag:$0x0] =	sbarrier.arrive $0xFFFF  }
0x31: {  	[spmem:s2] =	stream.indirect.scatter.add.f32 [tilespmem:s7], [sflag:$0x1], $0x1, s30, s8, $0xb8;
	[tilespmem:$0x1700] =	vst v63  }
0x32: {  	_ = 	snop  }
0x33: {  	[spmem:s2] =	stream.indirect.scatter.add.f32 [tilespmem:s7], [sflag:$0x1], $0x1, s8, s8, $0xb8;
	[tilespmem:$0x1700] =	vst v63  }
0x34: {  	s1 =	rddreg [dreg:$0x8]  }
0x35: {  	[spmem:s2] =	stream.indirect.scatter.add.f32 [tilespmem:s7], [sflag:$0x1], $0x1, s1, s8, $0xb8;
	[tilespmem:$0x1700] =	vst v63  }
0x36: {  	s9 =	smov.u32 s0;
	s0 =	rddreg [dreg:$0x9]  }
0x37: {  	[spmem:s2] =	stream.indirect.scatter.add.f32 [tilespmem:s7], [sflag:$0x1], $0x1, s0, s8, $0xb8;
	[tilespmem:$0x1700] =	vst v63  }
0x38: {  	s1 =	rddreg [dreg:$0xa]  }
0x39: {  	[spmem:s2] =	stream.indirect.scatter.add.f32 [tilespmem:s7], [sflag:$0x1], $0x1, s1, s8, $0xb8;
	[tilespmem:$0x1700] =	vst v63  }
0x3a: {  	s0 =	rddreg [dreg:$0xb]  }
0x3b: {  	[spmem:s2] =	stream.indirect.scatter.add.f32 [tilespmem:s7], [sflag:$0x1], $0x1, s0, s8, $0xb8;
	[tilespmem:$0x1700] =	vst v63  }
0x3c: {  	s1 =	rddreg [dreg:$0xc]  }
0x3d: {  	[spmem:s2] =	stream.indirect.scatter.add.f32 [tilespmem:s7], [sflag:$0x1], $0x1, s1, s8, $0xb8;
	[tilespmem:$0x1700] =	vst v63  }
0x3e: {  	s0 =	rddreg [dreg:$0xd]  }
0x3f: {  	[spmem:s2] =	stream.indirect.scatter.add.f32 [tilespmem:s7], [sflag:$0x1], $0x1, s0, s8, $0xb8;
	[tilespmem:$0x1700] =	vst v63  }
0x40: {  	s1 =	rddreg [dreg:$0xe]  }
0x41: {  	[spmem:s2] =	stream.indirect.scatter.add.f32 [tilespmem:s7], [sflag:$0x1], $0x1, s1, s8, $0xb8;
	[tilespmem:$0x1700] =	vst v63  }
0x42: {  	s0 =	rddreg [dreg:$0xf]  }
0x43: {  	[spmem:s2] =	stream.indirect.scatter.add.f32 [tilespmem:s7], [sflag:$0x1], $0x1, s0, s8, $0xb8;
	[tilespmem:$0x1700] =	vst v63  }
0x44: {  	_ =	swait.ge [sflag:s6], $0x80  }
0x45: {  	[sflag:s6] =	ssyncset.done $0x0  }
0x46: {  	[sflag:s6] =	ssyncadd.s32 $0xFFFFFF80  }
0x47: {  	_ =	swait.ge [sflag:s6], $0x80  }
0x48: {  	[sflag:s6] =	ssyncset.done $0x0  }
0x49: {  	[sflag:s6] =	ssyncadd.s32 $0xFFFFFF80  }
0x4a: {  	_ =	swait.ge [sflag:s6], $0x80  }
0x4b: {  	[sflag:s6] =	ssyncset.done $0x0  }
0x4c: {  	[sflag:s6] =	ssyncadd.s32 $0xFFFFFF80  }
0x4d: {  	_ =	swait.ge [sflag:s6], $0x80  }
0x4e: {  	[sflag:s6] =	ssyncset.done $0x0  }
0x4f: {  	[sflag:s6] =	ssyncadd.s32 $0xFFFFFF80  }
0x50: {  	_ =	swait.ge [sflag:s6], $0x80  }
0x51: {  	[sflag:s6] =	ssyncset.done $0x0  }
0x52: {  	[sflag:s6] =	ssyncadd.s32 $0xFFFFFF80  }
0x53: {  	_ =	swait.ge [sflag:s6], $0x80  }
0x54: {  	[sflag:s6] =	ssyncset.done $0x0  }
0x55: {  	[sflag:s6] =	ssyncadd.s32 $0xFFFFFF80  }
0x56: {  	_ =	swait.ge [sflag:s6], $0x80  }
0x57: {  	[sflag:s6] =	ssyncset.done $0x0  }
0x58: {  	[sflag:s6] =	ssyncadd.s32 $0xFFFFFF80  }
0x59: {  	_ =	swait.ge [sflag:s6], $0x80  }
0x5a: {  	[sflag:s6] =	ssyncset.done $0x0  }
0x5b: {  	[sflag:s6] =	ssyncadd.s32 $0xFFFFFF80  }
0x5c: {  	_ =	swait.ge [sflag:s6], $0x80  }
0x5d: {  	[sflag:s6] =	ssyncset.done $0x0  }
0x5e: {  	[sflag:s6] =	ssyncadd.s32 $0xFFFFFF80  }
0x5f: {  	_ =	swait.ge [sflag:s6], $0x80  }
0x60: {  	[sflag:s6] =	ssyncset.done $0x0  }
0x61: {  	s0 =	rddreg [dreg:$0x10];
	[sflag:s6] =	ssyncadd.s32 $0xFFFFFF80  }
0x62: {  	[spmem:s2] =	stream.indirect.scatter.add.f32 [tilespmem:s7], [sflag:$0x1], $0x1, s0, s8, $0xb8;
	[tilespmem:$0x1700] =	vst v63  }
0x63: {  	s1 =	rddreg [dreg:$0x11]  }
0x64: {  	[spmem:s2] =	stream.indirect.scatter.add.f32 [tilespmem:s7], [sflag:$0x1], $0x1, s1, s8, $0xb8;
	[tilespmem:$0x1700] =	vst v63  }
0x65: {  	s0 =	rddreg [dreg:$0x12]  }
0x66: {  	[spmem:s2] =	stream.indirect.scatter.add.f32 [tilespmem:s7], [sflag:$0x1], $0x1, s0, s8, $0xb8;
	[tilespmem:$0x1700] =	vst v63  }
0x67: {  	s1 =	rddreg [dreg:$0x13]  }
0x68: {  	[spmem:s2] =	stream.indirect.scatter.add.f32 [tilespmem:s7], [sflag:$0x1], $0x1, s1, s8, $0xb8;
	[tilespmem:$0x1700] =	vst v63  }
0x69: {  	s0 =	rddreg [dreg:$0x14]  }
0x6a: {  	[spmem:s2] =	stream.indirect.scatter.add.f32 [tilespmem:s7], [sflag:$0x1], $0x1, s0, s8, $0xb8;
	[tilespmem:$0x1700] =	vst v63  }
0x6b: {  	s1 =	rddreg [dreg:$0x15]  }
0x6c: {  	[spmem:s2] =	stream.indirect.scatter.add.f32 [tilespmem:s7], [sflag:$0x1], $0x1, s1, s8, $0xb8;
	[tilespmem:$0x1700] =	vst v63  }
0x6d: {  	s0 =	rddreg [dreg:$0x16]  }
0x6e: {  	[spmem:s2] =	stream.indirect.scatter.add.f32 [tilespmem:s7], [sflag:$0x1], $0x1, s0, s8, $0xb8;
	[tilespmem:$0x1700] =	vst v63  }
0x6f: {  	s1 =	rddreg [dreg:$0x17]  }
0x70: {  	[spmem:s2] =	stream.indirect.scatter.add.f32 [tilespmem:s7], [sflag:$0x1], $0x1, s1, s8, $0xb8;
	[tilespmem:$0x1700] =	vst v63  }
0x71: {  	s0 =	rddreg [dreg:$0x18]  }
0x72: {  	[spmem:s2] =	stream.indirect.scatter.add.f32 [tilespmem:s7], [sflag:$0x1], $0x1, s0, s8, $0xb8;
	[tilespmem:$0x1700] =	vst v63  }
0x73: {  	_ = 	snop  }
0x74: {  	[spmem:s2] =	stream.indirect.scatter.add.f32 [tilespmem:s7], [sflag:$0x1], $0x1, s20, s8, $0xb8;
	[tilespmem:$0x1700] =	vst v63  }
0x75: {  	_ =	swait.ge [sflag:s6], $0x80  }
0x76: {  	[sflag:s6] =	ssyncset.done $0x0  }
0x77: {  	[sflag:s6] =	ssyncadd.s32 $0xFFFFFF80  }
0x78: {  	_ =	swait.ge [sflag:s6], $0x80  }
0x79: {  	[sflag:s6] =	ssyncset.done $0x0  }
0x7a: {  	[sflag:s6] =	ssyncadd.s32 $0xFFFFFF80  }
0x7b: {  	_ =	swait.ge [sflag:s6], $0x80  }
0x7c: {  	[sflag:s6] =	ssyncset.done $0x0  }
0x7d: {  	[sflag:s6] =	ssyncadd.s32 $0xFFFFFF80  }
0x7e: {  	_ =	swait.ge [sflag:s6], $0x80  }
0x7f: {  	[sflag:s6] =	ssyncset.done $0x0  }
0x80: {  	[sflag:s6] =	ssyncadd.s32 $0xFFFFFF80  }
0x81: {  	_ =	swait.ge [sflag:s6], $0x80  }
0x82: {  	[sflag:s6] =	ssyncset.done $0x0  }
0x83: {  	[sflag:s6] =	ssyncadd.s32 $0xFFFFFF80  }
0x84: {  	_ =	swait.ge [sflag:s6], $0x80  }
0x85: {  	[sflag:s6] =	ssyncset.done $0x0  }
0x86: {  	[sflag:s6] =	ssyncadd.s32 $0xFFFFFF80  }
0x87: {  	_ =	swait.ge [sflag:s6], $0x80  }
0x88: {  	[sflag:s6] =	ssyncset.done $0x0  }
0x89: {  	[sflag:s6] =	ssyncadd.s32 $0xFFFFFF80  }
0x8a: {  	_ =	swait.ge [sflag:s6], $0x80  }
0x8b: {  	[sflag:s6] =	ssyncset.done $0x0  }
0x8c: {  	[sflag:s6] =	ssyncadd.s32 $0xFFFFFF80  }
0x8d: {  	_ =	swait.ge [sflag:s6], $0x80  }
0x8e: {  	[sflag:s6] =	ssyncset.done $0x0  }
0x8f: {  	[sflag:s6] =	ssyncadd.s32 $0xFFFFFF80  }
0x90: {  	_ =	swait.ge [sflag:s6], $0x80  }
0x91: {  	[sflag:s6] =	ssyncset.done $0x0  }
0x92: {  	s1 =	simm.s32 $0xA00;
	[sflag:s6] =	ssyncadd.s32 $0xFFFFFF80  }
0x93: {  	[spmem:s2] =	stream.indirect.scatter.add.f32 [tilespmem:s7], [sflag:$0x1], $0x1, s1, s8, $0xb8;
	[tilespmem:$0x1700] =	vst v63  }
0x94: {  	_ = 	snop  }
0x95: {  	[spmem:s2] =	stream.indirect.scatter.add.f32 [tilespmem:s7], [sflag:$0x1], $0x1, s21, s8, $0xb8;
	[tilespmem:$0x1700] =	vst v63  }
0x96: {  	_ = 	snop  }
0x97: {  	[spmem:s2] =	stream.indirect.scatter.add.f32 [tilespmem:s7], [sflag:$0x1], $0x1, s22, s8, $0xb8;
	[tilespmem:$0x1700] =	vst v63  }
0x98: {  	_ = 	snop  }
0x99: {  	[spmem:s2] =	stream.indirect.scatter.add.f32 [tilespmem:s7], [sflag:$0x1], $0x1, s23, s8, $0xb8;
	[tilespmem:$0x1700] =	vst v63  }
0x9a: {  	_ = 	snop  }
0x9b: {  	[spmem:s2] =	stream.indirect.scatter.add.f32 [tilespmem:s7], [sflag:$0x1], $0x1, s24, s8, $0xb8;
	[tilespmem:$0x1700] =	vst v63  }
0x9c: {  	_ = 	snop  }
0x9d: {  	[spmem:s2] =	stream.indirect.scatter.add.f32 [tilespmem:s7], [sflag:$0x1], $0x1, s25, s8, $0xb8;
	[tilespmem:$0x1700] =	vst v63  }
0x9e: {  	_ = 	snop  }
0x9f: {  	[spmem:s2] =	stream.indirect.scatter.add.f32 [tilespmem:s7], [sflag:$0x1], $0x1, s26, s8, $0xb8;
	[tilespmem:$0x1700] =	vst v63  }
0xa0: {  	_ = 	snop  }
0xa1: {  	[spmem:s2] =	stream.indirect.scatter.add.f32 [tilespmem:s7], [sflag:$0x1], $0x1, s28, s8, $0xb8;
	[tilespmem:$0x1700] =	vst v63  }
0xa2: {  	_ = 	snop  }
0xa3: {  	[spmem:s2] =	stream.indirect.scatter.add.f32 [tilespmem:s7], [sflag:$0x1], $0x1, s29, s8, $0xb8;
	[tilespmem:$0x1700] =	vst v63  }
0xa4: {  	_ = 	snop  }
0xa5: {  	[spmem:s2] =	stream.indirect.scatter.add.f32 [tilespmem:s7], [sflag:$0x1], $0x1, s31, s8, $0xb8;
	[tilespmem:$0x1700] =	vst v63  }
0xa6: {  	_ =	swait.ge [sflag:s6], $0x80  }
0xa7: {  	[sflag:s6] =	ssyncset.done $0x0  }
0xa8: {  	[sflag:s6] =	ssyncadd.s32 $0xFFFFFF80  }
0xa9: {  	_ =	swait.ge [sflag:s6], $0x80  }
0xaa: {  	[sflag:s6] =	ssyncset.done $0x0  }
0xab: {  	[sflag:s6] =	ssyncadd.s32 $0xFFFFFF80  }
0xac: {  	_ =	swait.ge [sflag:s6], $0x80  }
0xad: {  	[sflag:s6] =	ssyncset.done $0x0  }
0xae: {  	[sflag:s6] =	ssyncadd.s32 $0xFFFFFF80  }
0xaf: {  	_ =	swait.ge [sflag:s6], $0x80  }
0xb0: {  	[sflag:s6] =	ssyncset.done $0x0  }
0xb1: {  	[sflag:s6] =	ssyncadd.s32 $0xFFFFFF80  }
0xb2: {  	_ =	swait.ge [sflag:s6], $0x80  }
0xb3: {  	[sflag:s6] =	ssyncset.done $0x0  }
0xb4: {  	[sflag:s6] =	ssyncadd.s32 $0xFFFFFF80  }
0xb5: {  	_ =	swait.ge [sflag:s6], $0x80  }
0xb6: {  	[sflag:s6] =	ssyncset.done $0x0  }
0xb7: {  	[sflag:s6] =	ssyncadd.s32 $0xFFFFFF80  }
0xb8: {  	_ =	swait.ge [sflag:s6], $0x80  }
0xb9: {  	[sflag:s6] =	ssyncset.done $0x0  }
0xba: {  	[sflag:s6] =	ssyncadd.s32 $0xFFFFFF80  }
0xbb: {  	_ =	swait.ge [sflag:s6], $0x80  }
0xbc: {  	[sflag:s6] =	ssyncset.done $0x0  }
0xbd: {  	[sflag:s6] =	ssyncadd.s32 $0xFFFFFF80  }
0xbe: {  	_ =	swait.ge [sflag:s6], $0x80  }
0xbf: {  	[sflag:s6] =	ssyncset.done $0x0  }
0xc0: {  	[sflag:s6] =	ssyncadd.s32 $0xFFFFFF80  }
0xc1: {  	_ =	swait.ge [sflag:s6], $0x80  }
0xc2: {  	[sflag:s6] =	ssyncset.done $0x0  }
0xc3: {  	[sflag:s6] =	ssyncadd.s32 $0xFFFFFF80  }
0xc4: {  	[spmem:s2] =	stream.indirect.scatter.add.f32 [tilespmem:s7], [sflag:$0x1], $0x1, s10, s8, $0xb8;
	[tilespmem:$0x1700] =	vst v63  }
0xc5: {  	_ = 	snop  }
0xc6: {  	[spmem:s2] =	stream.indirect.scatter.add.f32 [tilespmem:s7], [sflag:$0x1], $0x1, s11, s8, $0xb8;
	[tilespmem:$0x1700] =	vst v63  }
0xc7: {  	_ = 	snop  }
0xc8: {  	[spmem:s2] =	stream.indirect.scatter.add.f32 [tilespmem:s7], [sflag:$0x1], $0x1, s12, s8, $0xb8;
	[tilespmem:$0x1700] =	vst v63  }
0xc9: {  	_ = 	snop  }
0xca: {  	[spmem:s2] =	stream.indirect.scatter.add.f32 [tilespmem:s7], [sflag:$0x1], $0x1, s13, s8, $0xb8;
	[tilespmem:$0x1700] =	vst v63  }
0xcb: {  	_ = 	snop  }
0xcc: {  	[spmem:s2] =	stream.indirect.scatter.add.f32 [tilespmem:s7], [sflag:$0x1], $0x1, s14, s8, $0xb8;
	[tilespmem:$0x1700] =	vst v63  }
0xcd: {  	_ = 	snop  }
0xce: {  	[spmem:s2] =	stream.indirect.scatter.add.f32 [tilespmem:s7], [sflag:$0x1], $0x1, s15, s8, $0xb8;
	[tilespmem:$0x1700] =	vst v63  }
0xcf: {  	_ = 	snop  }
0xd0: {  	[spmem:s2] =	stream.indirect.scatter.add.f32 [tilespmem:s7], [sflag:$0x1], $0x1, s16, s8, $0xb8;
	[tilespmem:$0x1700] =	vst v63  }
0xd1: {  	_ = 	snop  }
0xd2: {  	[spmem:s2] =	stream.indirect.scatter.add.f32 [tilespmem:s7], [sflag:$0x1], $0x1, s17, s8, $0xb8;
	[tilespmem:$0x1700] =	vst v63  }
0xd3: {  	_ = 	snop  }
0xd4: {  	[spmem:s2] =	stream.indirect.scatter.add.f32 [tilespmem:s7], [sflag:$0x1], $0x1, s18, s8, $0xb8;
	[tilespmem:$0x1700] =	vst v63  }
0xd5: {  	_ = 	snop  }
0xd6: {  	[spmem:s2] =	stream.indirect.scatter.add.f32 [tilespmem:s7], [sflag:$0x1], $0x1, s19, s8, $0xb8;
	[tilespmem:$0x1700] =	vst v63  }
0xd7: {  	_ =	swait.ge [sflag:s6], $0x80  }
0xd8: {  	[sflag:s6] =	ssyncset.done $0x0  }
0xd9: {  	[sflag:s6] =	ssyncadd.s32 $0xFFFFFF80  }
0xda: {  	_ =	swait.ge [sflag:s6], $0x80  }
0xdb: {  	[sflag:s6] =	ssyncset.done $0x0  }
0xdc: {  	[sflag:s6] =	ssyncadd.s32 $0xFFFFFF80  }
0xdd: {  	_ =	swait.ge [sflag:s6], $0x80  }
0xde: {  	[sflag:s6] =	ssyncset.done $0x0  }
0xdf: {  	[sflag:s6] =	ssyncadd.s32 $0xFFFFFF80  }
0xe0: {  	_ =	swait.ge [sflag:s6], $0x80  }
0xe1: {  	[sflag:s6] =	ssyncset.done $0x0  }
0xe2: {  	[sflag:s6] =	ssyncadd.s32 $0xFFFFFF80  }
0xe3: {  	_ =	swait.ge [sflag:s6], $0x80  }
0xe4: {  	[sflag:s6] =	ssyncset.done $0x0  }
0xe5: {  	[sflag:s6] =	ssyncadd.s32 $0xFFFFFF80  }
0xe6: {  	_ =	swait.ge [sflag:s6], $0x80  }
0xe7: {  	[sflag:s6] =	ssyncset.done $0x0  }
0xe8: {  	[sflag:s6] =	ssyncadd.s32 $0xFFFFFF80  }
0xe9: {  	_ =	swait.ge [sflag:s6], $0x80  }
0xea: {  	[sflag:s6] =	ssyncset.done $0x0  }
0xeb: {  	[sflag:s6] =	ssyncadd.s32 $0xFFFFFF80  }
0xec: {  	_ =	swait.ge [sflag:s6], $0x80  }
0xed: {  	[sflag:s6] =	ssyncset.done $0x0  }
0xee: {  	[sflag:s6] =	ssyncadd.s32 $0xFFFFFF80  }
0xef: {  	_ =	swait.ge [sflag:s6], $0x80  }
0xf0: {  	[sflag:s6] =	ssyncset.done $0x0  }
0xf1: {  	[sflag:s6] =	ssyncadd.s32 $0xFFFFFF80  }
0xf2: {  	_ =	swait.ge [sflag:s6], $0x80  }
0xf3: {  	[sflag:s6] =	ssyncset.done $0x0  }
0xf4: {  	p1 =	sne.s32 s9, $0x1;
	[sflag:s6] =	ssyncadd.s32 $0xFFFFFF80  }
.Ltmp1:
0xf5: {  	[bflag:$0x0] =	sbarrier.arrive $0xFFFF;
	(pc) =	sbr.rel @!p1 .LBB2_3-.Ltmp1, $4  }
0xf6: {  	s1 =	rddreg [dreg:$0x7]  }
0xf7: {  	[hbm:s1], [sflag:s3] =	dma.local [spmem:s4], $0x50  }
0xf8: {  	p0 =	por $0x1, $0x1;
	_ =	swait.ge [sflag:s5], $0x50  }
0xf9: {  	s0 =	sadd.s32 $0xFFFFFFFF, s9;
	s1 =	rddreg [dreg:$0x5];
	[sflag:s5] =	ssyncset.done $0x0  }
.LBB2_4:
0xfa: {  	[sflag:s5] =	ssyncadd.s32 $0xFFFFFFB0  }
0xfb: {  	[spmem:s4], [sflag:s3] =	dma.local [hbm:s1], $0x50  }
0xfc: {  	_ =	swait.ge [sflag:s5], $0x50  }
0xfd: {  	[sflag:s5] =	ssyncset.done $0x0  }
0xfe: {  	s9 =	rddreg [dreg:$0x4];
	[sflag:s5] =	ssyncadd.s32 $0xFFFFFFB0  }
0xff: {  	[tilespmem:s7], [sflag:$0x2] =	stream.linear.gather [hbm4b:s9+s30], $0x80, $0x38;
	[tilespmem:$0x1700] =	vst v63  }
0x100: {  	_ =	swait.ge [sflag:s5], $0x80  }
0x101: {  	[sflag:s5] =	ssyncset.done $0x0  }
0x102: {  	s9 =	rddreg [dreg:$0x6];
	[sflag:s5] =	ssyncadd.s32 $0xFFFFFF80  }
0x103: {  	[tilespmem:s30], [sflag:$0x2] =	stream.linear.gather [hbm4b:s9+s30], $0x1400, $0x38;
	[tilespmem:$0x1700] =	vst v63  }
0x104: {  	_ =	swait.ge [sflag:s5], $0x1400  }
0x105: {  	[sflag:s5] =	ssyncset.done $0x0  }
0x106: {  	[sflag:s5] =	ssyncadd.s32 $0xFFFFEC00  }
0x107: {  	[bflag:$0x0] =	sbarrier.arrive $0xFFFF  }
0x108: {  	[spmem:s2] =	stream.indirect.scatter.add.f32 [tilespmem:s7], [sflag:$0x1], $0x1, s30, s8, $0xb8;
	[tilespmem:$0x1700] =	vst v63  }
0x109: {  	_ = 	snop  }
0x10a: {  	[spmem:s2] =	stream.indirect.scatter.add.f32 [tilespmem:s7], [sflag:$0x1], $0x1, s8, s8, $0xb8;
	[tilespmem:$0x1700] =	vst v63  }
0x10b: {  	s1 =	rddreg [dreg:$0x8]  }
0x10c: {  	[spmem:s2] =	stream.indirect.scatter.add.f32 [tilespmem:s7], [sflag:$0x1], $0x1, s1, s8, $0xb8;
	[tilespmem:$0x1700] =	vst v63  }
0x10d: {  	s9 =	rddreg [dreg:$0x9]  }
0x10e: {  	[spmem:s2] =	stream.indirect.scatter.add.f32 [tilespmem:s7], [sflag:$0x1], $0x1, s9, s8, $0xb8;
	[tilespmem:$0x1700] =	vst v63  }
0x10f: {  	s1 =	rddreg [dreg:$0xa]  }
0x110: {  	[spmem:s2] =	stream.indirect.scatter.add.f32 [tilespmem:s7], [sflag:$0x1], $0x1, s1, s8, $0xb8;
	[tilespmem:$0x1700] =	vst v63  }
0x111: {  	s9 =	rddreg [dreg:$0xb]  }
0x112: {  	[spmem:s2] =	stream.indirect.scatter.add.f32 [tilespmem:s7], [sflag:$0x1], $0x1, s9, s8, $0xb8;
	[tilespmem:$0x1700] =	vst v63  }
0x113: {  	s1 =	rddreg [dreg:$0xc]  }
0x114: {  	[spmem:s2] =	stream.indirect.scatter.add.f32 [tilespmem:s7], [sflag:$0x1], $0x1, s1, s8, $0xb8;
	[tilespmem:$0x1700] =	vst v63  }
0x115: {  	s9 =	rddreg [dreg:$0xd]  }
0x116: {  	[spmem:s2] =	stream.indirect.scatter.add.f32 [tilespmem:s7], [sflag:$0x1], $0x1, s9, s8, $0xb8;
	[tilespmem:$0x1700] =	vst v63  }
0x117: {  	s1 =	rddreg [dreg:$0xe]  }
0x118: {  	[spmem:s2] =	stream.indirect.scatter.add.f32 [tilespmem:s7], [sflag:$0x1], $0x1, s1, s8, $0xb8;
	[tilespmem:$0x1700] =	vst v63  }
0x119: {  	s9 =	rddreg [dreg:$0xf]  }
0x11a: {  	[spmem:s2] =	stream.indirect.scatter.add.f32 [tilespmem:s7], [sflag:$0x1], $0x1, s9, s8, $0xb8;
	[tilespmem:$0x1700] =	vst v63  }
0x11b: {  	_ =	swait.ge [sflag:s6], $0x80  }
0x11c: {  	[sflag:s6] =	ssyncset.done $0x0  }
0x11d: {  	[sflag:s6] =	ssyncadd.s32 $0xFFFFFF80  }
0x11e: {  	_ =	swait.ge [sflag:s6], $0x80  }
0x11f: {  	[sflag:s6] =	ssyncset.done $0x0  }
0x120: {  	[sflag:s6] =	ssyncadd.s32 $0xFFFFFF80  }
0x121: {  	_ =	swait.ge [sflag:s6], $0x80  }
0x122: {  	[sflag:s6] =	ssyncset.done $0x0  }
0x123: {  	[sflag:s6] =	ssyncadd.s32 $0xFFFFFF80  }
0x124: {  	_ =	swait.ge [sflag:s6], $0x80  }
0x125: {  	[sflag:s6] =	ssyncset.done $0x0  }
0x126: {  	[sflag:s6] =	ssyncadd.s32 $0xFFFFFF80  }
0x127: {  	_ =	swait.ge [sflag:s6], $0x80  }
0x128: {  	[sflag:s6] =	ssyncset.done $0x0  }
0x129: {  	[sflag:s6] =	ssyncadd.s32 $0xFFFFFF80  }
0x12a: {  	_ =	swait.ge [sflag:s6], $0x80  }
0x12b: {  	[sflag:s6] =	ssyncset.done $0x0  }
0x12c: {  	[sflag:s6] =	ssyncadd.s32 $0xFFFFFF80  }
0x12d: {  	_ =	swait.ge [sflag:s6], $0x80  }
0x12e: {  	[sflag:s6] =	ssyncset.done $0x0  }
0x12f: {  	[sflag:s6] =	ssyncadd.s32 $0xFFFFFF80  }
0x130: {  	_ =	swait.ge [sflag:s6], $0x80  }
0x131: {  	[sflag:s6] =	ssyncset.done $0x0  }
0x132: {  	[sflag:s6] =	ssyncadd.s32 $0xFFFFFF80  }
0x133: {  	_ =	swait.ge [sflag:s6], $0x80  }
0x134: {  	[sflag:s6] =	ssyncset.done $0x0  }
0x135: {  	[sflag:s6] =	ssyncadd.s32 $0xFFFFFF80  }
0x136: {  	_ =	swait.ge [sflag:s6], $0x80  }
0x137: {  	[sflag:s6] =	ssyncset.done $0x0  }
0x138: {  	s1 =	rddreg [dreg:$0x10];
	[sflag:s6] =	ssyncadd.s32 $0xFFFFFF80  }
0x139: {  	[spmem:s2] =	stream.indirect.scatter.add.f32 [tilespmem:s7], [sflag:$0x1], $0x1, s1, s8, $0xb8;
	[tilespmem:$0x1700] =	vst v63  }
0x13a: {  	s9 =	rddreg [dreg:$0x11]  }
0x13b: {  	[spmem:s2] =	stream.indirect.scatter.add.f32 [tilespmem:s7], [sflag:$0x1], $0x1, s9, s8, $0xb8;
	[tilespmem:$0x1700] =	vst v63  }
0x13c: {  	s1 =	rddreg [dreg:$0x12]  }
0x13d: {  	[spmem:s2] =	stream.indirect.scatter.add.f32 [tilespmem:s7], [sflag:$0x1], $0x1, s1, s8, $0xb8;
	[tilespmem:$0x1700] =	vst v63  }
0x13e: {  	s9 =	rddreg [dreg:$0x13]  }
0x13f: {  	[spmem:s2] =	stream.indirect.scatter.add.f32 [tilespmem:s7], [sflag:$0x1], $0x1, s9, s8, $0xb8;
	[tilespmem:$0x1700] =	vst v63  }
0x140: {  	s1 =	rddreg [dreg:$0x14]  }
0x141: {  	[spmem:s2] =	stream.indirect.scatter.add.f32 [tilespmem:s7], [sflag:$0x1], $0x1, s1, s8, $0xb8;
	[tilespmem:$0x1700] =	vst v63  }
0x142: {  	s9 =	rddreg [dreg:$0x15]  }
0x143: {  	[spmem:s2] =	stream.indirect.scatter.add.f32 [tilespmem:s7], [sflag:$0x1], $0x1, s9, s8, $0xb8;
	[tilespmem:$0x1700] =	vst v63  }
0x144: {  	s1 =	rddreg [dreg:$0x16]  }
0x145: {  	[spmem:s2] =	stream.indirect.scatter.add.f32 [tilespmem:s7], [sflag:$0x1], $0x1, s1, s8, $0xb8;
	[tilespmem:$0x1700] =	vst v63  }
0x146: {  	s9 =	rddreg [dreg:$0x17]  }
0x147: {  	[spmem:s2] =	stream.indirect.scatter.add.f32 [tilespmem:s7], [sflag:$0x1], $0x1, s9, s8, $0xb8;
	[tilespmem:$0x1700] =	vst v63  }
0x148: {  	s1 =	rddreg [dreg:$0x18]  }
0x149: {  	[spmem:s2] =	stream.indirect.scatter.add.f32 [tilespmem:s7], [sflag:$0x1], $0x1, s1, s8, $0xb8;
	[tilespmem:$0x1700] =	vst v63  }
0x14a: {  	_ = 	snop  }
0x14b: {  	[spmem:s2] =	stream.indirect.scatter.add.f32 [tilespmem:s7], [sflag:$0x1], $0x1, s20, s8, $0xb8;
	[tilespmem:$0x1700] =	vst v63  }
0x14c: {  	_ =	swait.ge [sflag:s6], $0x80  }
0x14d: {  	[sflag:s6] =	ssyncset.done $0x0  }
0x14e: {  	[sflag:s6] =	ssyncadd.s32 $0xFFFFFF80  }
0x14f: {  	_ =	swait.ge [sflag:s6], $0x80  }
0x150: {  	[sflag:s6] =	ssyncset.done $0x0  }
0x151: {  	[sflag:s6] =	ssyncadd.s32 $0xFFFFFF80  }
0x152: {  	_ =	swait.ge [sflag:s6], $0x80  }
0x153: {  	[sflag:s6] =	ssyncset.done $0x0  }
0x154: {  	[sflag:s6] =	ssyncadd.s32 $0xFFFFFF80  }
0x155: {  	_ =	swait.ge [sflag:s6], $0x80  }
0x156: {  	[sflag:s6] =	ssyncset.done $0x0  }
0x157: {  	[sflag:s6] =	ssyncadd.s32 $0xFFFFFF80  }
0x158: {  	_ =	swait.ge [sflag:s6], $0x80  }
0x159: {  	[sflag:s6] =	ssyncset.done $0x0  }
0x15a: {  	[sflag:s6] =	ssyncadd.s32 $0xFFFFFF80  }
0x15b: {  	_ =	swait.ge [sflag:s6], $0x80  }
0x15c: {  	[sflag:s6] =	ssyncset.done $0x0  }
0x15d: {  	[sflag:s6] =	ssyncadd.s32 $0xFFFFFF80  }
0x15e: {  	_ =	swait.ge [sflag:s6], $0x80  }
0x15f: {  	[sflag:s6] =	ssyncset.done $0x0  }
0x160: {  	[sflag:s6] =	ssyncadd.s32 $0xFFFFFF80  }
0x161: {  	_ =	swait.ge [sflag:s6], $0x80  }
0x162: {  	[sflag:s6] =	ssyncset.done $0x0  }
0x163: {  	[sflag:s6] =	ssyncadd.s32 $0xFFFFFF80  }
0x164: {  	_ =	swait.ge [sflag:s6], $0x80  }
0x165: {  	[sflag:s6] =	ssyncset.done $0x0  }
0x166: {  	[sflag:s6] =	ssyncadd.s32 $0xFFFFFF80  }
0x167: {  	_ =	swait.ge [sflag:s6], $0x80  }
0x168: {  	[sflag:s6] =	ssyncset.done $0x0  }
0x169: {  	s9 =	simm.s32 $0xA00;
	[sflag:s6] =	ssyncadd.s32 $0xFFFFFF80  }
0x16a: {  	[spmem:s2] =	stream.indirect.scatter.add.f32 [tilespmem:s7], [sflag:$0x1], $0x1, s9, s8, $0xb8;
	[tilespmem:$0x1700] =	vst v63  }
0x16b: {  	_ = 	snop  }
0x16c: {  	[spmem:s2] =	stream.indirect.scatter.add.f32 [tilespmem:s7], [sflag:$0x1], $0x1, s21, s8, $0xb8;
	[tilespmem:$0x1700] =	vst v63  }
0x16d: {  	_ = 	snop  }
0x16e: {  	[spmem:s2] =	stream.indirect.scatter.add.f32 [tilespmem:s7], [sflag:$0x1], $0x1, s22, s8, $0xb8;
	[tilespmem:$0x1700] =	vst v63  }
0x16f: {  	_ = 	snop  }
0x170: {  	[spmem:s2] =	stream.indirect.scatter.add.f32 [tilespmem:s7], [sflag:$0x1], $0x1, s23, s8, $0xb8;
	[tilespmem:$0x1700] =	vst v63  }
0x171: {  	_ = 	snop  }
0x172: {  	[spmem:s2] =	stream.indirect.scatter.add.f32 [tilespmem:s7], [sflag:$0x1], $0x1, s24, s8, $0xb8;
	[tilespmem:$0x1700] =	vst v63  }
0x173: {  	_ = 	snop  }
0x174: {  	[spmem:s2] =	stream.indirect.scatter.add.f32 [tilespmem:s7], [sflag:$0x1], $0x1, s25, s8, $0xb8;
	[tilespmem:$0x1700] =	vst v63  }
0x175: {  	_ = 	snop  }
0x176: {  	[spmem:s2] =	stream.indirect.scatter.add.f32 [tilespmem:s7], [sflag:$0x1], $0x1, s26, s8, $0xb8;
	[tilespmem:$0x1700] =	vst v63  }
0x177: {  	_ = 	snop  }
0x178: {  	[spmem:s2] =	stream.indirect.scatter.add.f32 [tilespmem:s7], [sflag:$0x1], $0x1, s28, s8, $0xb8;
	[tilespmem:$0x1700] =	vst v63  }
0x179: {  	_ = 	snop  }
0x17a: {  	[spmem:s2] =	stream.indirect.scatter.add.f32 [tilespmem:s7], [sflag:$0x1], $0x1, s29, s8, $0xb8;
	[tilespmem:$0x1700] =	vst v63  }
0x17b: {  	_ = 	snop  }
0x17c: {  	[spmem:s2] =	stream.indirect.scatter.add.f32 [tilespmem:s7], [sflag:$0x1], $0x1, s31, s8, $0xb8;
	[tilespmem:$0x1700] =	vst v63  }
0x17d: {  	_ =	swait.ge [sflag:s6], $0x80  }
0x17e: {  	[sflag:s6] =	ssyncset.done $0x0  }
0x17f: {  	[sflag:s6] =	ssyncadd.s32 $0xFFFFFF80  }
0x180: {  	_ =	swait.ge [sflag:s6], $0x80  }
0x181: {  	[sflag:s6] =	ssyncset.done $0x0  }
0x182: {  	[sflag:s6] =	ssyncadd.s32 $0xFFFFFF80  }
0x183: {  	_ =	swait.ge [sflag:s6], $0x80  }
0x184: {  	[sflag:s6] =	ssyncset.done $0x0  }
0x185: {  	[sflag:s6] =	ssyncadd.s32 $0xFFFFFF80  }
0x186: {  	_ =	swait.ge [sflag:s6], $0x80  }
0x187: {  	[sflag:s6] =	ssyncset.done $0x0  }
0x188: {  	[sflag:s6] =	ssyncadd.s32 $0xFFFFFF80  }
0x189: {  	_ =	swait.ge [sflag:s6], $0x80  }
0x18a: {  	[sflag:s6] =	ssyncset.done $0x0  }
0x18b: {  	[sflag:s6] =	ssyncadd.s32 $0xFFFFFF80  }
0x18c: {  	_ =	swait.ge [sflag:s6], $0x80  }
0x18d: {  	[sflag:s6] =	ssyncset.done $0x0  }
0x18e: {  	[sflag:s6] =	ssyncadd.s32 $0xFFFFFF80  }
0x18f: {  	_ =	swait.ge [sflag:s6], $0x80  }
0x190: {  	[sflag:s6] =	ssyncset.done $0x0  }
0x191: {  	[sflag:s6] =	ssyncadd.s32 $0xFFFFFF80  }
0x192: {  	_ =	swait.ge [sflag:s6], $0x80  }
0x193: {  	[sflag:s6] =	ssyncset.done $0x0  }
0x194: {  	[sflag:s6] =	ssyncadd.s32 $0xFFFFFF80  }
0x195: {  	_ =	swait.ge [sflag:s6], $0x80  }
0x196: {  	[sflag:s6] =	ssyncset.done $0x0  }
0x197: {  	[sflag:s6] =	ssyncadd.s32 $0xFFFFFF80  }
0x198: {  	_ =	swait.ge [sflag:s6], $0x80  }
0x199: {  	[sflag:s6] =	ssyncset.done $0x0  }
0x19a: {  	[sflag:s6] =	ssyncadd.s32 $0xFFFFFF80  }
0x19b: {  	[spmem:s2] =	stream.indirect.scatter.add.f32 [tilespmem:s7], [sflag:$0x1], $0x1, s10, s8, $0xb8;
	[tilespmem:$0x1700] =	vst v63  }
0x19c: {  	_ = 	snop  }
0x19d: {  	[spmem:s2] =	stream.indirect.scatter.add.f32 [tilespmem:s7], [sflag:$0x1], $0x1, s11, s8, $0xb8;
	[tilespmem:$0x1700] =	vst v63  }
0x19e: {  	_ = 	snop  }
0x19f: {  	[spmem:s2] =	stream.indirect.scatter.add.f32 [tilespmem:s7], [sflag:$0x1], $0x1, s12, s8, $0xb8;
	[tilespmem:$0x1700] =	vst v63  }
0x1a0: {  	_ = 	snop  }
0x1a1: {  	[spmem:s2] =	stream.indirect.scatter.add.f32 [tilespmem:s7], [sflag:$0x1], $0x1, s13, s8, $0xb8;
	[tilespmem:$0x1700] =	vst v63  }
0x1a2: {  	_ = 	snop  }
0x1a3: {  	[spmem:s2] =	stream.indirect.scatter.add.f32 [tilespmem:s7], [sflag:$0x1], $0x1, s14, s8, $0xb8;
	[tilespmem:$0x1700] =	vst v63  }
0x1a4: {  	_ = 	snop  }
0x1a5: {  	[spmem:s2] =	stream.indirect.scatter.add.f32 [tilespmem:s7], [sflag:$0x1], $0x1, s15, s8, $0xb8;
	[tilespmem:$0x1700] =	vst v63  }
0x1a6: {  	_ = 	snop  }
0x1a7: {  	[spmem:s2] =	stream.indirect.scatter.add.f32 [tilespmem:s7], [sflag:$0x1], $0x1, s16, s8, $0xb8;
	[tilespmem:$0x1700] =	vst v63  }
0x1a8: {  	_ = 	snop  }
0x1a9: {  	[spmem:s2] =	stream.indirect.scatter.add.f32 [tilespmem:s7], [sflag:$0x1], $0x1, s17, s8, $0xb8;
	[tilespmem:$0x1700] =	vst v63  }
0x1aa: {  	_ = 	snop  }
0x1ab: {  	[spmem:s2] =	stream.indirect.scatter.add.f32 [tilespmem:s7], [sflag:$0x1], $0x1, s18, s8, $0xb8;
	[tilespmem:$0x1700] =	vst v63  }
0x1ac: {  	_ = 	snop  }
0x1ad: {  	[spmem:s2] =	stream.indirect.scatter.add.f32 [tilespmem:s7], [sflag:$0x1], $0x1, s19, s8, $0xb8;
	[tilespmem:$0x1700] =	vst v63  }
0x1ae: {  	_ =	swait.ge [sflag:s6], $0x80  }
0x1af: {  	[sflag:s6] =	ssyncset.done $0x0  }
0x1b0: {  	[sflag:s6] =	ssyncadd.s32 $0xFFFFFF80  }
0x1b1: {  	_ =	swait.ge [sflag:s6], $0x80  }
0x1b2: {  	[sflag:s6] =	ssyncset.done $0x0  }
0x1b3: {  	[sflag:s6] =	ssyncadd.s32 $0xFFFFFF80  }
0x1b4: {  	_ =	swait.ge [sflag:s6], $0x80  }
0x1b5: {  	[sflag:s6] =	ssyncset.done $0x0  }
0x1b6: {  	[sflag:s6] =	ssyncadd.s32 $0xFFFFFF80  }
0x1b7: {  	_ =	swait.ge [sflag:s6], $0x80  }
0x1b8: {  	[sflag:s6] =	ssyncset.done $0x0  }
0x1b9: {  	[sflag:s6] =	ssyncadd.s32 $0xFFFFFF80  }
0x1ba: {  	_ =	swait.ge [sflag:s6], $0x80  }
0x1bb: {  	[sflag:s6] =	ssyncset.done $0x0  }
0x1bc: {  	[sflag:s6] =	ssyncadd.s32 $0xFFFFFF80  }
0x1bd: {  	_ =	swait.ge [sflag:s6], $0x80  }
0x1be: {  	[sflag:s6] =	ssyncset.done $0x0  }
0x1bf: {  	[sflag:s6] =	ssyncadd.s32 $0xFFFFFF80  }
0x1c0: {  	_ =	swait.ge [sflag:s6], $0x80  }
0x1c1: {  	[sflag:s6] =	ssyncset.done $0x0  }
0x1c2: {  	[sflag:s6] =	ssyncadd.s32 $0xFFFFFF80  }
0x1c3: {  	_ =	swait.ge [sflag:s6], $0x80  }
0x1c4: {  	[sflag:s6] =	ssyncset.done $0x0  }
0x1c5: {  	[sflag:s6] =	ssyncadd.s32 $0xFFFFFF80  }
0x1c6: {  	_ =	swait.ge [sflag:s6], $0x80  }
0x1c7: {  	[sflag:s6] =	ssyncset.done $0x0  }
0x1c8: {  	[sflag:s6] =	ssyncadd.s32 $0xFFFFFF80  }
0x1c9: {  	_ =	swait.ge [sflag:s6], $0x80  }
0x1ca: {  	[sflag:s6] =	ssyncset.done $0x0  }
0x1cb: {  	p1 =	sne.s32 s0, $0x1;
	[sflag:s6] =	ssyncadd.s32 $0xFFFFFF80  }
.Ltmp2:
0x1cc: {  	[bflag:$0x0] =	sbarrier.arrive $0xFFFF;
	(pc) =	sbr.rel @p1 .LBB2_4-.Ltmp2, $4  }
0x1cd: {  	s9 =	rddreg [dreg:$0x7]  }
0x1ce: {  	[hbm:s9], [sflag:s3] =	dma.local [spmem:s4], $0x50  }
0x1cf: {  	_ =	swait.ge [sflag:s5], $0x50  }
0x1d0: {  	s0 =	sadd.s32 $0xFFFFFFFF, s0;
	s1 =	rddreg [dreg:$0x5];
	[sflag:s5] =	ssyncset.done $0x0  }
0x1d1: {  	s19 =	simm.s32 $0x980;
	s31 =	simm.s32 $0xE80;
	s29 =	simm.s32 $0xE00  }
0x1d2: {  	s28 =	simm.s32 $0xD80;
	s26 =	simm.s32 $0xD00;
	s25 =	simm.s32 $0xC80  }
0x1d3: {  	s24 =	simm.s32 $0xC00;
	s23 =	simm.s32 $0xB80;
	s22 =	simm.s32 $0xB00  }
0x1d4: {  	s21 =	simm.s32 $0xA80;
	s20 =	simm.s32 $0xA00;
	s18 =	simm.s32 $0x1300  }
0x1d5: {  	s17 =	simm.s32 $0x1280;
	s16 =	simm.s32 $0x1200;
	s15 =	simm.s32 $0x1180  }
0x1d6: {  	s14 =	simm.s32 $0x1100;
	s13 =	simm.s32 $0x1080;
	s12 =	simm.s32 $0x1000  }
0x1d7: {  	s11 =	simm.s32 $0xF80;
	s10 =	simm.s32 $0xF00;
	s9 =	rddreg [dreg:$0x3]  }
.LBB2_6:
0x1d8: {  	[sflag:s5] =	ssyncadd.s32 @p0 $0xFFFFFFB0  }
0x1d9: {  	[spmem:s4], [sflag:s3] =	dma.local [hbm:s1], $0x50  }
0x1da: {  	_ =	swait.ge [sflag:s5], $0x50  }
0x1db: {  	[sflag:s5] =	ssyncset.done $0x0  }
0x1dc: {  	s0 =	rddreg [dreg:$0x4];
	[sflag:s5] =	ssyncadd.s32 $0xFFFFFFB0  }
0x1dd: {  	[tilespmem:s7], [sflag:$0x2] =	stream.linear.gather [hbm4b:s0+s30], $0x80, $0x38;
	[tilespmem:$0x1700] =	vst v63  }
0x1de: {  	_ =	swait.ge [sflag:s5], $0x80  }
0x1df: {  	[sflag:s5] =	ssyncset.done $0x0  }
0x1e0: {  	s1 =	rddreg [dreg:$0x6];
	[sflag:s5] =	ssyncadd.s32 $0xFFFFFF80  }
0x1e1: {  	[tilespmem:s30], [sflag:$0x2] =	stream.linear.gather [hbm4b:s1+s30], $0x1400, $0x38;
	[tilespmem:$0x1700] =	vst v63  }
0x1e2: {  	_ =	swait.ge [sflag:s5], $0x1400  }
0x1e3: {  	[sflag:s5] =	ssyncset.done $0x0  }
0x1e4: {  	[sflag:s5] =	ssyncadd.s32 $0xFFFFEC00  }
0x1e5: {  	[bflag:$0x0] =	sbarrier.arrive $0xFFFF  }
0x1e6: {  	[spmem:s2] =	stream.indirect.scatter.add.f32 [tilespmem:s7], [sflag:$0x1], $0x1, s30, s8, $0xb8;
	[tilespmem:$0x1700] =	vst v63  }
0x1e7: {  	_ = 	snop  }
0x1e8: {  	[spmem:s2] =	stream.indirect.scatter.add.f32 [tilespmem:s7], [sflag:$0x1], $0x1, s8, s8, $0xb8;
	[tilespmem:$0x1700] =	vst v63  }
0x1e9: {  	s1 =	rddreg [dreg:$0x8]  }
0x1ea: {  	[spmem:s2] =	stream.indirect.scatter.add.f32 [tilespmem:s7], [sflag:$0x1], $0x1, s1, s8, $0xb8;
	[tilespmem:$0x1700] =	vst v63  }
0x1eb: {  	s30 =	rddreg [dreg:$0x9]  }
0x1ec: {  	[spmem:s2] =	stream.indirect.scatter.add.f32 [tilespmem:s7], [sflag:$0x1], $0x1, s30, s8, $0xb8;
	[tilespmem:$0x1700] =	vst v63  }
0x1ed: {  	s0 =	rddreg [dreg:$0xa]  }
0x1ee: {  	[spmem:s2] =	stream.indirect.scatter.add.f32 [tilespmem:s7], [sflag:$0x1], $0x1, s0, s8, $0xb8;
	[tilespmem:$0x1700] =	vst v63  }
0x1ef: {  	s30 =	rddreg [dreg:$0xb]  }
0x1f0: {  	[spmem:s2] =	stream.indirect.scatter.add.f32 [tilespmem:s7], [sflag:$0x1], $0x1, s30, s8, $0xb8;
	[tilespmem:$0x1700] =	vst v63  }
0x1f1: {  	s0 =	rddreg [dreg:$0xc]  }
0x1f2: {  	[spmem:s2] =	stream.indirect.scatter.add.f32 [tilespmem:s7], [sflag:$0x1], $0x1, s0, s8, $0xb8;
	[tilespmem:$0x1700] =	vst v63  }
0x1f3: {  	s30 =	rddreg [dreg:$0xd]  }
0x1f4: {  	[spmem:s2] =	stream.indirect.scatter.add.f32 [tilespmem:s7], [sflag:$0x1], $0x1, s30, s8, $0xb8;
	[tilespmem:$0x1700] =	vst v63  }
0x1f5: {  	s0 =	rddreg [dreg:$0xe]  }
0x1f6: {  	[spmem:s2] =	stream.indirect.scatter.add.f32 [tilespmem:s7], [sflag:$0x1], $0x1, s0, s8, $0xb8;
	[tilespmem:$0x1700] =	vst v63  }
0x1f7: {  	s30 =	rddreg [dreg:$0xf]  }
0x1f8: {  	[spmem:s2] =	stream.indirect.scatter.add.f32 [tilespmem:s7], [sflag:$0x1], $0x1, s30, s8, $0xb8;
	[tilespmem:$0x1700] =	vst v63  }
0x1f9: {  	_ =	swait.ge [sflag:s6], $0x80  }
0x1fa: {  	[sflag:s6] =	ssyncset.done $0x0  }
0x1fb: {  	[sflag:s6] =	ssyncadd.s32 $0xFFFFFF80  }
0x1fc: {  	_ =	swait.ge [sflag:s6], $0x80  }
0x1fd: {  	[sflag:s6] =	ssyncset.done $0x0  }
0x1fe: {  	[sflag:s6] =	ssyncadd.s32 $0xFFFFFF80  }
0x1ff: {  	_ =	swait.ge [sflag:s6], $0x80  }
0x200: {  	[sflag:s6] =	ssyncset.done $0x0  }
0x201: {  	[sflag:s6] =	ssyncadd.s32 $0xFFFFFF80  }
0x202: {  	_ =	swait.ge [sflag:s6], $0x80  }
0x203: {  	[sflag:s6] =	ssyncset.done $0x0  }
0x204: {  	[sflag:s6] =	ssyncadd.s32 $0xFFFFFF80  }
0x205: {  	_ =	swait.ge [sflag:s6], $0x80  }
0x206: {  	[sflag:s6] =	ssyncset.done $0x0  }
0x207: {  	[sflag:s6] =	ssyncadd.s32 $0xFFFFFF80  }
0x208: {  	_ =	swait.ge [sflag:s6], $0x80  }
0x209: {  	[sflag:s6] =	ssyncset.done $0x0  }
0x20a: {  	[sflag:s6] =	ssyncadd.s32 $0xFFFFFF80  }
0x20b: {  	_ =	swait.ge [sflag:s6], $0x80  }
0x20c: {  	[sflag:s6] =	ssyncset.done $0x0  }
0x20d: {  	[sflag:s6] =	ssyncadd.s32 $0xFFFFFF80  }
0x20e: {  	_ =	swait.ge [sflag:s6], $0x80  }
0x20f: {  	[sflag:s6] =	ssyncset.done $0x0  }
0x210: {  	[sflag:s6] =	ssyncadd.s32 $0xFFFFFF80  }
0x211: {  	_ =	swait.ge [sflag:s6], $0x80  }
0x212: {  	[sflag:s6] =	ssyncset.done $0x0  }
0x213: {  	[sflag:s6] =	ssyncadd.s32 $0xFFFFFF80  }
0x214: {  	_ =	swait.ge [sflag:s6], $0x80  }
0x215: {  	[sflag:s6] =	ssyncset.done $0x0  }
0x216: {  	s30 =	rddreg [dreg:$0x10];
	[sflag:s6] =	ssyncadd.s32 $0xFFFFFF80  }
0x217: {  	[spmem:s2] =	stream.indirect.scatter.add.f32 [tilespmem:s7], [sflag:$0x1], $0x1, s30, s8, $0xb8;
	[tilespmem:$0x1700] =	vst v63  }
0x218: {  	s1 =	rddreg [dreg:$0x11]  }
0x219: {  	[spmem:s2] =	stream.indirect.scatter.add.f32 [tilespmem:s7], [sflag:$0x1], $0x1, s1, s8, $0xb8;
	[tilespmem:$0x1700] =	vst v63  }
0x21a: {  	s30 =	rddreg [dreg:$0x12]  }
0x21b: {  	[spmem:s2] =	stream.indirect.scatter.add.f32 [tilespmem:s7], [sflag:$0x1], $0x1, s30, s8, $0xb8;
	[tilespmem:$0x1700] =	vst v63  }
0x21c: {  	s1 =	rddreg [dreg:$0x13]  }
0x21d: {  	[spmem:s2] =	stream.indirect.scatter.add.f32 [tilespmem:s7], [sflag:$0x1], $0x1, s1, s8, $0xb8;
	[tilespmem:$0x1700] =	vst v63  }
0x21e: {  	s30 =	rddreg [dreg:$0x14]  }
0x21f: {  	[spmem:s2] =	stream.indirect.scatter.add.f32 [tilespmem:s7], [sflag:$0x1], $0x1, s30, s8, $0xb8;
	[tilespmem:$0x1700] =	vst v63  }
0x220: {  	s1 =	rddreg [dreg:$0x15]  }
0x221: {  	[spmem:s2] =	stream.indirect.scatter.add.f32 [tilespmem:s7], [sflag:$0x1], $0x1, s1, s8, $0xb8;
	[tilespmem:$0x1700] =	vst v63  }
0x222: {  	s30 =	rddreg [dreg:$0x16]  }
0x223: {  	[spmem:s2] =	stream.indirect.scatter.add.f32 [tilespmem:s7], [sflag:$0x1], $0x1, s30, s8, $0xb8;
	[tilespmem:$0x1700] =	vst v63  }
0x224: {  	s1 =	rddreg [dreg:$0x17]  }
0x225: {  	[spmem:s2] =	stream.indirect.scatter.add.f32 [tilespmem:s7], [sflag:$0x1], $0x1, s1, s8, $0xb8;
	[tilespmem:$0x1700] =	vst v63  }
0x226: {  	s30 =	rddreg [dreg:$0x18]  }
0x227: {  	[spmem:s2] =	stream.indirect.scatter.add.f32 [tilespmem:s7], [sflag:$0x1], $0x1, s30, s8, $0xb8;
	[tilespmem:$0x1700] =	vst v63  }
0x228: {  	_ = 	snop  }
0x229: {  	[spmem:s2] =	stream.indirect.scatter.add.f32 [tilespmem:s7], [sflag:$0x1], $0x1, s19, s8, $0xb8;
	[tilespmem:$0x1700] =	vst v63  }
0x22a: {  	_ =	swait.ge [sflag:s6], $0x80  }
0x22b: {  	[sflag:s6] =	ssyncset.done $0x0  }
0x22c: {  	[sflag:s6] =	ssyncadd.s32 $0xFFFFFF80  }
0x22d: {  	_ =	swait.ge [sflag:s6], $0x80  }
0x22e: {  	[sflag:s6] =	ssyncset.done $0x0  }
0x22f: {  	[sflag:s6] =	ssyncadd.s32 $0xFFFFFF80  }
0x230: {  	_ =	swait.ge [sflag:s6], $0x80  }
0x231: {  	[sflag:s6] =	ssyncset.done $0x0  }
0x232: {  	[sflag:s6] =	ssyncadd.s32 $0xFFFFFF80  }
0x233: {  	_ =	swait.ge [sflag:s6], $0x80  }
0x234: {  	[sflag:s6] =	ssyncset.done $0x0  }
0x235: {  	[sflag:s6] =	ssyncadd.s32 $0xFFFFFF80  }
0x236: {  	_ =	swait.ge [sflag:s6], $0x80  }
0x237: {  	[sflag:s6] =	ssyncset.done $0x0  }
0x238: {  	[sflag:s6] =	ssyncadd.s32 $0xFFFFFF80  }
0x239: {  	_ =	swait.ge [sflag:s6], $0x80  }
0x23a: {  	[sflag:s6] =	ssyncset.done $0x0  }
0x23b: {  	[sflag:s6] =	ssyncadd.s32 $0xFFFFFF80  }
0x23c: {  	_ =	swait.ge [sflag:s6], $0x80  }
0x23d: {  	[sflag:s6] =	ssyncset.done $0x0  }
0x23e: {  	[sflag:s6] =	ssyncadd.s32 $0xFFFFFF80  }
0x23f: {  	_ =	swait.ge [sflag:s6], $0x80  }
0x240: {  	[sflag:s6] =	ssyncset.done $0x0  }
0x241: {  	[sflag:s6] =	ssyncadd.s32 $0xFFFFFF80  }
0x242: {  	_ =	swait.ge [sflag:s6], $0x80  }
0x243: {  	[sflag:s6] =	ssyncset.done $0x0  }
0x244: {  	[sflag:s6] =	ssyncadd.s32 $0xFFFFFF80  }
0x245: {  	_ =	swait.ge [sflag:s6], $0x80  }
0x246: {  	[sflag:s6] =	ssyncset.done $0x0  }
0x247: {  	[sflag:s6] =	ssyncadd.s32 $0xFFFFFF80  }
0x248: {  	[spmem:s2] =	stream.indirect.scatter.add.f32 [tilespmem:s7], [sflag:$0x1], $0x1, s20, s8, $0xb8;
	[tilespmem:$0x1700] =	vst v63  }
0x249: {  	_ = 	snop  }
0x24a: {  	[spmem:s2] =	stream.indirect.scatter.add.f32 [tilespmem:s7], [sflag:$0x1], $0x1, s21, s8, $0xb8;
	[tilespmem:$0x1700] =	vst v63  }
0x24b: {  	_ = 	snop  }
0x24c: {  	[spmem:s2] =	stream.indirect.scatter.add.f32 [tilespmem:s7], [sflag:$0x1], $0x1, s22, s8, $0xb8;
	[tilespmem:$0x1700] =	vst v63  }
0x24d: {  	_ = 	snop  }
0x24e: {  	[spmem:s2] =	stream.indirect.scatter.add.f32 [tilespmem:s7], [sflag:$0x1], $0x1, s23, s8, $0xb8;
	[tilespmem:$0x1700] =	vst v63  }
0x24f: {  	_ = 	snop  }
0x250: {  	[spmem:s2] =	stream.indirect.scatter.add.f32 [tilespmem:s7], [sflag:$0x1], $0x1, s24, s8, $0xb8;
	[tilespmem:$0x1700] =	vst v63  }
0x251: {  	_ = 	snop  }
0x252: {  	[spmem:s2] =	stream.indirect.scatter.add.f32 [tilespmem:s7], [sflag:$0x1], $0x1, s25, s8, $0xb8;
	[tilespmem:$0x1700] =	vst v63  }
0x253: {  	_ = 	snop  }
0x254: {  	[spmem:s2] =	stream.indirect.scatter.add.f32 [tilespmem:s7], [sflag:$0x1], $0x1, s26, s8, $0xb8;
	[tilespmem:$0x1700] =	vst v63  }
0x255: {  	_ = 	snop  }
0x256: {  	[spmem:s2] =	stream.indirect.scatter.add.f32 [tilespmem:s7], [sflag:$0x1], $0x1, s28, s8, $0xb8;
	[tilespmem:$0x1700] =	vst v63  }
0x257: {  	_ = 	snop  }
0x258: {  	[spmem:s2] =	stream.indirect.scatter.add.f32 [tilespmem:s7], [sflag:$0x1], $0x1, s29, s8, $0xb8;
	[tilespmem:$0x1700] =	vst v63  }
0x259: {  	_ = 	snop  }
0x25a: {  	[spmem:s2] =	stream.indirect.scatter.add.f32 [tilespmem:s7], [sflag:$0x1], $0x1, s31, s8, $0xb8;
	[tilespmem:$0x1700] =	vst v63  }
0x25b: {  	_ =	swait.ge [sflag:s6], $0x80  }
0x25c: {  	[sflag:s6] =	ssyncset.done $0x0  }
0x25d: {  	[sflag:s6] =	ssyncadd.s32 $0xFFFFFF80  }
0x25e: {  	_ =	swait.ge [sflag:s6], $0x80  }
0x25f: {  	[sflag:s6] =	ssyncset.done $0x0  }
0x260: {  	[sflag:s6] =	ssyncadd.s32 $0xFFFFFF80  }
0x261: {  	_ =	swait.ge [sflag:s6], $0x80  }
0x262: {  	[sflag:s6] =	ssyncset.done $0x0  }
0x263: {  	[sflag:s6] =	ssyncadd.s32 $0xFFFFFF80  }
0x264: {  	_ =	swait.ge [sflag:s6], $0x80  }
0x265: {  	[sflag:s6] =	ssyncset.done $0x0  }
0x266: {  	[sflag:s6] =	ssyncadd.s32 $0xFFFFFF80  }
0x267: {  	_ =	swait.ge [sflag:s6], $0x80  }
0x268: {  	[sflag:s6] =	ssyncset.done $0x0  }
0x269: {  	[sflag:s6] =	ssyncadd.s32 $0xFFFFFF80  }
0x26a: {  	_ =	swait.ge [sflag:s6], $0x80  }
0x26b: {  	[sflag:s6] =	ssyncset.done $0x0  }
0x26c: {  	[sflag:s6] =	ssyncadd.s32 $0xFFFFFF80  }
0x26d: {  	_ =	swait.ge [sflag:s6], $0x80  }
0x26e: {  	[sflag:s6] =	ssyncset.done $0x0  }
0x26f: {  	[sflag:s6] =	ssyncadd.s32 $0xFFFFFF80  }
0x270: {  	_ =	swait.ge [sflag:s6], $0x80  }
0x271: {  	[sflag:s6] =	ssyncset.done $0x0  }
0x272: {  	[sflag:s6] =	ssyncadd.s32 $0xFFFFFF80  }
0x273: {  	_ =	swait.ge [sflag:s6], $0x80  }
0x274: {  	[sflag:s6] =	ssyncset.done $0x0  }
0x275: {  	[sflag:s6] =	ssyncadd.s32 $0xFFFFFF80  }
0x276: {  	_ =	swait.ge [sflag:s6], $0x80  }
0x277: {  	[sflag:s6] =	ssyncset.done $0x0  }
0x278: {  	[sflag:s6] =	ssyncadd.s32 $0xFFFFFF80  }
0x279: {  	[spmem:s2] =	stream.indirect.scatter.add.f32 [tilespmem:s7], [sflag:$0x1], $0x1, s10, s8, $0xb8;
	[tilespmem:$0x1700] =	vst v63  }
0x27a: {  	_ = 	snop  }
0x27b: {  	[spmem:s2] =	stream.indirect.scatter.add.f32 [tilespmem:s7], [sflag:$0x1], $0x1, s11, s8, $0xb8;
	[tilespmem:$0x1700] =	vst v63  }
0x27c: {  	_ = 	snop  }
0x27d: {  	[spmem:s2] =	stream.indirect.scatter.add.f32 [tilespmem:s7], [sflag:$0x1], $0x1, s12, s8, $0xb8;
	[tilespmem:$0x1700] =	vst v63  }
0x27e: {  	_ = 	snop  }
0x27f: {  	[spmem:s2] =	stream.indirect.scatter.add.f32 [tilespmem:s7], [sflag:$0x1], $0x1, s13, s8, $0xb8;
	[tilespmem:$0x1700] =	vst v63  }
0x280: {  	_ = 	snop  }
0x281: {  	[spmem:s2] =	stream.indirect.scatter.add.f32 [tilespmem:s7], [sflag:$0x1], $0x1, s14, s8, $0xb8;
	[tilespmem:$0x1700] =	vst v63  }
0x282: {  	_ = 	snop  }
0x283: {  	[spmem:s2] =	stream.indirect.scatter.add.f32 [tilespmem:s7], [sflag:$0x1], $0x1, s15, s8, $0xb8;
	[tilespmem:$0x1700] =	vst v63  }
0x284: {  	_ = 	snop  }
0x285: {  	[spmem:s2] =	stream.indirect.scatter.add.f32 [tilespmem:s7], [sflag:$0x1], $0x1, s16, s8, $0xb8;
	[tilespmem:$0x1700] =	vst v63  }
0x286: {  	_ = 	snop  }
0x287: {  	[spmem:s2] =	stream.indirect.scatter.add.f32 [tilespmem:s7], [sflag:$0x1], $0x1, s17, s8, $0xb8;
	[tilespmem:$0x1700] =	vst v63  }
0x288: {  	_ = 	snop  }
0x289: {  	[spmem:s2] =	stream.indirect.scatter.add.f32 [tilespmem:s7], [sflag:$0x1], $0x1, s18, s8, $0xb8;
	[tilespmem:$0x1700] =	vst v63  }
0x28a: {  	s29 =	simm.s32 $0x1380  }
0x28b: {  	[spmem:s2] =	stream.indirect.scatter.add.f32 [tilespmem:s7], [sflag:$0x1], $0x1, s29, s8, $0xb8;
	[tilespmem:$0x1700] =	vst v63  }
0x28c: {  	_ =	swait.ge [sflag:s6], $0x80  }
0x28d: {  	[sflag:s6] =	ssyncset.done $0x0  }
0x28e: {  	[sflag:s6] =	ssyncadd.s32 $0xFFFFFF80  }
0x28f: {  	_ =	swait.ge [sflag:s6], $0x80  }
0x290: {  	[sflag:s6] =	ssyncset.done $0x0  }
0x291: {  	[sflag:s6] =	ssyncadd.s32 $0xFFFFFF80  }
0x292: {  	_ =	swait.ge [sflag:s6], $0x80  }
0x293: {  	[sflag:s6] =	ssyncset.done $0x0  }
0x294: {  	[sflag:s6] =	ssyncadd.s32 $0xFFFFFF80  }
0x295: {  	_ =	swait.ge [sflag:s6], $0x80  }
0x296: {  	[sflag:s6] =	ssyncset.done $0x0  }
0x297: {  	[sflag:s6] =	ssyncadd.s32 $0xFFFFFF80  }
0x298: {  	_ =	swait.ge [sflag:s6], $0x80  }
0x299: {  	[sflag:s6] =	ssyncset.done $0x0  }
0x29a: {  	[sflag:s6] =	ssyncadd.s32 $0xFFFFFF80  }
0x29b: {  	_ =	swait.ge [sflag:s6], $0x80  }
0x29c: {  	[sflag:s6] =	ssyncset.done $0x0  }
0x29d: {  	[sflag:s6] =	ssyncadd.s32 $0xFFFFFF80  }
0x29e: {  	_ =	swait.ge [sflag:s6], $0x80  }
0x29f: {  	[sflag:s6] =	ssyncset.done $0x0  }
0x2a0: {  	[sflag:s6] =	ssyncadd.s32 $0xFFFFFF80  }
0x2a1: {  	_ =	swait.ge [sflag:s6], $0x80  }
0x2a2: {  	[sflag:s6] =	ssyncset.done $0x0  }
0x2a3: {  	[sflag:s6] =	ssyncadd.s32 $0xFFFFFF80  }
0x2a4: {  	_ =	swait.ge [sflag:s6], $0x80  }
0x2a5: {  	[sflag:s6] =	ssyncset.done $0x0  }
0x2a6: {  	[sflag:s6] =	ssyncadd.s32 $0xFFFFFF80  }
0x2a7: {  	_ =	swait.ge [sflag:s6], $0x80  }
0x2a8: {  	[sflag:s6] =	ssyncset.done $0x0  }
0x2a9: {  	[sflag:s6] =	ssyncadd.s32 $0xFFFFFF80  }
0x2aa: {  	[bflag:$0x0] =	sbarrier.arrive $0xFFFF  }
0x2ab: {  	s30 =	rddreg [dreg:$0x7]  }
0x2ac: {  	[hbm:s30], [sflag:s3] =	dma.local [spmem:s4], $0x50  }
0x2ad: {  	_ =	swait.ge [sflag:s5], $0x50  }
0x2ae: {  	[sflag:s5] =	ssyncset.done $0x0  }
0x2af: {  	[sflag:s5] =	ssyncadd.s32 $0xFFFFFFB0  }
0x2b0: {  	_ =	sfence.sel $0x180000  }
0x2b1: {  	s31 =	stileid.u32;
	[bflag:$0x0] =	sbarrier.arrive $0xFFFF  }
0x2b2: {  	p0 =	sne.s32 s31, $0x0;
	_ =	strace $0x90000047  }
0x2b3: {  	s0 =	sadd.s32 @!p0 $0x100000, s9;
	[bflag:$0x2] =	sbarrier.arrive $0xFFFF  }
0x2b4: {  	[sflag:s0] =	ssyncadd.tile.s32 @!p0 $0x1;
	_ =	shalt  }
.LBB2_1:
0x2b5: {  	s19 =	simm.s32 $0x980;
	s31 =	simm.s32 $0xE80;
	s29 =	simm.s32 $0xE00  }
0x2b6: {  	s28 =	simm.s32 $0xD80;
	s26 =	simm.s32 $0xD00;
	s25 =	simm.s32 $0xC80  }
.Ltmp3:
0x2b7: {  	s24 =	simm.s32 $0xC00;
	s23 =	simm.s32 $0xB80;
	(pc) =	sbr.rel .LBB2_6-.Ltmp3, $4  }
0x2b8: {  	s22 =	simm.s32 $0xB00;
	s21 =	simm.s32 $0xA80;
	s20 =	simm.s32 $0xA00  }
0x2b9: {  	s18 =	simm.s32 $0x1300;
	s17 =	simm.s32 $0x1280;
	s16 =	simm.s32 $0x1200  }
0x2ba: {  	s15 =	simm.s32 $0x1180;
	s14 =	simm.s32 $0x1100;
	s13 =	simm.s32 $0x1080  }
0x2bb: {  	s12 =	simm.s32 $0x1000;
	s11 =	simm.s32 $0xF80;
	s10 =	simm.s32 $0xF00  }
.LBB2_3:
0x2bc: {  	s19 =	simm.s32 $0x980  }
0x2bd: {  	s31 =	simm.s32 $0xE80;
	s29 =	simm.s32 $0xE00;
	s28 =	simm.s32 $0xD80  }
0x2be: {  	s26 =	simm.s32 $0xD00;
	s25 =	simm.s32 $0xC80;
	s24 =	simm.s32 $0xC00  }
.Ltmp4:
0x2bf: {  	s23 =	simm.s32 $0xB80;
	s22 =	simm.s32 $0xB00;
	(pc) =	sbr.rel .LBB2_6-.Ltmp4, $4  }
0x2c0: {  	s21 =	simm.s32 $0xA80;
	s20 =	simm.s32 $0xA00;
	s18 =	simm.s32 $0x1300  }
0x2c1: {  	s17 =	simm.s32 $0x1280;
	s16 =	simm.s32 $0x1200;
	s15 =	simm.s32 $0x1180  }
0x2c2: {  	s14 =	simm.s32 $0x1100;
	s13 =	simm.s32 $0x1080;
	s12 =	simm.s32 $0x1000  }
0x2c3: {  	s11 =	simm.s32 $0xF80;
	s10 =	simm.s32 $0xF00;
	s9 =	rddreg [dreg:$0x3]  }
.Lfunc_end2:
_tile_overlayer_lowered:
.L_overlay_start_2:
0x2c4: {  	(tag) =	ssettag $0x2  }
0x2c5: {  	s0 =	rddreg [dreg:$0x0];
	s2 =	stileid.u32  }
0x2c6: {  	s1 =	rddreg [dreg:$0x1];
	p0 =	sne.s32 s2, $0x0  }
0x2c7: {  	s3 =	rddreg [dreg:$0x2];
	[bflag:$0x3] =	sbarrier.arrive $0xFFFF;
	s2 =	simm.s32 @!p0 $0x1C02  }
0x2c8: {  	[timem:s3], [sflag:s2] =	dma.local @!p0 [hbm:s0], s1  }
0x2c9: {  	s0 =	simm.s32 @!p0 $0x2  }
0x2ca: {  	_ =	swait.ge @!p0 [sflag:s0], s1  }
0x2cb: {  	s1 =	ssub.s32 @!p0 $0x0, s1;
	[sflag:s0] =	ssyncset.done @!p0 $0x0  }
0x2cc: {  	[sflag:s0] =	ssyncadd.s32 @!p0 s1  }
0x2cd: {  	[bflag:$0x3] =	sbarrier.arrive $0xFFFF  }
0x2ce: {  	_ =	shalt  }

</sc_bundles>
